<compile_context>
chip_gen: v7x
topology: tpu7x:2x2x1
jax: 0.10.2.dev20260603
libtpu: 0.0.44.dev20260713+nightly
codegen_flags: <defaults>
</compile_context>

<pallas_src>
import jax
import jax.numpy as jnp
from jax import lax
from jax.experimental import pallas as pl
from jax.experimental.pallas import tpu as pltpu
from jax.experimental.pallas import tpu_sc as plsc

N_NODES = 50000
N_INC = 800000
HIDDEN = 128

NB = 50176
SLICE = NB // 16
N_WORKERS = 16
N_BLK = 5
BLKN = 10000


def _zero_vmem(buf, n):
    z = jnp.zeros((16,), jnp.float32)

    @pl.loop(0, n // 16)
    def _(i):
        buf[pl.ds(i * 16, 16)] = z


def _sc_body(x_hbm, ni_hbm, ei_hbm, cp_hbm, cn_hbm, b2_hbm, out_hbm,
             nib0, nib1, eib0, eib1, vals0, vals1, ones, sbufA, sbufB,
             cpb, cnb, b2v,
             degn, dege, tabA, tabB, accN, accE, sem0, sem1):
    cid = lax.axis_index("c")
    sid = lax.axis_index("s")
    active = cid == 0
    sl = pl.ds(sid * SLICE, SLICE)
    nibs = (nib0, nib1)
    eibs = (eib0, eib1)
    valss = (vals0, vals1)
    sems = (sem0, sem1)

    pltpu.sync_copy(cp_hbm, cpb)
    pltpu.sync_copy(cn_hbm, cnb)
    pltpu.sync_copy(b2_hbm, b2v)

    one = jnp.ones((16,), jnp.float32)

    @pl.loop(0, BLKN // 16)
    def _(i):
        ones[pl.ds(i * 16, 16)] = one

    _zero_vmem(sbufA, SLICE)
    pltpu.sync_copy(sbufA, degn.at[sl])
    pltpu.sync_copy(sbufA, dege.at[sl])
    pltpu.sync_copy(sbufA, accN.at[sl])
    pltpu.sync_copy(sbufA, accE.at[sl])
    pltpu.sync_copy(x_hbm.at[sl], sbufB)
    pltpu.sync_copy(sbufB, tabA.at[sl])
    plsc.subcore_barrier()

    def _gather_scatter(src_tab, gidx_hbm, acc, sidx_hbm, with_deg):
        base = sid * (N_BLK * BLKN)
        pltpu.sync_copy(gidx_hbm.at[pl.ds(base, BLKN)], nibs[0])
        pltpu.sync_copy(sidx_hbm.at[pl.ds(base, BLKN)], eibs[0])
        pltpu.async_copy(src_tab.at[nibs[0]], valss[0], sems[0])
        for j in range(N_BLK):
            b = j % 2
            nb = (j + 1) % 2
            if j + 1 < N_BLK:
                pltpu.sync_copy(gidx_hbm.at[pl.ds(base + (j + 1) * BLKN, BLKN)], nibs[nb])
                pltpu.sync_copy(sidx_hbm.at[pl.ds(base + (j + 1) * BLKN, BLKN)], eibs[nb])
                pltpu.async_copy(src_tab.at[nibs[nb]], valss[nb], sems[nb])
            if with_deg:
                pltpu.sync_copy(ones, dege.at[eibs[b]], add=True)
                pltpu.sync_copy(ones, degn.at[nibs[b]], add=True)
            pltpu.make_async_copy(src_tab.at[nibs[b]], valss[b], sems[b]).wait()
            pltpu.sync_copy(valss[b], acc.at[eibs[b]], add=True)

    @pl.when(active)
    def _():
        _gather_scatter(tabA, ni_hbm, accE, ei_hbm, True)

    plsc.subcore_barrier()

    def _scaled_table(acc, deg, dst):
        pltpu.sync_copy(acc.at[sl], sbufA)
        pltpu.sync_copy(deg.at[sl], sbufB)

        @pl.loop(0, SLICE // 16)
        def _(i):
            ds = pl.ds(i * 16, 16)
            s = sbufA[ds]
            d = sbufB[ds]
            sbufA[ds] = jnp.where(d == 0.0, 0.0, s / d)

        pltpu.sync_copy(sbufA, dst.at[sl])

    _scaled_table(accE, dege, tabB)
    plsc.subcore_barrier()

    @pl.when(active)
    def _():
        _gather_scatter(tabB, ei_hbm, accN, ni_hbm, False)

    plsc.subcore_barrier()

    c_pos = cpb[pl.ds(0, 16)]
    c_neg = cnb[pl.ds(0, 16)]

    pltpu.sync_copy(accN.at[sl], sbufA)
    pltpu.sync_copy(degn.at[sl], sbufB)

    @pl.loop(0, SLICE // 16)
    def _(i):
        ds = pl.ds(i * 16, 16)
        s = sbufA[ds]
        d = sbufB[ds]
        u = jnp.where(d == 0.0, 0.0, s / d)
        sbufA[ds] = c_pos * jnp.maximum(u, 0.0) + c_neg * jnp.maximum(-u, 0.0)

    pltpu.sync_copy(sbufA, tabA.at[sl])
    _zero_vmem(sbufB, SLICE)
    pltpu.sync_copy(sbufB, accE.at[sl])
    plsc.subcore_barrier()

    @pl.when(active)
    def _():
        _gather_scatter(tabA, ni_hbm, accE, ei_hbm, False)

    plsc.subcore_barrier()

    _scaled_table(accE, dege, tabB)
    _zero_vmem(sbufB, SLICE)
    pltpu.sync_copy(sbufB, accN.at[sl])
    plsc.subcore_barrier()

    @pl.when(active)
    def _():
        _gather_scatter(tabB, ei_hbm, accN, ni_hbm, False)

    plsc.subcore_barrier()

    @pl.when(active)
    def _():
        pltpu.sync_copy(accN.at[sl], sbufA)
        pltpu.sync_copy(degn.at[sl], sbufB)
        b2 = b2v[pl.ds(0, 16)]

        @pl.loop(0, SLICE // 16)
        def _(i):
            ds = pl.ds(i * 16, 16)
            s = sbufA[ds]
            d = sbufB[ds]
            sbufA[ds] = jnp.where(d == 0.0, 0.0, s / d) + b2

        pltpu.sync_copy(sbufA, out_hbm.at[sl])


@jax.jit
def _run(x_pad, ni, ei, cpvec, cnvec, b2vec):
    mesh = plsc.VectorSubcoreMesh(core_axis_name="c", subcore_axis_name="s")
    f = pl.kernel(
        _sc_body,
        out_type=jax.ShapeDtypeStruct((NB,), jnp.float32),
        mesh=mesh,
        scratch_types=[
            pltpu.VMEM((BLKN,), jnp.int32),
            pltpu.VMEM((BLKN,), jnp.int32),
            pltpu.VMEM((BLKN,), jnp.int32),
            pltpu.VMEM((BLKN,), jnp.int32),
            pltpu.VMEM((BLKN,), jnp.float32),
            pltpu.VMEM((BLKN,), jnp.float32),
            pltpu.VMEM((BLKN,), jnp.float32),
            pltpu.VMEM((SLICE,), jnp.float32),
            pltpu.VMEM((SLICE,), jnp.float32),
            pltpu.VMEM((16,), jnp.float32),
            pltpu.VMEM((16,), jnp.float32),
            pltpu.VMEM((16,), jnp.float32),
            pltpu.VMEM_SHARED((NB,), jnp.float32),
            pltpu.VMEM_SHARED((NB,), jnp.float32),
            pltpu.VMEM_SHARED((NB,), jnp.float32),
            pltpu.VMEM_SHARED((NB,), jnp.float32),
            pltpu.VMEM_SHARED((NB,), jnp.float32),
            pltpu.VMEM_SHARED((NB,), jnp.float32),
            pltpu.SemaphoreType.DMA,
            pltpu.SemaphoreType.DMA,
        ],
    )
    return f(x_pad, ni, ei, cpvec, cnvec, b2vec)


def kernel(x, hyperedge_index, W1, b1, W2, b2):
    x_pad = jnp.pad(x[:, 0], (0, NB - N_NODES))
    ni = hyperedge_index[0]
    ei = hyperedge_index[1]
    w1 = W1.reshape(HIDDEN)
    w2 = W2.reshape(HIDDEN)
    c_pos = jnp.sum(jnp.maximum(w1, 0.0) * w2)
    c_neg = jnp.sum(jnp.maximum(-w1, 0.0) * w2)
    cpvec = jnp.full((16,), c_pos, jnp.float32)
    cnvec = jnp.full((16,), c_neg, jnp.float32)
    b2vec = jnp.full((16,), b2[0], jnp.float32)
    out = _run(x_pad, ni, ei, cpvec, cnvec, b2vec)
    return out[:N_NODES].reshape(N_NODES, 1)

# --- scband reference (transcript-rebuilt; emitter-appended) ---
"""Pipeline reference for scband-hypergraph-net-53618371723568 (READ-ONLY COPY).

The authoritative reference and input builder live on the scoring server;
editing this copy changes nothing except your own understanding.
"""

import jax, jax.numpy as jnp
import numpy as np

N_NODES = 50000
N_INCIDENCES = 800000
N_HYPEREDGES = 50000
HIDDEN = 128


def _hypergraph_conv(x, hyperedge_index, W, b, num_nodes, num_edges):
    # x: [N, in], W: [in, out], b: [out]
    x = x @ W
    node_idx = hyperedge_index[0]
    edge_idx = hyperedge_index[1]
    hyperedge_weight = jnp.ones((num_edges,), dtype=x.dtype)
    # D: node degree weighted by hyperedge weight
    D = jax.ops.segment_sum(hyperedge_weight[edge_idx], node_idx, num_segments=num_nodes)
    D = jnp.where(D == 0, 0.0, 1.0 / D)
    # B: hyperedge degree
    B = jax.ops.segment_sum(jnp.ones((edge_idx.shape[0],), dtype=x.dtype), edge_idx, num_segments=num_edges)
    B = jnp.where(B == 0, 0.0, 1.0 / B)
    # node -> hyperedge aggregation (message = B_i * x_j, scatter-add by hyperedge)
    out = jax.ops.segment_sum(B[edge_idx][:, None] * x[node_idx], edge_idx, num_segments=num_edges)
    # hyperedge -> node aggregation (message = D_i * e_j, scatter-add by node)
    out = jax.ops.segment_sum(D[node_idx][:, None] * out[edge_idx], node_idx, num_segments=num_nodes)
    return out + b


def setup_inputs(seed: int = 0):
    key = jax.random.key(seed)
    k1, k2, k3, k4 = jax.random.split(key, 4)
    x = jax.random.normal(k1, (N_NODES, 1), dtype=jnp.float32)
    hyperedge_index = jax.random.randint(k2, (2, N_INCIDENCES), 0, N_HYPEREDGES, dtype=jnp.int32)
    W1 = jax.random.normal(k3, (1, HIDDEN), dtype=jnp.float32) * (1.0 / np.sqrt(1.0))
    b1 = jnp.zeros((HIDDEN,), dtype=jnp.float32)
    W2 = jax.random.normal(k4, (HIDDEN, 1), dtype=jnp.float32) * (1.0 / np.sqrt(HIDDEN))
    b2 = jnp.zeros((1,), dtype=jnp.float32)
    return {"x": x, "hyperedge_index": hyperedge_index, "W1": W1, "b1": b1, "W2": W2, "b2": b2}


def reference(x, hyperedge_index, W1, b1, W2, b2):
    h = _hypergraph_conv(x, hyperedge_index, W1, b1, N_NODES, N_HYPEREDGES)
    h = jax.nn.relu(h)
    out = _hypergraph_conv(h, hyperedge_index, W2, b2, N_NODES, N_HYPEREDGES)
    return out

if __name__ == "__main__":
    import jax
    _d = setup_inputs()
    print(jax.jit(kernel)(*tuple(_d.values())))

</pallas_src>

<mosaic_0001>
#map = affine_map<(d0, d1) -> (0)>
module attributes {stable_mosaic.version = 14 : i64} {
  func.func @_sc_body(%arg0: i32, %arg1: i32, %arg2: memref<50176xf32, #tpu.memory_space<hbm>>, %arg3: memref<800000xi32, #tpu.memory_space<hbm>>, %arg4: memref<800000xi32, #tpu.memory_space<hbm>>, %arg5: memref<16xf32, #tpu.memory_space<hbm>>, %arg6: memref<16xf32, #tpu.memory_space<hbm>>, %arg7: memref<16xf32, #tpu.memory_space<hbm>>, %arg8: memref<50176xf32, #tpu.memory_space<hbm>>, %arg9: memref<10000xi32, #tpu.memory_space<vmem>>, %arg10: memref<10000xi32, #tpu.memory_space<vmem>>, %arg11: memref<10000xi32, #tpu.memory_space<vmem>>, %arg12: memref<10000xi32, #tpu.memory_space<vmem>>, %arg13: memref<10000xf32, #tpu.memory_space<vmem>>, %arg14: memref<10000xf32, #tpu.memory_space<vmem>>, %arg15: memref<10000xf32, #tpu.memory_space<vmem>>, %arg16: memref<3136xf32, #tpu.memory_space<vmem>>, %arg17: memref<3136xf32, #tpu.memory_space<vmem>>, %arg18: memref<16xf32, #tpu.memory_space<vmem>>, %arg19: memref<16xf32, #tpu.memory_space<vmem>>, %arg20: memref<16xf32, #tpu.memory_space<vmem>>, %arg21: memref<50176xf32, #tpu.memory_space<vmem_shared>>, %arg22: memref<50176xf32, #tpu.memory_space<vmem_shared>>, %arg23: memref<50176xf32, #tpu.memory_space<vmem_shared>>, %arg24: memref<50176xf32, #tpu.memory_space<vmem_shared>>, %arg25: memref<50176xf32, #tpu.memory_space<vmem_shared>>, %arg26: memref<50176xf32, #tpu.memory_space<vmem_shared>>, %arg27: memref<!tpu.dma_semaphore, #tpu.memory_space<semaphore_mem>>, %arg28: memref<!tpu.dma_semaphore, #tpu.memory_space<semaphore_mem>>) attributes {dimension_semantics = [#tpu.dimension_semantics<core_parallel>, #tpu.dimension_semantics<subcore_parallel>], iteration_bounds = array<i64: 2, 16>, scalar_prefetch = 0 : i64, scratch_operands = 20 : i64, tpu.core_type = #tpu.core_type<sc_vector_subcore>, window_params = [{transform_indices = #map}, {transform_indices = #map}, {transform_indices = #map}, {transform_indices = #map}, {transform_indices = #map}, {transform_indices = #map}, {transform_indices = #map}]} {
    %eq3A = arith.constant 0 : i32
    %eq3A_0 = arith.cmpi eq, %arg0, %eq3A : i32
    %mul3A = arith.constant 3136 : i32
    %mul3A_1 = arith.muli %arg1, %mul3A : i32
    "tpu.region"() ({
      %run_scoped3A = tpu.sem_alloc : memref<!tpu.dma_semaphore, #tpu.memory_space<semaphore_mem>>
      tpu.enqueue_dma source(%arg5 : memref<16xf32, #tpu.memory_space<hbm>>) target(%arg18 : memref<16xf32, #tpu.memory_space<vmem>>) target_semaphore(%run_scoped3A : memref<!tpu.dma_semaphore, #tpu.memory_space<semaphore_mem>>)
      tpu.wait_dma2 semaphore(%run_scoped3A : memref<!tpu.dma_semaphore, #tpu.memory_space<semaphore_mem>>) src(%arg5 : memref<16xf32, #tpu.memory_space<hbm>>) dst(%arg18 : memref<16xf32, #tpu.memory_space<vmem>>)
      tpu.yield
    }) : () -> ()
    "tpu.region"() ({
      %run_scoped3A = tpu.sem_alloc : memref<!tpu.dma_semaphore, #tpu.memory_space<semaphore_mem>>
      tpu.enqueue_dma source(%arg6 : memref<16xf32, #tpu.memory_space<hbm>>) target(%arg19 : memref<16xf32, #tpu.memory_space<vmem>>) target_semaphore(%run_scoped3A : memref<!tpu.dma_semaphore, #tpu.memory_space<semaphore_mem>>)
      tpu.wait_dma2 semaphore(%run_scoped3A : memref<!tpu.dma_semaphore, #tpu.memory_space<semaphore_mem>>) src(%arg6 : memref<16xf32, #tpu.memory_space<hbm>>) dst(%arg19 : memref<16xf32, #tpu.memory_space<vmem>>)
      tpu.yield
    }) : () -> ()
    "tpu.region"() ({
      %run_scoped3A = tpu.sem_alloc : memref<!tpu.dma_semaphore, #tpu.memory_space<semaphore_mem>>
      tpu.enqueue_dma source(%arg7 : memref<16xf32, #tpu.memory_space<hbm>>) target(%arg20 : memref<16xf32, #tpu.memory_space<vmem>>) target_semaphore(%run_scoped3A : memref<!tpu.dma_semaphore, #tpu.memory_space<semaphore_mem>>)
      tpu.wait_dma2 semaphore(%run_scoped3A : memref<!tpu.dma_semaphore, #tpu.memory_space<semaphore_mem>>) src(%arg7 : memref<16xf32, #tpu.memory_space<hbm>>) dst(%arg20 : memref<16xf32, #tpu.memory_space<vmem>>)
      tpu.yield
    }) : () -> ()
    %broadcast_in_dim3A = arith.constant 1.000000e+00 : f32
    %broadcast_in_dim3A_2 = vector.broadcast %broadcast_in_dim3A : f32 to vector<16xf32>
    %scan3A = arith.constant 0 : i32
    %scan3A_3 = arith.constant 625 : i32
    %scan3A_4 = arith.addi %scan3A, %scan3A_3 : i32
    %scan3A_5 = arith.constant 1 : i32
    scf.for %scan3A_68 = %scan3A to %scan3A_4 step %scan3A_5  : i32 {
      %mul3A_69 = arith.constant 1 : i32
      %mul3A_70 = arith.muli %scan3A_68, %mul3A_69 : i32
      %add3A = arith.constant 0 : i32
      %add3A_71 = arith.addi %add3A, %mul3A_70 : i32
      %mul3A_72 = arith.constant 16 : i32
      %mul3A_73 = arith.muli %add3A_71, %mul3A_72 : i32
      %swap3A = arith.index_cast %mul3A_73 : i32 to index
      %swap3A_74 = tpu.vector_load %arg15[%swap3A] {strides = array<i32>} : memref<10000xf32, #tpu.memory_space<vmem>>, vector<16xf32>,
      %swap3A_75 = vector.shape_cast %swap3A_74 : vector<16xf32> to vector<16xf32>
      %swap3A_76 = vector.shape_cast %broadcast_in_dim3A_2 : vector<16xf32> to vector<16xf32>
      tpu.vector_store %arg15[%swap3A], %swap3A_76 {strides = array<i32>} : memref<10000xf32, #tpu.memory_space<vmem>>, vector<16xf32>,
    }
    %scan3A_6 = arith.constant 625 : i32
    %broadcast_in_dim3A_7 = arith.constant 0.000000e+00 : f32
    %broadcast_in_dim3A_8 = vector.broadcast %broadcast_in_dim3A_7 : f32 to vector<16xf32>
    %scan3A_9 = arith.constant 0 : i32
    %scan3A_10 = arith.constant 196 : i32
    %scan3A_11 = arith.addi %scan3A_9, %scan3A_10 : i32
    %scan3A_12 = arith.constant 1 : i32
    scf.for %scan3A_68 = %scan3A_9 to %scan3A_11 step %scan3A_12  : i32 {
      %mul3A_69 = arith.constant 1 : i32
      %mul3A_70 = arith.muli %scan3A_68, %mul3A_69 : i32
      %add3A = arith.constant 0 : i32
      %add3A_71 = arith.addi %add3A, %mul3A_70 : i32
      %mul3A_72 = arith.constant 16 : i32
      %mul3A_73 = arith.muli %add3A_71, %mul3A_72 : i32
      %swap3A = arith.index_cast %mul3A_73 : i32 to index
      %swap3A_74 = tpu.vector_load %arg16[%swap3A] {strides = array<i32>} : memref<3136xf32, #tpu.memory_space<vmem>>, vector<16xf32>,
      %swap3A_75 = vector.shape_cast %swap3A_74 : vector<16xf32> to vector<16xf32>
      %swap3A_76 = vector.shape_cast %broadcast_in_dim3A_8 : vector<16xf32> to vector<16xf32>
      tpu.vector_store %arg16[%swap3A], %swap3A_76 {strides = array<i32>} : memref<3136xf32, #tpu.memory_space<vmem>>, vector<16xf32>,
    }
    %scan3A_13 = arith.constant 196 : i32
    "tpu.region"() ({
      %run_scoped3A = tpu.sem_alloc : memref<!tpu.dma_semaphore, #tpu.memory_space<semaphore_mem>>
      %dma_start3A = tpu.memref_slice %arg21[%mul3A_1] : memref<50176xf32, #tpu.memory_space<vmem_shared>> -> memref<3136xf32, #tpu.memory_space<vmem_shared>>
      %dma_start3A_68 = tpu.memref_slice %arg21[%mul3A_1] : memref<50176xf32, #tpu.memory_space<vmem_shared>> -> memref<3136xf32, #tpu.memory_space<vmem_shared>>
      tpu.enqueue_dma source(%arg16 : memref<3136xf32, #tpu.memory_space<vmem>>) target(%dma_start3A_68 : memref<3136xf32, #tpu.memory_space<vmem_shared>>) target_semaphore(%run_scoped3A : memref<!tpu.dma_semaphore, #tpu.memory_space<semaphore_mem>>)
      %dma_wait3A = tpu.memref_slice %arg21[%mul3A_1] : memref<50176xf32, #tpu.memory_space<vmem_shared>> -> memref<3136xf32, #tpu.memory_space<vmem_shared>>
      %dma_wait3A_69 = tpu.memref_slice %arg21[%mul3A_1] : memref<50176xf32, #tpu.memory_space<vmem_shared>> -> memref<3136xf32, #tpu.memory_space<vmem_shared>>
      tpu.wait_dma2 semaphore(%run_scoped3A : memref<!tpu.dma_semaphore, #tpu.memory_space<semaphore_mem>>) src(%arg16 : memref<3136xf32, #tpu.memory_space<vmem>>) dst(%dma_wait3A_69 : memref<3136xf32, #tpu.memory_space<vmem_shared>>)
      tpu.yield
    }) : () -> ()
    "tpu.region"() ({
      %run_scoped3A = tpu.sem_alloc : memref<!tpu.dma_semaphore, #tpu.memory_space<semaphore_mem>>
      %dma_start3A = tpu.memref_slice %arg22[%mul3A_1] : memref<50176xf32, #tpu.memory_space<vmem_shared>> -> memref<3136xf32, #tpu.memory_space<vmem_shared>>
      %dma_start3A_68 = tpu.memref_slice %arg22[%mul3A_1] : memref<50176xf32, #tpu.memory_space<vmem_shared>> -> memref<3136xf32, #tpu.memory_space<vmem_shared>>
      tpu.enqueue_dma source(%arg16 : memref<3136xf32, #tpu.memory_space<vmem>>) target(%dma_start3A_68 : memref<3136xf32, #tpu.memory_space<vmem_shared>>) target_semaphore(%run_scoped3A : memref<!tpu.dma_semaphore, #tpu.memory_space<semaphore_mem>>)
      %dma_wait3A = tpu.memref_slice %arg22[%mul3A_1] : memref<50176xf32, #tpu.memory_space<vmem_shared>> -> memref<3136xf32, #tpu.memory_space<vmem_shared>>
      %dma_wait3A_69 = tpu.memref_slice %arg22[%mul3A_1] : memref<50176xf32, #tpu.memory_space<vmem_shared>> -> memref<3136xf32, #tpu.memory_space<vmem_shared>>
      tpu.wait_dma2 semaphore(%run_scoped3A : memref<!tpu.dma_semaphore, #tpu.memory_space<semaphore_mem>>) src(%arg16 : memref<3136xf32, #tpu.memory_space<vmem>>) dst(%dma_wait3A_69 : memref<3136xf32, #tpu.memory_space<vmem_shared>>)
      tpu.yield
    }) : () -> ()
    "tpu.region"() ({
      %run_scoped3A = tpu.sem_alloc : memref<!tpu.dma_semaphore, #tpu.memory_space<semaphore_mem>>
      %dma_start3A = tpu.memref_slice %arg25[%mul3A_1] : memref<50176xf32, #tpu.memory_space<vmem_shared>> -> memref<3136xf32, #tpu.memory_space<vmem_shared>>
      %dma_start3A_68 = tpu.memref_slice %arg25[%mul3A_1] : memref<50176xf32, #tpu.memory_space<vmem_shared>> -> memref<3136xf32, #tpu.memory_space<vmem_shared>>
      tpu.enqueue_dma source(%arg16 : memref<3136xf32, #tpu.memory_space<vmem>>) target(%dma_start3A_68 : memref<3136xf32, #tpu.memory_space<vmem_shared>>) target_semaphore(%run_scoped3A : memref<!tpu.dma_semaphore, #tpu.memory_space<semaphore_mem>>)
      %dma_wait3A = tpu.memref_slice %arg25[%mul3A_1] : memref<50176xf32, #tpu.memory_space<vmem_shared>> -> memref<3136xf32, #tpu.memory_space<vmem_shared>>
      %dma_wait3A_69 = tpu.memref_slice %arg25[%mul3A_1] : memref<50176xf32, #tpu.memory_space<vmem_shared>> -> memref<3136xf32, #tpu.memory_space<vmem_shared>>
      tpu.wait_dma2 semaphore(%run_scoped3A : memref<!tpu.dma_semaphore, #tpu.memory_space<semaphore_mem>>) src(%arg16 : memref<3136xf32, #tpu.memory_space<vmem>>) dst(%dma_wait3A_69 : memref<3136xf32, #tpu.memory_space<vmem_shared>>)
      tpu.yield
    }) : () -> ()
    "tpu.region"() ({
      %run_scoped3A = tpu.sem_alloc : memref<!tpu.dma_semaphore, #tpu.memory_space<semaphore_mem>>
      %dma_start3A = tpu.memref_slice %arg26[%mul3A_1] : memref<50176xf32, #tpu.memory_space<vmem_shared>> -> memref<3136xf32, #tpu.memory_space<vmem_shared>>
      %dma_start3A_68 = tpu.memref_slice %arg26[%mul3A_1] : memref<50176xf32, #tpu.memory_space<vmem_shared>> -> memref<3136xf32, #tpu.memory_space<vmem_shared>>
      tpu.enqueue_dma source(%arg16 : memref<3136xf32, #tpu.memory_space<vmem>>) target(%dma_start3A_68 : memref<3136xf32, #tpu.memory_space<vmem_shared>>) target_semaphore(%run_scoped3A : memref<!tpu.dma_semaphore, #tpu.memory_space<semaphore_mem>>)
      %dma_wait3A = tpu.memref_slice %arg26[%mul3A_1] : memref<50176xf32, #tpu.memory_space<vmem_shared>> -> memref<3136xf32, #tpu.memory_space<vmem_shared>>
      %dma_wait3A_69 = tpu.memref_slice %arg26[%mul3A_1] : memref<50176xf32, #tpu.memory_space<vmem_shared>> -> memref<3136xf32, #tpu.memory_space<vmem_shared>>
      tpu.wait_dma2 semaphore(%run_scoped3A : memref<!tpu.dma_semaphore, #tpu.memory_space<semaphore_mem>>) src(%arg16 : memref<3136xf32, #tpu.memory_space<vmem>>) dst(%dma_wait3A_69 : memref<3136xf32, #tpu.memory_space<vmem_shared>>)
      tpu.yield
    }) : () -> ()
    "tpu.region"() ({
      %run_scoped3A = tpu.sem_alloc : memref<!tpu.dma_semaphore, #tpu.memory_space<semaphore_mem>>
      %dma_start3A = tpu.memref_slice %arg2[%mul3A_1] : memref<50176xf32, #tpu.memory_space<hbm>> -> memref<3136xf32, #tpu.memory_space<hbm>>
      %dma_start3A_68 = tpu.memref_slice %arg2[%mul3A_1] : memref<50176xf32, #tpu.memory_space<hbm>> -> memref<3136xf32, #tpu.memory_space<hbm>>
      tpu.enqueue_dma source(%dma_start3A_68 : memref<3136xf32, #tpu.memory_space<hbm>>) target(%arg17 : memref<3136xf32, #tpu.memory_space<vmem>>) target_semaphore(%run_scoped3A : memref<!tpu.dma_semaphore, #tpu.memory_space<semaphore_mem>>)
      %dma_wait3A = tpu.memref_slice %arg2[%mul3A_1] : memref<50176xf32, #tpu.memory_space<hbm>> -> memref<3136xf32, #tpu.memory_space<hbm>>
      %dma_wait3A_69 = tpu.memref_slice %arg2[%mul3A_1] : memref<50176xf32, #tpu.memory_space<hbm>> -> memref<3136xf32, #tpu.memory_space<hbm>>
      tpu.wait_dma2 semaphore(%run_scoped3A : memref<!tpu.dma_semaphore, #tpu.memory_space<semaphore_mem>>) src(%dma_wait3A_69 : memref<3136xf32, #tpu.memory_space<hbm>>) dst(%arg17 : memref<3136xf32, #tpu.memory_space<vmem>>)
      tpu.yield
    }) : () -> ()
    "tpu.region"() ({
      %run_scoped3A = tpu.sem_alloc : memref<!tpu.dma_semaphore, #tpu.memory_space<semaphore_mem>>
      %dma_start3A = tpu.memref_slice %arg23[%mul3A_1] : memref<50176xf32, #tpu.memory_space<vmem_shared>> -> memref<3136xf32, #tpu.memory_space<vmem_shared>>
      %dma_start3A_68 = tpu.memref_slice %arg23[%mul3A_1] : memref<50176xf32, #tpu.memory_space<vmem_shared>> -> memref<3136xf32, #tpu.memory_space<vmem_shared>>
      tpu.enqueue_dma source(%arg17 : memref<3136xf32, #tpu.memory_space<vmem>>) target(%dma_start3A_68 : memref<3136xf32, #tpu.memory_space<vmem_shared>>) target_semaphore(%run_scoped3A : memref<!tpu.dma_semaphore, #tpu.memory_space<semaphore_mem>>)
      %dma_wait3A = tpu.memref_slice %arg23[%mul3A_1] : memref<50176xf32, #tpu.memory_space<vmem_shared>> -> memref<3136xf32, #tpu.memory_space<vmem_shared>>
      %dma_wait3A_69 = tpu.memref_slice %arg23[%mul3A_1] : memref<50176xf32, #tpu.memory_space<vmem_shared>> -> memref<3136xf32, #tpu.memory_space<vmem_shared>>
      tpu.wait_dma2 semaphore(%run_scoped3A : memref<!tpu.dma_semaphore, #tpu.memory_space<semaphore_mem>>) src(%arg17 : memref<3136xf32, #tpu.memory_space<vmem>>) dst(%dma_wait3A_69 : memref<3136xf32, #tpu.memory_space<vmem_shared>>)
      tpu.yield
    }) : () -> ()
    %barrier3A = arith.constant 0 : index
    tpu.barrier barrier_id(%barrier3A)
    %convert_element_type3A = arith.extui %eq3A_0 : i1 to i32
    %cond3A = arith.constant 0 : i32
    %cond3A_14 = arith.cmpi ne, %convert_element_type3A, %cond3A : i32
    scf.if %cond3A_14 {
      %mul3A_68 = arith.constant 50000 : i32
      %mul3A_69 = arith.muli %arg1, %mul3A_68 : i32
      "tpu.region"() ({
        %run_scoped3A = tpu.sem_alloc : memref<!tpu.dma_semaphore, #tpu.memory_space<semaphore_mem>>
        %dma_start3A_103 = tpu.memref_slice %arg3[%mul3A_69] : memref<800000xi32, #tpu.memory_space<hbm>> -> memref<10000xi32, #tpu.memory_space<hbm>>
        %dma_start3A_104 = tpu.memref_slice %arg3[%mul3A_69] : memref<800000xi32, #tpu.memory_space<hbm>> -> memref<10000xi32, #tpu.memory_space<hbm>>
        tpu.enqueue_dma source(%dma_start3A_104 : memref<10000xi32, #tpu.memory_space<hbm>>) target(%arg9 : memref<10000xi32, #tpu.memory_space<vmem>>) target_semaphore(%run_scoped3A : memref<!tpu.dma_semaphore, #tpu.memory_space<semaphore_mem>>)
        %dma_wait3A_105 = tpu.memref_slice %arg3[%mul3A_69] : memref<800000xi32, #tpu.memory_space<hbm>> -> memref<10000xi32, #tpu.memory_space<hbm>>
        %dma_wait3A_106 = tpu.memref_slice %arg3[%mul3A_69] : memref<800000xi32, #tpu.memory_space<hbm>> -> memref<10000xi32, #tpu.memory_space<hbm>>
        tpu.wait_dma2 semaphore(%run_scoped3A : memref<!tpu.dma_semaphore, #tpu.memory_space<semaphore_mem>>) src(%dma_wait3A_106 : memref<10000xi32, #tpu.memory_space<hbm>>) dst(%arg9 : memref<10000xi32, #tpu.memory_space<vmem>>)
        tpu.yield
      }) : () -> ()
      "tpu.region"() ({
        %run_scoped3A = tpu.sem_alloc : memref<!tpu.dma_semaphore, #tpu.memory_space<semaphore_mem>>
        %dma_start3A_103 = tpu.memref_slice %arg4[%mul3A_69] : memref<800000xi32, #tpu.memory_space<hbm>> -> memref<10000xi32, #tpu.memory_space<hbm>>
        %dma_start3A_104 = tpu.memref_slice %arg4[%mul3A_69] : memref<800000xi32, #tpu.memory_space<hbm>> -> memref<10000xi32, #tpu.memory_space<hbm>>
        tpu.enqueue_dma source(%dma_start3A_104 : memref<10000xi32, #tpu.memory_space<hbm>>) target(%arg11 : memref<10000xi32, #tpu.memory_space<vmem>>) target_semaphore(%run_scoped3A : memref<!tpu.dma_semaphore, #tpu.memory_space<semaphore_mem>>)
        %dma_wait3A_105 = tpu.memref_slice %arg4[%mul3A_69] : memref<800000xi32, #tpu.memory_space<hbm>> -> memref<10000xi32, #tpu.memory_space<hbm>>
        %dma_wait3A_106 = tpu.memref_slice %arg4[%mul3A_69] : memref<800000xi32, #tpu.memory_space<hbm>> -> memref<10000xi32, #tpu.memory_space<hbm>>
        tpu.wait_dma2 semaphore(%run_scoped3A : memref<!tpu.dma_semaphore, #tpu.memory_space<semaphore_mem>>) src(%dma_wait3A_106 : memref<10000xi32, #tpu.memory_space<hbm>>) dst(%arg11 : memref<10000xi32, #tpu.memory_space<vmem>>)
        tpu.yield
      }) : () -> ()
      %dma_start3A = arith.constant 0 : i32
      %dma_start3A_70 = tpu.memref_slice %arg23[%dma_start3A] : memref<50176xf32, #tpu.memory_space<vmem_shared>> -> memref<50176xf32, #tpu.memory_space<vmem_shared>>
      tpu.enqueue_indirect_dma source(%dma_start3A_70 : memref<50176xf32, #tpu.memory_space<vmem_shared>>) target(%arg13 : memref<10000xf32, #tpu.memory_space<vmem>>) offsets(%arg9 : memref<10000xi32, #tpu.memory_space<vmem>>) semaphore(%arg27 : memref<!tpu.dma_semaphore, #tpu.memory_space<semaphore_mem>>)
      %add3A = arith.constant 10000 : i32
      %add3A_71 = arith.addi %mul3A_69, %add3A : i32
      "tpu.region"() ({
        %run_scoped3A = tpu.sem_alloc : memref<!tpu.dma_semaphore, #tpu.memory_space<semaphore_mem>>
        %dma_start3A_103 = tpu.memref_slice %arg3[%add3A_71] : memref<800000xi32, #tpu.memory_space<hbm>> -> memref<10000xi32, #tpu.memory_space<hbm>>
        %dma_start3A_104 = tpu.memref_slice %arg3[%add3A_71] : memref<800000xi32, #tpu.memory_space<hbm>> -> memref<10000xi32, #tpu.memory_space<hbm>>
        tpu.enqueue_dma source(%dma_start3A_104 : memref<10000xi32, #tpu.memory_space<hbm>>) target(%arg10 : memref<10000xi32, #tpu.memory_space<vmem>>) target_semaphore(%run_scoped3A : memref<!tpu.dma_semaphore, #tpu.memory_space<semaphore_mem>>)
        %dma_wait3A_105 = tpu.memref_slice %arg3[%add3A_71] : memref<800000xi32, #tpu.memory_space<hbm>> -> memref<10000xi32, #tpu.memory_space<hbm>>
        %dma_wait3A_106 = tpu.memref_slice %arg3[%add3A_71] : memref<800000xi32, #tpu.memory_space<hbm>> -> memref<10000xi32, #tpu.memory_space<hbm>>
        tpu.wait_dma2 semaphore(%run_scoped3A : memref<!tpu.dma_semaphore, #tpu.memory_space<semaphore_mem>>) src(%dma_wait3A_106 : memref<10000xi32, #tpu.memory_space<hbm>>) dst(%arg10 : memref<10000xi32, #tpu.memory_space<vmem>>)
        tpu.yield
      }) : () -> ()
      %add3A_72 = arith.constant 10000 : i32
      %add3A_73 = arith.addi %mul3A_69, %add3A_72 : i32
      "tpu.region"() ({
        %run_scoped3A = tpu.sem_alloc : memref<!tpu.dma_semaphore, #tpu.memory_space<semaphore_mem>>
        %dma_start3A_103 = tpu.memref_slice %arg4[%add3A_73] : memref<800000xi32, #tpu.memory_space<hbm>> -> memref<10000xi32, #tpu.memory_space<hbm>>
        %dma_start3A_104 = tpu.memref_slice %arg4[%add3A_73] : memref<800000xi32, #tpu.memory_space<hbm>> -> memref<10000xi32, #tpu.memory_space<hbm>>
        tpu.enqueue_dma source(%dma_start3A_104 : memref<10000xi32, #tpu.memory_space<hbm>>) target(%arg12 : memref<10000xi32, #tpu.memory_space<vmem>>) target_semaphore(%run_scoped3A : memref<!tpu.dma_semaphore, #tpu.memory_space<semaphore_mem>>)
        %dma_wait3A_105 = tpu.memref_slice %arg4[%add3A_73] : memref<800000xi32, #tpu.memory_space<hbm>> -> memref<10000xi32, #tpu.memory_space<hbm>>
        %dma_wait3A_106 = tpu.memref_slice %arg4[%add3A_73] : memref<800000xi32, #tpu.memory_space<hbm>> -> memref<10000xi32, #tpu.memory_space<hbm>>
        tpu.wait_dma2 semaphore(%run_scoped3A : memref<!tpu.dma_semaphore, #tpu.memory_space<semaphore_mem>>) src(%dma_wait3A_106 : memref<10000xi32, #tpu.memory_space<hbm>>) dst(%arg12 : memref<10000xi32, #tpu.memory_space<vmem>>)
        tpu.yield
      }) : () -> ()
      %dma_start3A_74 = arith.constant 0 : i32
      %dma_start3A_75 = tpu.memref_slice %arg23[%dma_start3A_74] : memref<50176xf32, #tpu.memory_space<vmem_shared>> -> memref<50176xf32, #tpu.memory_space<vmem_shared>>
      tpu.enqueue_indirect_dma source(%dma_start3A_75 : memref<50176xf32, #tpu.memory_space<vmem_shared>>) target(%arg14 : memref<10000xf32, #tpu.memory_space<vmem>>) offsets(%arg10 : memref<10000xi32, #tpu.memory_space<vmem>>) semaphore(%arg28 : memref<!tpu.dma_semaphore, #tpu.memory_space<semaphore_mem>>)
      "tpu.region"() ({
        %run_scoped3A = tpu.sem_alloc : memref<!tpu.dma_semaphore, #tpu.memory_space<semaphore_mem>>
        %dma_start3A_103 = arith.constant 0 : i32
        %dma_start3A_104 = tpu.memref_slice %arg22[%dma_start3A_103] : memref<50176xf32, #tpu.memory_space<vmem_shared>> -> memref<50176xf32, #tpu.memory_space<vmem_shared>>
        tpu.enqueue_indirect_dma source(%arg15 : memref<10000xf32, #tpu.memory_space<vmem>>) target(%dma_start3A_104 : memref<50176xf32, #tpu.memory_space<vmem_shared>>) offsets(%arg11 : memref<10000xi32, #tpu.memory_space<vmem>>) semaphore(%run_scoped3A : memref<!tpu.dma_semaphore, #tpu.memory_space<semaphore_mem>>) {add = true}
        %dma_wait3A_105 = arith.constant 0 : i32
        %dma_wait3A_106 = tpu.memref_slice %arg22[%dma_wait3A_105] : memref<50176xf32, #tpu.memory_space<vmem_shared>> -> memref<50176xf32, #tpu.memory_space<vmem_shared>>
        tpu.wait_indirect_dma semaphore(%run_scoped3A : memref<!tpu.dma_semaphore, #tpu.memory_space<semaphore_mem>>) src(%arg15 : memref<10000xf32, #tpu.memory_space<vmem>>) dst(%dma_wait3A_106 : memref<50176xf32, #tpu.memory_space<vmem_shared>>)
        tpu.yield
      }) : () -> ()
      "tpu.region"() ({
        %run_scoped3A = tpu.sem_alloc : memref<!tpu.dma_semaphore, #tpu.memory_space<semaphore_mem>>
        %dma_start3A_103 = arith.constant 0 : i32
        %dma_start3A_104 = tpu.memref_slice %arg21[%dma_start3A_103] : memref<50176xf32, #tpu.memory_space<vmem_shared>> -> memref<50176xf32, #tpu.memory_space<vmem_shared>>
        tpu.enqueue_indirect_dma source(%arg15 : memref<10000xf32, #tpu.memory_space<vmem>>) target(%dma_start3A_104 : memref<50176xf32, #tpu.memory_space<vmem_shared>>) offsets(%arg9 : memref<10000xi32, #tpu.memory_space<vmem>>) semaphore(%run_scoped3A : memref<!tpu.dma_semaphore, #tpu.memory_space<semaphore_mem>>) {add = true}
        %dma_wait3A_105 = arith.constant 0 : i32
        %dma_wait3A_106 = tpu.memref_slice %arg21[%dma_wait3A_105] : memref<50176xf32, #tpu.memory_space<vmem_shared>> -> memref<50176xf32, #tpu.memory_space<vmem_shared>>
        tpu.wait_indirect_dma semaphore(%run_scoped3A : memref<!tpu.dma_semaphore, #tpu.memory_space<semaphore_mem>>) src(%arg15 : memref<10000xf32, #tpu.memory_space<vmem>>) dst(%dma_wait3A_106 : memref<50176xf32, #tpu.memory_space<vmem_shared>>)
        tpu.yield
      }) : () -> ()
      %dma_wait3A = arith.constant 0 : i32
      %dma_wait3A_76 = tpu.memref_slice %arg23[%dma_wait3A] : memref<50176xf32, #tpu.memory_space<vmem_shared>> -> memref<50176xf32, #tpu.memory_space<vmem_shared>>
      tpu.wait_indirect_dma semaphore(%arg27 : memref<!tpu.dma_semaphore, #tpu.memory_space<semaphore_mem>>) src(%dma_wait3A_76 : memref<50176xf32, #tpu.memory_space<vmem_shared>>) dst(%arg13 : memref<10000xf32, #tpu.memory_space<vmem>>)
      "tpu.region"() ({
        %run_scoped3A = tpu.sem_alloc : memref<!tpu.dma_semaphore, #tpu.memory_space<semaphore_mem>>
        %dma_start3A_103 = arith.constant 0 : i32
        %dma_start3A_104 = tpu.memref_slice %arg26[%dma_start3A_103] : memref<50176xf32, #tpu.memory_space<vmem_shared>> -> memref<50176xf32, #tpu.memory_space<vmem_shared>>
        tpu.enqueue_indirect_dma source(%arg13 : memref<10000xf32, #tpu.memory_space<vmem>>) target(%dma_start3A_104 : memref<50176xf32, #tpu.memory_space<vmem_shared>>) offsets(%arg11 : memref<10000xi32, #tpu.memory_space<vmem>>) semaphore(%run_scoped3A : memref<!tpu.dma_semaphore, #tpu.memory_space<semaphore_mem>>) {add = true}
        %dma_wait3A_105 = arith.constant 0 : i32
        %dma_wait3A_106 = tpu.memref_slice %arg26[%dma_wait3A_105] : memref<50176xf32, #tpu.memory_space<vmem_shared>> -> memref<50176xf32, #tpu.memory_space<vmem_shared>>
        tpu.wait_indirect_dma semaphore(%run_scoped3A : memref<!tpu.dma_semaphore, #tpu.memory_space<semaphore_mem>>) src(%arg13 : memref<10000xf32, #tpu.memory_space<vmem>>) dst(%dma_wait3A_106 : memref<50176xf32, #tpu.memory_space<vmem_shared>>)
        tpu.yield
      }) : () -> ()
      %add3A_77 = arith.constant 20000 : i32
      %add3A_78 = arith.addi %mul3A_69, %add3A_77 : i32
      "tpu.region"() ({
        %run_scoped3A = tpu.sem_alloc : memref<!tpu.dma_semaphore, #tpu.memory_space<semaphore_mem>>
        %dma_start3A_103 = tpu.memref_slice %arg3[%add3A_78] : memref<800000xi32, #tpu.memory_space<hbm>> -> memref<10000xi32, #tpu.memory_space<hbm>>
        %dma_start3A_104 = tpu.memref_slice %arg3[%add3A_78] : memref<800000xi32, #tpu.memory_space<hbm>> -> memref<10000xi32, #tpu.memory_space<hbm>>
        tpu.enqueue_dma source(%dma_start3A_104 : memref<10000xi32, #tpu.memory_space<hbm>>) target(%arg9 : memref<10000xi32, #tpu.memory_space<vmem>>) target_semaphore(%run_scoped3A : memref<!tpu.dma_semaphore, #tpu.memory_space<semaphore_mem>>)
        %dma_wait3A_105 = tpu.memref_slice %arg3[%add3A_78] : memref<800000xi32, #tpu.memory_space<hbm>> -> memref<10000xi32, #tpu.memory_space<hbm>>
        %dma_wait3A_106 = tpu.memref_slice %arg3[%add3A_78] : memref<800000xi32, #tpu.memory_space<hbm>> -> memref<10000xi32, #tpu.memory_space<hbm>>
        tpu.wait_dma2 semaphore(%run_scoped3A : memref<!tpu.dma_semaphore, #tpu.memory_space<semaphore_mem>>) src(%dma_wait3A_106 : memref<10000xi32, #tpu.memory_space<hbm>>) dst(%arg9 : memref<10000xi32, #tpu.memory_space<vmem>>)
        tpu.yield
      }) : () -> ()
      %add3A_79 = arith.constant 20000 : i32
      %add3A_80 = arith.addi %mul3A_69, %add3A_79 : i32
      "tpu.region"() ({
        %run_scoped3A = tpu.sem_alloc : memref<!tpu.dma_semaphore, #tpu.memory_space<semaphore_mem>>
        %dma_start3A_103 = tpu.memref_slice %arg4[%add3A_80] : memref<800000xi32, #tpu.memory_space<hbm>> -> memref<10000xi32, #tpu.memory_space<hbm>>
        %dma_start3A_104 = tpu.memref_slice %arg4[%add3A_80] : memref<800000xi32, #tpu.memory_space<hbm>> -> memref<10000xi32, #tpu.memory_space<hbm>>
        tpu.enqueue_dma source(%dma_start3A_104 : memref<10000xi32, #tpu.memory_space<hbm>>) target(%arg11 : memref<10000xi32, #tpu.memory_space<vmem>>) target_semaphore(%run_scoped3A : memref<!tpu.dma_semaphore, #tpu.memory_space<semaphore_mem>>)
        %dma_wait3A_105 = tpu.memref_slice %arg4[%add3A_80] : memref<800000xi32, #tpu.memory_space<hbm>> -> memref<10000xi32, #tpu.memory_space<hbm>>
        %dma_wait3A_106 = tpu.memref_slice %arg4[%add3A_80] : memref<800000xi32, #tpu.memory_space<hbm>> -> memref<10000xi32, #tpu.memory_space<hbm>>
        tpu.wait_dma2 semaphore(%run_scoped3A : memref<!tpu.dma_semaphore, #tpu.memory_space<semaphore_mem>>) src(%dma_wait3A_106 : memref<10000xi32, #tpu.memory_space<hbm>>) dst(%arg11 : memref<10000xi32, #tpu.memory_space<vmem>>)
        tpu.yield
      }) : () -> ()
      %dma_start3A_81 = arith.constant 0 : i32
      %dma_start3A_82 = tpu.memref_slice %arg23[%dma_start3A_81] : memref<50176xf32, #tpu.memory_space<vmem_shared>> -> memref<50176xf32, #tpu.memory_space<vmem_shared>>
      tpu.enqueue_indirect_dma source(%dma_start3A_82 : memref<50176xf32, #tpu.memory_space<vmem_shared>>) target(%arg13 : memref<10000xf32, #tpu.memory_space<vmem>>) offsets(%arg9 : memref<10000xi32, #tpu.memory_space<vmem>>) semaphore(%arg27 : memref<!tpu.dma_semaphore, #tpu.memory_space<semaphore_mem>>)
      "tpu.region"() ({
        %run_scoped3A = tpu.sem_alloc : memref<!tpu.dma_semaphore, #tpu.memory_space<semaphore_mem>>
        %dma_start3A_103 = arith.constant 0 : i32
        %dma_start3A_104 = tpu.memref_slice %arg22[%dma_start3A_103] : memref<50176xf32, #tpu.memory_space<vmem_shared>> -> memref<50176xf32, #tpu.memory_space<vmem_shared>>
        tpu.enqueue_indirect_dma source(%arg15 : memref<10000xf32, #tpu.memory_space<vmem>>) target(%dma_start3A_104 : memref<50176xf32, #tpu.memory_space<vmem_shared>>) offsets(%arg12 : memref<10000xi32, #tpu.memory_space<vmem>>) semaphore(%run_scoped3A : memref<!tpu.dma_semaphore, #tpu.memory_space<semaphore_mem>>) {add = true}
        %dma_wait3A_105 = arith.constant 0 : i32
        %dma_wait3A_106 = tpu.memref_slice %arg22[%dma_wait3A_105] : memref<50176xf32, #tpu.memory_space<vmem_shared>> -> memref<50176xf32, #tpu.memory_space<vmem_shared>>
        tpu.wait_indirect_dma semaphore(%run_scoped3A : memref<!tpu.dma_semaphore, #tpu.memory_space<semaphore_mem>>) src(%arg15 : memref<10000xf32, #tpu.memory_space<vmem>>) dst(%dma_wait3A_106 : memref<50176xf32, #tpu.memory_space<vmem_shared>>)
        tpu.yield
      }) : () -> ()
      "tpu.region"() ({
        %run_scoped3A = tpu.sem_alloc : memref<!tpu.dma_semaphore, #tpu.memory_space<semaphore_mem>>
        %dma_start3A_103 = arith.constant 0 : i32
        %dma_start3A_104 = tpu.memref_slice %arg21[%dma_start3A_103] : memref<50176xf32, #tpu.memory_space<vmem_shared>> -> memref<50176xf32, #tpu.memory_space<vmem_shared>>
        tpu.enqueue_indirect_dma source(%arg15 : memref<10000xf32, #tpu.memory_space<vmem>>) target(%dma_start3A_104 : memref<50176xf32, #tpu.memory_space<vmem_shared>>) offsets(%arg10 : memref<10000xi32, #tpu.memory_space<vmem>>) semaphore(%run_scoped3A : memref<!tpu.dma_semaphore, #tpu.memory_space<semaphore_mem>>) {add = true}
        %dma_wait3A_105 = arith.constant 0 : i32
        %dma_wait3A_106 = tpu.memref_slice %arg21[%dma_wait3A_105] : memref<50176xf32, #tpu.memory_space<vmem_shared>> -> memref<50176xf32, #tpu.memory_space<vmem_shared>>
        tpu.wait_indirect_dma semaphore(%run_scoped3A : memref<!tpu.dma_semaphore, #tpu.memory_space<semaphore_mem>>) src(%arg15 : memref<10000xf32, #tpu.memory_space<vmem>>) dst(%dma_wait3A_106 : memref<50176xf32, #tpu.memory_space<vmem_shared>>)
        tpu.yield
      }) : () -> ()
      %dma_wait3A_83 = arith.constant 0 : i32
      %dma_wait3A_84 = tpu.memref_slice %arg23[%dma_wait3A_83] : memref<50176xf32, #tpu.memory_space<vmem_shared>> -> memref<50176xf32, #tpu.memory_space<vmem_shared>>
      tpu.wait_indirect_dma semaphore(%arg28 : memref<!tpu.dma_semaphore, #tpu.memory_space<semaphore_mem>>) src(%dma_wait3A_84 : memref<50176xf32, #tpu.memory_space<vmem_shared>>) dst(%arg14 : memref<10000xf32, #tpu.memory_space<vmem>>)
      "tpu.region"() ({
        %run_scoped3A = tpu.sem_alloc : memref<!tpu.dma_semaphore, #tpu.memory_space<semaphore_mem>>
        %dma_start3A_103 = arith.constant 0 : i32
        %dma_start3A_104 = tpu.memref_slice %arg26[%dma_start3A_103] : memref<50176xf32, #tpu.memory_space<vmem_shared>> -> memref<50176xf32, #tpu.memory_space<vmem_shared>>
        tpu.enqueue_indirect_dma source(%arg14 : memref<10000xf32, #tpu.memory_space<vmem>>) target(%dma_start3A_104 : memref<50176xf32, #tpu.memory_space<vmem_shared>>) offsets(%arg12 : memref<10000xi32, #tpu.memory_space<vmem>>) semaphore(%run_scoped3A : memref<!tpu.dma_semaphore, #tpu.memory_space<semaphore_mem>>) {add = true}
        %dma_wait3A_105 = arith.constant 0 : i32
        %dma_wait3A_106 = tpu.memref_slice %arg26[%dma_wait3A_105] : memref<50176xf32, #tpu.memory_space<vmem_shared>> -> memref<50176xf32, #tpu.memory_space<vmem_shared>>
        tpu.wait_indirect_dma semaphore(%run_scoped3A : memref<!tpu.dma_semaphore, #tpu.memory_space<semaphore_mem>>) src(%arg14 : memref<10000xf32, #tpu.memory_space<vmem>>) dst(%dma_wait3A_106 : memref<50176xf32, #tpu.memory_space<vmem_shared>>)
        tpu.yield
      }) : () -> ()
      %add3A_85 = arith.constant 30000 : i32
      %add3A_86 = arith.addi %mul3A_69, %add3A_85 : i32
      "tpu.region"() ({
        %run_scoped3A = tpu.sem_alloc : memref<!tpu.dma_semaphore, #tpu.memory_space<semaphore_mem>>
        %dma_start3A_103 = tpu.memref_slice %arg3[%add3A_86] : memref<800000xi32, #tpu.memory_space<hbm>> -> memref<10000xi32, #tpu.memory_space<hbm>>
        %dma_start3A_104 = tpu.memref_slice %arg3[%add3A_86] : memref<800000xi32, #tpu.memory_space<hbm>> -> memref<10000xi32, #tpu.memory_space<hbm>>
        tpu.enqueue_dma source(%dma_start3A_104 : memref<10000xi32, #tpu.memory_space<hbm>>) target(%arg10 : memref<10000xi32, #tpu.memory_space<vmem>>) target_semaphore(%run_scoped3A : memref<!tpu.dma_semaphore, #tpu.memory_space<semaphore_mem>>)
        %dma_wait3A_105 = tpu.memref_slice %arg3[%add3A_86] : memref<800000xi32, #tpu.memory_space<hbm>> -> memref<10000xi32, #tpu.memory_space<hbm>>
        %dma_wait3A_106 = tpu.memref_slice %arg3[%add3A_86] : memref<800000xi32, #tpu.memory_space<hbm>> -> memref<10000xi32, #tpu.memory_space<hbm>>
        tpu.wait_dma2 semaphore(%run_scoped3A : memref<!tpu.dma_semaphore, #tpu.memory_space<semaphore_mem>>) src(%dma_wait3A_106 : memref<10000xi32, #tpu.memory_space<hbm>>) dst(%arg10 : memref<10000xi32, #tpu.memory_space<vmem>>)
        tpu.yield
      }) : () -> ()
      %add3A_87 = arith.constant 30000 : i32
      %add3A_88 = arith.addi %mul3A_69, %add3A_87 : i32
      "tpu.region"() ({
        %run_scoped3A = tpu.sem_alloc : memref<!tpu.dma_semaphore, #tpu.memory_space<semaphore_mem>>
        %dma_start3A_103 = tpu.memref_slice %arg4[%add3A_88] : memref<800000xi32, #tpu.memory_space<hbm>> -> memref<10000xi32, #tpu.memory_space<hbm>>
        %dma_start3A_104 = tpu.memref_slice %arg4[%add3A_88] : memref<800000xi32, #tpu.memory_space<hbm>> -> memref<10000xi32, #tpu.memory_space<hbm>>
        tpu.enqueue_dma source(%dma_start3A_104 : memref<10000xi32, #tpu.memory_space<hbm>>) target(%arg12 : memref<10000xi32, #tpu.memory_space<vmem>>) target_semaphore(%run_scoped3A : memref<!tpu.dma_semaphore, #tpu.memory_space<semaphore_mem>>)
        %dma_wait3A_105 = tpu.memref_slice %arg4[%add3A_88] : memref<800000xi32, #tpu.memory_space<hbm>> -> memref<10000xi32, #tpu.memory_space<hbm>>
        %dma_wait3A_106 = tpu.memref_slice %arg4[%add3A_88] : memref<800000xi32, #tpu.memory_space<hbm>> -> memref<10000xi32, #tpu.memory_space<hbm>>
        tpu.wait_dma2 semaphore(%run_scoped3A : memref<!tpu.dma_semaphore, #tpu.memory_space<semaphore_mem>>) src(%dma_wait3A_106 : memref<10000xi32, #tpu.memory_space<hbm>>) dst(%arg12 : memref<10000xi32, #tpu.memory_space<vmem>>)
        tpu.yield
      }) : () -> ()
      %dma_start3A_89 = arith.constant 0 : i32
      %dma_start3A_90 = tpu.memref_slice %arg23[%dma_start3A_89] : memref<50176xf32, #tpu.memory_space<vmem_shared>> -> memref<50176xf32, #tpu.memory_space<vmem_shared>>
      tpu.enqueue_indirect_dma source(%dma_start3A_90 : memref<50176xf32, #tpu.memory_space<vmem_shared>>) target(%arg14 : memref<10000xf32, #tpu.memory_space<vmem>>) offsets(%arg10 : memref<10000xi32, #tpu.memory_space<vmem>>) semaphore(%arg28 : memref<!tpu.dma_semaphore, #tpu.memory_space<semaphore_mem>>)
      "tpu.region"() ({
        %run_scoped3A = tpu.sem_alloc : memref<!tpu.dma_semaphore, #tpu.memory_space<semaphore_mem>>
        %dma_start3A_103 = arith.constant 0 : i32
        %dma_start3A_104 = tpu.memref_slice %arg22[%dma_start3A_103] : memref<50176xf32, #tpu.memory_space<vmem_shared>> -> memref<50176xf32, #tpu.memory_space<vmem_shared>>
        tpu.enqueue_indirect_dma source(%arg15 : memref<10000xf32, #tpu.memory_space<vmem>>) target(%dma_start3A_104 : memref<50176xf32, #tpu.memory_space<vmem_shared>>) offsets(%arg11 : memref<10000xi32, #tpu.memory_space<vmem>>) semaphore(%run_scoped3A : memref<!tpu.dma_semaphore, #tpu.memory_space<semaphore_mem>>) {add = true}
        %dma_wait3A_105 = arith.constant 0 : i32
        %dma_wait3A_106 = tpu.memref_slice %arg22[%dma_wait3A_105] : memref<50176xf32, #tpu.memory_space<vmem_shared>> -> memref<50176xf32, #tpu.memory_space<vmem_shared>>
        tpu.wait_indirect_dma semaphore(%run_scoped3A : memref<!tpu.dma_semaphore, #tpu.memory_space<semaphore_mem>>) src(%arg15 : memref<10000xf32, #tpu.memory_space<vmem>>) dst(%dma_wait3A_106 : memref<50176xf32, #tpu.memory_space<vmem_shared>>)
        tpu.yield
      }) : () -> ()
      "tpu.region"() ({
        %run_scoped3A = tpu.sem_alloc : memref<!tpu.dma_semaphore, #tpu.memory_space<semaphore_mem>>
        %dma_start3A_103 = arith.constant 0 : i32
        %dma_start3A_104 = tpu.memref_slice %arg21[%dma_start3A_103] : memref<50176xf32, #tpu.memory_space<vmem_shared>> -> memref<50176xf32, #tpu.memory_space<vmem_shared>>
        tpu.enqueue_indirect_dma source(%arg15 : memref<10000xf32, #tpu.memory_space<vmem>>) target(%dma_start3A_104 : memref<50176xf32, #tpu.memory_space<vmem_shared>>) offsets(%arg9 : memref<10000xi32, #tpu.memory_space<vmem>>) semaphore(%run_scoped3A : memref<!tpu.dma_semaphore, #tpu.memory_space<semaphore_mem>>) {add = true}
        %dma_wait3A_105 = arith.constant 0 : i32
        %dma_wait3A_106 = tpu.memref_slice %arg21[%dma_wait3A_105] : memref<50176xf32, #tpu.memory_space<vmem_shared>> -> memref<50176xf32, #tpu.memory_space<vmem_shared>>
        tpu.wait_indirect_dma semaphore(%run_scoped3A : memref<!tpu.dma_semaphore, #tpu.memory_space<semaphore_mem>>) src(%arg15 : memref<10000xf32, #tpu.memory_space<vmem>>) dst(%dma_wait3A_106 : memref<50176xf32, #tpu.memory_space<vmem_shared>>)
        tpu.yield
      }) : () -> ()
      %dma_wait3A_91 = arith.constant 0 : i32
      %dma_wait3A_92 = tpu.memref_slice %arg23[%dma_wait3A_91] : memref<50176xf32, #tpu.memory_space<vmem_shared>> -> memref<50176xf32, #tpu.memory_space<vmem_shared>>
      tpu.wait_indirect_dma semaphore(%arg27 : memref<!tpu.dma_semaphore, #tpu.memory_space<semaphore_mem>>) src(%dma_wait3A_92 : memref<50176xf32, #tpu.memory_space<vmem_shared>>) dst(%arg13 : memref<10000xf32, #tpu.memory_space<vmem>>)
      "tpu.region"() ({
        %run_scoped3A = tpu.sem_alloc : memref<!tpu.dma_semaphore, #tpu.memory_space<semaphore_mem>>
        %dma_start3A_103 = arith.constant 0 : i32
        %dma_start3A_104 = tpu.memref_slice %arg26[%dma_start3A_103] : memref<50176xf32, #tpu.memory_space<vmem_shared>> -> memref<50176xf32, #tpu.memory_space<vmem_shared>>
        tpu.enqueue_indirect_dma source(%arg13 : memref<10000xf32, #tpu.memory_space<vmem>>) target(%dma_start3A_104 : memref<50176xf32, #tpu.memory_space<vmem_shared>>) offsets(%arg11 : memref<10000xi32, #tpu.memory_space<vmem>>) semaphore(%run_scoped3A : memref<!tpu.dma_semaphore, #tpu.memory_space<semaphore_mem>>) {add = true}
        %dma_wait3A_105 = arith.constant 0 : i32
        %dma_wait3A_106 = tpu.memref_slice %arg26[%dma_wait3A_105] : memref<50176xf32, #tpu.memory_space<vmem_shared>> -> memref<50176xf32, #tpu.memory_space<vmem_shared>>
        tpu.wait_indirect_dma semaphore(%run_scoped3A : memref<!tpu.dma_semaphore, #tpu.memory_space<semaphore_mem>>) src(%arg13 : memref<10000xf32, #tpu.memory_space<vmem>>) dst(%dma_wait3A_106 : memref<50176xf32, #tpu.memory_space<vmem_shared>>)
        tpu.yield
      }) : () -> ()
      %add3A_93 = arith.constant 40000 : i32
      %add3A_94 = arith.addi %mul3A_69, %add3A_93 : i32
      "tpu.region"() ({
        %run_scoped3A = tpu.sem_alloc : memref<!tpu.dma_semaphore, #tpu.memory_space<semaphore_mem>>
        %dma_start3A_103 = tpu.memref_slice %arg3[%add3A_94] : memref<800000xi32, #tpu.memory_space<hbm>> -> memref<10000xi32, #tpu.memory_space<hbm>>
        %dma_start3A_104 = tpu.memref_slice %arg3[%add3A_94] : memref<800000xi32, #tpu.memory_space<hbm>> -> memref<10000xi32, #tpu.memory_space<hbm>>
        tpu.enqueue_dma source(%dma_start3A_104 : memref<10000xi32, #tpu.memory_space<hbm>>) target(%arg9 : memref<10000xi32, #tpu.memory_space<vmem>>) target_semaphore(%run_scoped3A : memref<!tpu.dma_semaphore, #tpu.memory_space<semaphore_mem>>)
        %dma_wait3A_105 = tpu.memref_slice %arg3[%add3A_94] : memref<800000xi32, #tpu.memory_space<hbm>> -> memref<10000xi32, #tpu.memory_space<hbm>>
        %dma_wait3A_106 = tpu.memref_slice %arg3[%add3A_94] : memref<800000xi32, #tpu.memory_space<hbm>> -> memref<10000xi32, #tpu.memory_space<hbm>>
        tpu.wait_dma2 semaphore(%run_scoped3A : memref<!tpu.dma_semaphore, #tpu.memory_space<semaphore_mem>>) src(%dma_wait3A_106 : memref<10000xi32, #tpu.memory_space<hbm>>) dst(%arg9 : memref<10000xi32, #tpu.memory_space<vmem>>)
        tpu.yield
      }) : () -> ()
      %add3A_95 = arith.constant 40000 : i32
      %add3A_96 = arith.addi %mul3A_69, %add3A_95 : i32
      "tpu.region"() ({
        %run_scoped3A = tpu.sem_alloc : memref<!tpu.dma_semaphore, #tpu.memory_space<semaphore_mem>>
        %dma_start3A_103 = tpu.memref_slice %arg4[%add3A_96] : memref<800000xi32, #tpu.memory_space<hbm>> -> memref<10000xi32, #tpu.memory_space<hbm>>
        %dma_start3A_104 = tpu.memref_slice %arg4[%add3A_96] : memref<800000xi32, #tpu.memory_space<hbm>> -> memref<10000xi32, #tpu.memory_space<hbm>>
        tpu.enqueue_dma source(%dma_start3A_104 : memref<10000xi32, #tpu.memory_space<hbm>>) target(%arg11 : memref<10000xi32, #tpu.memory_space<vmem>>) target_semaphore(%run_scoped3A : memref<!tpu.dma_semaphore, #tpu.memory_space<semaphore_mem>>)
        %dma_wait3A_105 = tpu.memref_slice %arg4[%add3A_96] : memref<800000xi32, #tpu.memory_space<hbm>> -> memref<10000xi32, #tpu.memory_space<hbm>>
        %dma_wait3A_106 = tpu.memref_slice %arg4[%add3A_96] : memref<800000xi32, #tpu.memory_space<hbm>> -> memref<10000xi32, #tpu.memory_space<hbm>>
        tpu.wait_dma2 semaphore(%run_scoped3A : memref<!tpu.dma_semaphore, #tpu.memory_space<semaphore_mem>>) src(%dma_wait3A_106 : memref<10000xi32, #tpu.memory_space<hbm>>) dst(%arg11 : memref<10000xi32, #tpu.memory_space<vmem>>)
        tpu.yield
      }) : () -> ()
      %dma_start3A_97 = arith.constant 0 : i32
      %dma_start3A_98 = tpu.memref_slice %arg23[%dma_start3A_97] : memref<50176xf32, #tpu.memory_space<vmem_shared>> -> memref<50176xf32, #tpu.memory_space<vmem_shared>>
      tpu.enqueue_indirect_dma source(%dma_start3A_98 : memref<50176xf32, #tpu.memory_space<vmem_shared>>) target(%arg13 : memref<10000xf32, #tpu.memory_space<vmem>>) offsets(%arg9 : memref<10000xi32, #tpu.memory_space<vmem>>) semaphore(%arg27 : memref<!tpu.dma_semaphore, #tpu.memory_space<semaphore_mem>>)
      "tpu.region"() ({
        %run_scoped3A = tpu.sem_alloc : memref<!tpu.dma_semaphore, #tpu.memory_space<semaphore_mem>>
        %dma_start3A_103 = arith.constant 0 : i32
        %dma_start3A_104 = tpu.memref_slice %arg22[%dma_start3A_103] : memref<50176xf32, #tpu.memory_space<vmem_shared>> -> memref<50176xf32, #tpu.memory_space<vmem_shared>>
        tpu.enqueue_indirect_dma source(%arg15 : memref<10000xf32, #tpu.memory_space<vmem>>) target(%dma_start3A_104 : memref<50176xf32, #tpu.memory_space<vmem_shared>>) offsets(%arg12 : memref<10000xi32, #tpu.memory_space<vmem>>) semaphore(%run_scoped3A : memref<!tpu.dma_semaphore, #tpu.memory_space<semaphore_mem>>) {add = true}
        %dma_wait3A_105 = arith.constant 0 : i32
        %dma_wait3A_106 = tpu.memref_slice %arg22[%dma_wait3A_105] : memref<50176xf32, #tpu.memory_space<vmem_shared>> -> memref<50176xf32, #tpu.memory_space<vmem_shared>>
        tpu.wait_indirect_dma semaphore(%run_scoped3A : memref<!tpu.dma_semaphore, #tpu.memory_space<semaphore_mem>>) src(%arg15 : memref<10000xf32, #tpu.memory_space<vmem>>) dst(%dma_wait3A_106 : memref<50176xf32, #tpu.memory_space<vmem_shared>>)
        tpu.yield
      }) : () -> ()
      "tpu.region"() ({
        %run_scoped3A = tpu.sem_alloc : memref<!tpu.dma_semaphore, #tpu.memory_space<semaphore_mem>>
        %dma_start3A_103 = arith.constant 0 : i32
        %dma_start3A_104 = tpu.memref_slice %arg21[%dma_start3A_103] : memref<50176xf32, #tpu.memory_space<vmem_shared>> -> memref<50176xf32, #tpu.memory_space<vmem_shared>>
        tpu.enqueue_indirect_dma source(%arg15 : memref<10000xf32, #tpu.memory_space<vmem>>) target(%dma_start3A_104 : memref<50176xf32, #tpu.memory_space<vmem_shared>>) offsets(%arg10 : memref<10000xi32, #tpu.memory_space<vmem>>) semaphore(%run_scoped3A : memref<!tpu.dma_semaphore, #tpu.memory_space<semaphore_mem>>) {add = true}
        %dma_wait3A_105 = arith.constant 0 : i32
        %dma_wait3A_106 = tpu.memref_slice %arg21[%dma_wait3A_105] : memref<50176xf32, #tpu.memory_space<vmem_shared>> -> memref<50176xf32, #tpu.memory_space<vmem_shared>>
        tpu.wait_indirect_dma semaphore(%run_scoped3A : memref<!tpu.dma_semaphore, #tpu.memory_space<semaphore_mem>>) src(%arg15 : memref<10000xf32, #tpu.memory_space<vmem>>) dst(%dma_wait3A_106 : memref<50176xf32, #tpu.memory_space<vmem_shared>>)
        tpu.yield
      }) : () -> ()
      %dma_wait3A_99 = arith.constant 0 : i32
      %dma_wait3A_100 = tpu.memref_slice %arg23[%dma_wait3A_99] : memref<50176xf32, #tpu.memory_space<vmem_shared>> -> memref<50176xf32, #tpu.memory_space<vmem_shared>>
      tpu.wait_indirect_dma semaphore(%arg28 : memref<!tpu.dma_semaphore, #tpu.memory_space<semaphore_mem>>) src(%dma_wait3A_100 : memref<50176xf32, #tpu.memory_space<vmem_shared>>) dst(%arg14 : memref<10000xf32, #tpu.memory_space<vmem>>)
      "tpu.region"() ({
        %run_scoped3A = tpu.sem_alloc : memref<!tpu.dma_semaphore, #tpu.memory_space<semaphore_mem>>
        %dma_start3A_103 = arith.constant 0 : i32
        %dma_start3A_104 = tpu.memref_slice %arg26[%dma_start3A_103] : memref<50176xf32, #tpu.memory_space<vmem_shared>> -> memref<50176xf32, #tpu.memory_space<vmem_shared>>
        tpu.enqueue_indirect_dma source(%arg14 : memref<10000xf32, #tpu.memory_space<vmem>>) target(%dma_start3A_104 : memref<50176xf32, #tpu.memory_space<vmem_shared>>) offsets(%arg12 : memref<10000xi32, #tpu.memory_space<vmem>>) semaphore(%run_scoped3A : memref<!tpu.dma_semaphore, #tpu.memory_space<semaphore_mem>>) {add = true}
        %dma_wait3A_105 = arith.constant 0 : i32
        %dma_wait3A_106 = tpu.memref_slice %arg26[%dma_wait3A_105] : memref<50176xf32, #tpu.memory_space<vmem_shared>> -> memref<50176xf32, #tpu.memory_space<vmem_shared>>
        tpu.wait_indirect_dma semaphore(%run_scoped3A : memref<!tpu.dma_semaphore, #tpu.memory_space<semaphore_mem>>) src(%arg14 : memref<10000xf32, #tpu.memory_space<vmem>>) dst(%dma_wait3A_106 : memref<50176xf32, #tpu.memory_space<vmem_shared>>)
        tpu.yield
      }) : () -> ()
      "tpu.region"() ({
        %run_scoped3A = tpu.sem_alloc : memref<!tpu.dma_semaphore, #tpu.memory_space<semaphore_mem>>
        %dma_start3A_103 = arith.constant 0 : i32
        %dma_start3A_104 = tpu.memref_slice %arg22[%dma_start3A_103] : memref<50176xf32, #tpu.memory_space<vmem_shared>> -> memref<50176xf32, #tpu.memory_space<vmem_shared>>
        tpu.enqueue_indirect_dma source(%arg15 : memref<10000xf32, #tpu.memory_space<vmem>>) target(%dma_start3A_104 : memref<50176xf32, #tpu.memory_space<vmem_shared>>) offsets(%arg11 : memref<10000xi32, #tpu.memory_space<vmem>>) semaphore(%run_scoped3A : memref<!tpu.dma_semaphore, #tpu.memory_space<semaphore_mem>>) {add = true}
        %dma_wait3A_105 = arith.constant 0 : i32
        %dma_wait3A_106 = tpu.memref_slice %arg22[%dma_wait3A_105] : memref<50176xf32, #tpu.memory_space<vmem_shared>> -> memref<50176xf32, #tpu.memory_space<vmem_shared>>
        tpu.wait_indirect_dma semaphore(%run_scoped3A : memref<!tpu.dma_semaphore, #tpu.memory_space<semaphore_mem>>) src(%arg15 : memref<10000xf32, #tpu.memory_space<vmem>>) dst(%dma_wait3A_106 : memref<50176xf32, #tpu.memory_space<vmem_shared>>)
        tpu.yield
      }) : () -> ()
      "tpu.region"() ({
        %run_scoped3A = tpu.sem_alloc : memref<!tpu.dma_semaphore, #tpu.memory_space<semaphore_mem>>
        %dma_start3A_103 = arith.constant 0 : i32
        %dma_start3A_104 = tpu.memref_slice %arg21[%dma_start3A_103] : memref<50176xf32, #tpu.memory_space<vmem_shared>> -> memref<50176xf32, #tpu.memory_space<vmem_shared>>
        tpu.enqueue_indirect_dma source(%arg15 : memref<10000xf32, #tpu.memory_space<vmem>>) target(%dma_start3A_104 : memref<50176xf32, #tpu.memory_space<vmem_shared>>) offsets(%arg9 : memref<10000xi32, #tpu.memory_space<vmem>>) semaphore(%run_scoped3A : memref<!tpu.dma_semaphore, #tpu.memory_space<semaphore_mem>>) {add = true}
        %dma_wait3A_105 = arith.constant 0 : i32
        %dma_wait3A_106 = tpu.memref_slice %arg21[%dma_wait3A_105] : memref<50176xf32, #tpu.memory_space<vmem_shared>> -> memref<50176xf32, #tpu.memory_space<vmem_shared>>
        tpu.wait_indirect_dma semaphore(%run_scoped3A : memref<!tpu.dma_semaphore, #tpu.memory_space<semaphore_mem>>) src(%arg15 : memref<10000xf32, #tpu.memory_space<vmem>>) dst(%dma_wait3A_106 : memref<50176xf32, #tpu.memory_space<vmem_shared>>)
        tpu.yield
      }) : () -> ()
      %dma_wait3A_101 = arith.constant 0 : i32
      %dma_wait3A_102 = tpu.memref_slice %arg23[%dma_wait3A_101] : memref<50176xf32, #tpu.memory_space<vmem_shared>> -> memref<50176xf32, #tpu.memory_space<vmem_shared>>
      tpu.wait_indirect_dma semaphore(%arg27 : memref<!tpu.dma_semaphore, #tpu.memory_space<semaphore_mem>>) src(%dma_wait3A_102 : memref<50176xf32, #tpu.memory_space<vmem_shared>>) dst(%arg13 : memref<10000xf32, #tpu.memory_space<vmem>>)
      "tpu.region"() ({
        %run_scoped3A = tpu.sem_alloc : memref<!tpu.dma_semaphore, #tpu.memory_space<semaphore_mem>>
        %dma_start3A_103 = arith.constant 0 : i32
        %dma_start3A_104 = tpu.memref_slice %arg26[%dma_start3A_103] : memref<50176xf32, #tpu.memory_space<vmem_shared>> -> memref<50176xf32, #tpu.memory_space<vmem_shared>>
        tpu.enqueue_indirect_dma source(%arg13 : memref<10000xf32, #tpu.memory_space<vmem>>) target(%dma_start3A_104 : memref<50176xf32, #tpu.memory_space<vmem_shared>>) offsets(%arg11 : memref<10000xi32, #tpu.memory_space<vmem>>) semaphore(%run_scoped3A : memref<!tpu.dma_semaphore, #tpu.memory_space<semaphore_mem>>) {add = true}
        %dma_wait3A_105 = arith.constant 0 : i32
        %dma_wait3A_106 = tpu.memref_slice %arg26[%dma_wait3A_105] : memref<50176xf32, #tpu.memory_space<vmem_shared>> -> memref<50176xf32, #tpu.memory_space<vmem_shared>>
        tpu.wait_indirect_dma semaphore(%run_scoped3A : memref<!tpu.dma_semaphore, #tpu.memory_space<semaphore_mem>>) src(%arg13 : memref<10000xf32, #tpu.memory_space<vmem>>) dst(%dma_wait3A_106 : memref<50176xf32, #tpu.memory_space<vmem_shared>>)
        tpu.yield
      }) : () -> ()
    } else {
    }
    %barrier3A_15 = arith.constant 0 : index
    tpu.barrier barrier_id(%barrier3A_15)
    "tpu.region"() ({
      %run_scoped3A = tpu.sem_alloc : memref<!tpu.dma_semaphore, #tpu.memory_space<semaphore_mem>>
      %dma_start3A = tpu.memref_slice %arg26[%mul3A_1] : memref<50176xf32, #tpu.memory_space<vmem_shared>> -> memref<3136xf32, #tpu.memory_space<vmem_shared>>
      %dma_start3A_68 = tpu.memref_slice %arg26[%mul3A_1] : memref<50176xf32, #tpu.memory_space<vmem_shared>> -> memref<3136xf32, #tpu.memory_space<vmem_shared>>
      tpu.enqueue_dma source(%dma_start3A_68 : memref<3136xf32, #tpu.memory_space<vmem_shared>>) target(%arg16 : memref<3136xf32, #tpu.memory_space<vmem>>) target_semaphore(%run_scoped3A : memref<!tpu.dma_semaphore, #tpu.memory_space<semaphore_mem>>)
      %dma_wait3A = tpu.memref_slice %arg26[%mul3A_1] : memref<50176xf32, #tpu.memory_space<vmem_shared>> -> memref<3136xf32, #tpu.memory_space<vmem_shared>>
      %dma_wait3A_69 = tpu.memref_slice %arg26[%mul3A_1] : memref<50176xf32, #tpu.memory_space<vmem_shared>> -> memref<3136xf32, #tpu.memory_space<vmem_shared>>
      tpu.wait_dma2 semaphore(%run_scoped3A : memref<!tpu.dma_semaphore, #tpu.memory_space<semaphore_mem>>) src(%dma_wait3A_69 : memref<3136xf32, #tpu.memory_space<vmem_shared>>) dst(%arg16 : memref<3136xf32, #tpu.memory_space<vmem>>)
      tpu.yield
    }) : () -> ()
    "tpu.region"() ({
      %run_scoped3A = tpu.sem_alloc : memref<!tpu.dma_semaphore, #tpu.memory_space<semaphore_mem>>
      %dma_start3A = tpu.memref_slice %arg22[%mul3A_1] : memref<50176xf32, #tpu.memory_space<vmem_shared>> -> memref<3136xf32, #tpu.memory_space<vmem_shared>>
      %dma_start3A_68 = tpu.memref_slice %arg22[%mul3A_1] : memref<50176xf32, #tpu.memory_space<vmem_shared>> -> memref<3136xf32, #tpu.memory_space<vmem_shared>>
      tpu.enqueue_dma source(%dma_start3A_68 : memref<3136xf32, #tpu.memory_space<vmem_shared>>) target(%arg17 : memref<3136xf32, #tpu.memory_space<vmem>>) target_semaphore(%run_scoped3A : memref<!tpu.dma_semaphore, #tpu.memory_space<semaphore_mem>>)
      %dma_wait3A = tpu.memref_slice %arg22[%mul3A_1] : memref<50176xf32, #tpu.memory_space<vmem_shared>> -> memref<3136xf32, #tpu.memory_space<vmem_shared>>
      %dma_wait3A_69 = tpu.memref_slice %arg22[%mul3A_1] : memref<50176xf32, #tpu.memory_space<vmem_shared>> -> memref<3136xf32, #tpu.memory_space<vmem_shared>>
      tpu.wait_dma2 semaphore(%run_scoped3A : memref<!tpu.dma_semaphore, #tpu.memory_space<semaphore_mem>>) src(%dma_wait3A_69 : memref<3136xf32, #tpu.memory_space<vmem_shared>>) dst(%arg17 : memref<3136xf32, #tpu.memory_space<vmem>>)
      tpu.yield
    }) : () -> ()
    %scan3A_16 = arith.constant 0 : i32
    %scan3A_17 = arith.constant 196 : i32
    %scan3A_18 = arith.addi %scan3A_16, %scan3A_17 : i32
    %scan3A_19 = arith.constant 1 : i32
    scf.for %scan3A_68 = %scan3A_16 to %scan3A_18 step %scan3A_19  : i32 {
      %mul3A_69 = arith.constant 1 : i32
      %mul3A_70 = arith.muli %scan3A_68, %mul3A_69 : i32
      %add3A = arith.constant 0 : i32
      %add3A_71 = arith.addi %add3A, %mul3A_70 : i32
      %mul3A_72 = arith.constant 16 : i32
      %mul3A_73 = arith.muli %add3A_71, %mul3A_72 : i32
      %get3A_74 = arith.index_cast %mul3A_73 : i32 to index
      %get3A_75 = tpu.vector_load %arg16[%get3A_74] {strides = array<i32>} : memref<3136xf32, #tpu.memory_space<vmem>>, vector<16xf32>,
      %get3A_76 = vector.shape_cast %get3A_75 : vector<16xf32> to vector<16xf32>
      %get3A_77 = arith.index_cast %mul3A_73 : i32 to index
      %get3A_78 = tpu.vector_load %arg17[%get3A_77] {strides = array<i32>} : memref<3136xf32, #tpu.memory_space<vmem>>, vector<16xf32>,
      %get3A_79 = vector.shape_cast %get3A_78 : vector<16xf32> to vector<16xf32>
      %eq3A_80 = arith.constant 0.000000e+00 : f32
      %eq3A_81 = vector.broadcast %eq3A_80 : f32 to vector<16xf32>
      %eq3A_82 = arith.cmpf oeq, %get3A_79, %eq3A_81 : vector<16xf32>
      %div3A = arith.divf %get3A_76, %get3A_79 : vector<16xf32>
      %jit3A = arith.constant 0.000000e+00 : f32
      %broadcast_in_dim3A_83 = vector.broadcast %jit3A : f32 to vector<16xf32>
      %select_n3A = arith.select %eq3A_82, %broadcast_in_dim3A_83, %div3A : vector<16xi1>, vector<16xf32>
      %swap3A = arith.index_cast %mul3A_73 : i32 to index
      %swap3A_84 = tpu.vector_load %arg16[%swap3A] {strides = array<i32>} : memref<3136xf32, #tpu.memory_space<vmem>>, vector<16xf32>,
      %swap3A_85 = vector.shape_cast %swap3A_84 : vector<16xf32> to vector<16xf32>
      %swap3A_86 = vector.shape_cast %select_n3A : vector<16xf32> to vector<16xf32>
      tpu.vector_store %arg16[%swap3A], %swap3A_86 {strides = array<i32>} : memref<3136xf32, #tpu.memory_space<vmem>>, vector<16xf32>,
    }
    %scan3A_20 = arith.constant 196 : i32
    "tpu.region"() ({
      %run_scoped3A = tpu.sem_alloc : memref<!tpu.dma_semaphore, #tpu.memory_space<semaphore_mem>>
      %dma_start3A = tpu.memref_slice %arg24[%mul3A_1] : memref<50176xf32, #tpu.memory_space<vmem_shared>> -> memref<3136xf32, #tpu.memory_space<vmem_shared>>
      %dma_start3A_68 = tpu.memref_slice %arg24[%mul3A_1] : memref<50176xf32, #tpu.memory_space<vmem_shared>> -> memref<3136xf32, #tpu.memory_space<vmem_shared>>
      tpu.enqueue_dma source(%arg16 : memref<3136xf32, #tpu.memory_space<vmem>>) target(%dma_start3A_68 : memref<3136xf32, #tpu.memory_space<vmem_shared>>) target_semaphore(%run_scoped3A : memref<!tpu.dma_semaphore, #tpu.memory_space<semaphore_mem>>)
      %dma_wait3A = tpu.memref_slice %arg24[%mul3A_1] : memref<50176xf32, #tpu.memory_space<vmem_shared>> -> memref<3136xf32, #tpu.memory_space<vmem_shared>>
      %dma_wait3A_69 = tpu.memref_slice %arg24[%mul3A_1] : memref<50176xf32, #tpu.memory_space<vmem_shared>> -> memref<3136xf32, #tpu.memory_space<vmem_shared>>
      tpu.wait_dma2 semaphore(%run_scoped3A : memref<!tpu.dma_semaphore, #tpu.memory_space<semaphore_mem>>) src(%arg16 : memref<3136xf32, #tpu.memory_space<vmem>>) dst(%dma_wait3A_69 : memref<3136xf32, #tpu.memory_space<vmem_shared>>)
      tpu.yield
    }) : () -> ()
    %barrier3A_21 = arith.constant 0 : index
    tpu.barrier barrier_id(%barrier3A_21)
    %convert_element_type3A_22 = arith.extui %eq3A_0 : i1 to i32
    %cond3A_23 = arith.constant 0 : i32
    %cond3A_24 = arith.cmpi ne, %convert_element_type3A_22, %cond3A_23 : i32
    scf.if %cond3A_24 {
      %mul3A_68 = arith.constant 50000 : i32
      %mul3A_69 = arith.muli %arg1, %mul3A_68 : i32
      "tpu.region"() ({
        %run_scoped3A = tpu.sem_alloc : memref<!tpu.dma_semaphore, #tpu.memory_space<semaphore_mem>>
        %dma_start3A_103 = tpu.memref_slice %arg4[%mul3A_69] : memref<800000xi32, #tpu.memory_space<hbm>> -> memref<10000xi32, #tpu.memory_space<hbm>>
        %dma_start3A_104 = tpu.memref_slice %arg4[%mul3A_69] : memref<800000xi32, #tpu.memory_space<hbm>> -> memref<10000xi32, #tpu.memory_space<hbm>>
        tpu.enqueue_dma source(%dma_start3A_104 : memref<10000xi32, #tpu.memory_space<hbm>>) target(%arg9 : memref<10000xi32, #tpu.memory_space<vmem>>) target_semaphore(%run_scoped3A : memref<!tpu.dma_semaphore, #tpu.memory_space<semaphore_mem>>)
        %dma_wait3A_105 = tpu.memref_slice %arg4[%mul3A_69] : memref<800000xi32, #tpu.memory_space<hbm>> -> memref<10000xi32, #tpu.memory_space<hbm>>
        %dma_wait3A_106 = tpu.memref_slice %arg4[%mul3A_69] : memref<800000xi32, #tpu.memory_space<hbm>> -> memref<10000xi32, #tpu.memory_space<hbm>>
        tpu.wait_dma2 semaphore(%run_scoped3A : memref<!tpu.dma_semaphore, #tpu.memory_space<semaphore_mem>>) src(%dma_wait3A_106 : memref<10000xi32, #tpu.memory_space<hbm>>) dst(%arg9 : memref<10000xi32, #tpu.memory_space<vmem>>)
        tpu.yield
      }) : () -> ()
      "tpu.region"() ({
        %run_scoped3A = tpu.sem_alloc : memref<!tpu.dma_semaphore, #tpu.memory_space<semaphore_mem>>
        %dma_start3A_103 = tpu.memref_slice %arg3[%mul3A_69] : memref<800000xi32, #tpu.memory_space<hbm>> -> memref<10000xi32, #tpu.memory_space<hbm>>
        %dma_start3A_104 = tpu.memref_slice %arg3[%mul3A_69] : memref<800000xi32, #tpu.memory_space<hbm>> -> memref<10000xi32, #tpu.memory_space<hbm>>
        tpu.enqueue_dma source(%dma_start3A_104 : memref<10000xi32, #tpu.memory_space<hbm>>) target(%arg11 : memref<10000xi32, #tpu.memory_space<vmem>>) target_semaphore(%run_scoped3A : memref<!tpu.dma_semaphore, #tpu.memory_space<semaphore_mem>>)
        %dma_wait3A_105 = tpu.memref_slice %arg3[%mul3A_69] : memref<800000xi32, #tpu.memory_space<hbm>> -> memref<10000xi32, #tpu.memory_space<hbm>>
        %dma_wait3A_106 = tpu.memref_slice %arg3[%mul3A_69] : memref<800000xi32, #tpu.memory_space<hbm>> -> memref<10000xi32, #tpu.memory_space<hbm>>
        tpu.wait_dma2 semaphore(%run_scoped3A : memref<!tpu.dma_semaphore, #tpu.memory_space<semaphore_mem>>) src(%dma_wait3A_106 : memref<10000xi32, #tpu.memory_space<hbm>>) dst(%arg11 : memref<10000xi32, #tpu.memory_space<vmem>>)
        tpu.yield
      }) : () -> ()
      %dma_start3A = arith.constant 0 : i32
      %dma_start3A_70 = tpu.memref_slice %arg24[%dma_start3A] : memref<50176xf32, #tpu.memory_space<vmem_shared>> -> memref<50176xf32, #tpu.memory_space<vmem_shared>>
      tpu.enqueue_indirect_dma source(%dma_start3A_70 : memref<50176xf32, #tpu.memory_space<vmem_shared>>) target(%arg13 : memref<10000xf32, #tpu.memory_space<vmem>>) offsets(%arg9 : memref<10000xi32, #tpu.memory_space<vmem>>) semaphore(%arg27 : memref<!tpu.dma_semaphore, #tpu.memory_space<semaphore_mem>>)
      %add3A = arith.constant 10000 : i32
      %add3A_71 = arith.addi %mul3A_69, %add3A : i32
      "tpu.region"() ({
        %run_scoped3A = tpu.sem_alloc : memref<!tpu.dma_semaphore, #tpu.memory_space<semaphore_mem>>
        %dma_start3A_103 = tpu.memref_slice %arg4[%add3A_71] : memref<800000xi32, #tpu.memory_space<hbm>> -> memref<10000xi32, #tpu.memory_space<hbm>>
        %dma_start3A_104 = tpu.memref_slice %arg4[%add3A_71] : memref<800000xi32, #tpu.memory_space<hbm>> -> memref<10000xi32, #tpu.memory_space<hbm>>
        tpu.enqueue_dma source(%dma_start3A_104 : memref<10000xi32, #tpu.memory_space<hbm>>) target(%arg10 : memref<10000xi32, #tpu.memory_space<vmem>>) target_semaphore(%run_scoped3A : memref<!tpu.dma_semaphore, #tpu.memory_space<semaphore_mem>>)
        %dma_wait3A_105 = tpu.memref_slice %arg4[%add3A_71] : memref<800000xi32, #tpu.memory_space<hbm>> -> memref<10000xi32, #tpu.memory_space<hbm>>
        %dma_wait3A_106 = tpu.memref_slice %arg4[%add3A_71] : memref<800000xi32, #tpu.memory_space<hbm>> -> memref<10000xi32, #tpu.memory_space<hbm>>
        tpu.wait_dma2 semaphore(%run_scoped3A : memref<!tpu.dma_semaphore, #tpu.memory_space<semaphore_mem>>) src(%dma_wait3A_106 : memref<10000xi32, #tpu.memory_space<hbm>>) dst(%arg10 : memref<10000xi32, #tpu.memory_space<vmem>>)
        tpu.yield
      }) : () -> ()
      %add3A_72 = arith.constant 10000 : i32
      %add3A_73 = arith.addi %mul3A_69, %add3A_72 : i32
      "tpu.region"() ({
        %run_scoped3A = tpu.sem_alloc : memref<!tpu.dma_semaphore, #tpu.memory_space<semaphore_mem>>
        %dma_start3A_103 = tpu.memref_slice %arg3[%add3A_73] : memref<800000xi32, #tpu.memory_space<hbm>> -> memref<10000xi32, #tpu.memory_space<hbm>>
        %dma_start3A_104 = tpu.memref_slice %arg3[%add3A_73] : memref<800000xi32, #tpu.memory_space<hbm>> -> memref<10000xi32, #tpu.memory_space<hbm>>
        tpu.enqueue_dma source(%dma_start3A_104 : memref<10000xi32, #tpu.memory_space<hbm>>) target(%arg12 : memref<10000xi32, #tpu.memory_space<vmem>>) target_semaphore(%run_scoped3A : memref<!tpu.dma_semaphore, #tpu.memory_space<semaphore_mem>>)
        %dma_wait3A_105 = tpu.memref_slice %arg3[%add3A_73] : memref<800000xi32, #tpu.memory_space<hbm>> -> memref<10000xi32, #tpu.memory_space<hbm>>
        %dma_wait3A_106 = tpu.memref_slice %arg3[%add3A_73] : memref<800000xi32, #tpu.memory_space<hbm>> -> memref<10000xi32, #tpu.memory_space<hbm>>
        tpu.wait_dma2 semaphore(%run_scoped3A : memref<!tpu.dma_semaphore, #tpu.memory_space<semaphore_mem>>) src(%dma_wait3A_106 : memref<10000xi32, #tpu.memory_space<hbm>>) dst(%arg12 : memref<10000xi32, #tpu.memory_space<vmem>>)
        tpu.yield
      }) : () -> ()
      %dma_start3A_74 = arith.constant 0 : i32
      %dma_start3A_75 = tpu.memref_slice %arg24[%dma_start3A_74] : memref<50176xf32, #tpu.memory_space<vmem_shared>> -> memref<50176xf32, #tpu.memory_space<vmem_shared>>
      tpu.enqueue_indirect_dma source(%dma_start3A_75 : memref<50176xf32, #tpu.memory_space<vmem_shared>>) target(%arg14 : memref<10000xf32, #tpu.memory_space<vmem>>) offsets(%arg10 : memref<10000xi32, #tpu.memory_space<vmem>>) semaphore(%arg28 : memref<!tpu.dma_semaphore, #tpu.memory_space<semaphore_mem>>)
      %dma_wait3A = arith.constant 0 : i32
      %dma_wait3A_76 = tpu.memref_slice %arg24[%dma_wait3A] : memref<50176xf32, #tpu.memory_space<vmem_shared>> -> memref<50176xf32, #tpu.memory_space<vmem_shared>>
      tpu.wait_indirect_dma semaphore(%arg27 : memref<!tpu.dma_semaphore, #tpu.memory_space<semaphore_mem>>) src(%dma_wait3A_76 : memref<50176xf32, #tpu.memory_space<vmem_shared>>) dst(%arg13 : memref<10000xf32, #tpu.memory_space<vmem>>)
      "tpu.region"() ({
        %run_scoped3A = tpu.sem_alloc : memref<!tpu.dma_semaphore, #tpu.memory_space<semaphore_mem>>
        %dma_start3A_103 = arith.constant 0 : i32
        %dma_start3A_104 = tpu.memref_slice %arg25[%dma_start3A_103] : memref<50176xf32, #tpu.memory_space<vmem_shared>> -> memref<50176xf32, #tpu.memory_space<vmem_shared>>
        tpu.enqueue_indirect_dma source(%arg13 : memref<10000xf32, #tpu.memory_space<vmem>>) target(%dma_start3A_104 : memref<50176xf32, #tpu.memory_space<vmem_shared>>) offsets(%arg11 : memref<10000xi32, #tpu.memory_space<vmem>>) semaphore(%run_scoped3A : memref<!tpu.dma_semaphore, #tpu.memory_space<semaphore_mem>>) {add = true}
        %dma_wait3A_105 = arith.constant 0 : i32
        %dma_wait3A_106 = tpu.memref_slice %arg25[%dma_wait3A_105] : memref<50176xf32, #tpu.memory_space<vmem_shared>> -> memref<50176xf32, #tpu.memory_space<vmem_shared>>
        tpu.wait_indirect_dma semaphore(%run_scoped3A : memref<!tpu.dma_semaphore, #tpu.memory_space<semaphore_mem>>) src(%arg13 : memref<10000xf32, #tpu.memory_space<vmem>>) dst(%dma_wait3A_106 : memref<50176xf32, #tpu.memory_space<vmem_shared>>)
        tpu.yield
      }) : () -> ()
      %add3A_77 = arith.constant 20000 : i32
      %add3A_78 = arith.addi %mul3A_69, %add3A_77 : i32
      "tpu.region"() ({
        %run_scoped3A = tpu.sem_alloc : memref<!tpu.dma_semaphore, #tpu.memory_space<semaphore_mem>>
        %dma_start3A_103 = tpu.memref_slice %arg4[%add3A_78] : memref<800000xi32, #tpu.memory_space<hbm>> -> memref<10000xi32, #tpu.memory_space<hbm>>
        %dma_start3A_104 = tpu.memref_slice %arg4[%add3A_78] : memref<800000xi32, #tpu.memory_space<hbm>> -> memref<10000xi32, #tpu.memory_space<hbm>>
        tpu.enqueue_dma source(%dma_start3A_104 : memref<10000xi32, #tpu.memory_space<hbm>>) target(%arg9 : memref<10000xi32, #tpu.memory_space<vmem>>) target_semaphore(%run_scoped3A : memref<!tpu.dma_semaphore, #tpu.memory_space<semaphore_mem>>)
        %dma_wait3A_105 = tpu.memref_slice %arg4[%add3A_78] : memref<800000xi32, #tpu.memory_space<hbm>> -> memref<10000xi32, #tpu.memory_space<hbm>>
        %dma_wait3A_106 = tpu.memref_slice %arg4[%add3A_78] : memref<800000xi32, #tpu.memory_space<hbm>> -> memref<10000xi32, #tpu.memory_space<hbm>>
        tpu.wait_dma2 semaphore(%run_scoped3A : memref<!tpu.dma_semaphore, #tpu.memory_space<semaphore_mem>>) src(%dma_wait3A_106 : memref<10000xi32, #tpu.memory_space<hbm>>) dst(%arg9 : memref<10000xi32, #tpu.memory_space<vmem>>)
        tpu.yield
      }) : () -> ()
      %add3A_79 = arith.constant 20000 : i32
      %add3A_80 = arith.addi %mul3A_69, %add3A_79 : i32
      "tpu.region"() ({
        %run_scoped3A = tpu.sem_alloc : memref<!tpu.dma_semaphore, #tpu.memory_space<semaphore_mem>>
        %dma_start3A_103 = tpu.memref_slice %arg3[%add3A_80] : memref<800000xi32, #tpu.memory_space<hbm>> -> memref<10000xi32, #tpu.memory_space<hbm>>
        %dma_start3A_104 = tpu.memref_slice %arg3[%add3A_80] : memref<800000xi32, #tpu.memory_space<hbm>> -> memref<10000xi32, #tpu.memory_space<hbm>>
        tpu.enqueue_dma source(%dma_start3A_104 : memref<10000xi32, #tpu.memory_space<hbm>>) target(%arg11 : memref<10000xi32, #tpu.memory_space<vmem>>) target_semaphore(%run_scoped3A : memref<!tpu.dma_semaphore, #tpu.memory_space<semaphore_mem>>)
        %dma_wait3A_105 = tpu.memref_slice %arg3[%add3A_80] : memref<800000xi32, #tpu.memory_space<hbm>> -> memref<10000xi32, #tpu.memory_space<hbm>>
        %dma_wait3A_106 = tpu.memref_slice %arg3[%add3A_80] : memref<800000xi32, #tpu.memory_space<hbm>> -> memref<10000xi32, #tpu.memory_space<hbm>>
        tpu.wait_dma2 semaphore(%run_scoped3A : memref<!tpu.dma_semaphore, #tpu.memory_space<semaphore_mem>>) src(%dma_wait3A_106 : memref<10000xi32, #tpu.memory_space<hbm>>) dst(%arg11 : memref<10000xi32, #tpu.memory_space<vmem>>)
        tpu.yield
      }) : () -> ()
      %dma_start3A_81 = arith.constant 0 : i32
      %dma_start3A_82 = tpu.memref_slice %arg24[%dma_start3A_81] : memref<50176xf32, #tpu.memory_space<vmem_shared>> -> memref<50176xf32, #tpu.memory_space<vmem_shared>>
      tpu.enqueue_indirect_dma source(%dma_start3A_82 : memref<50176xf32, #tpu.memory_space<vmem_shared>>) target(%arg13 : memref<10000xf32, #tpu.memory_space<vmem>>) offsets(%arg9 : memref<10000xi32, #tpu.memory_space<vmem>>) semaphore(%arg27 : memref<!tpu.dma_semaphore, #tpu.memory_space<semaphore_mem>>)
      %dma_wait3A_83 = arith.constant 0 : i32
      %dma_wait3A_84 = tpu.memref_slice %arg24[%dma_wait3A_83] : memref<50176xf32, #tpu.memory_space<vmem_shared>> -> memref<50176xf32, #tpu.memory_space<vmem_shared>>
      tpu.wait_indirect_dma semaphore(%arg28 : memref<!tpu.dma_semaphore, #tpu.memory_space<semaphore_mem>>) src(%dma_wait3A_84 : memref<50176xf32, #tpu.memory_space<vmem_shared>>) dst(%arg14 : memref<10000xf32, #tpu.memory_space<vmem>>)
      "tpu.region"() ({
        %run_scoped3A = tpu.sem_alloc : memref<!tpu.dma_semaphore, #tpu.memory_space<semaphore_mem>>
        %dma_start3A_103 = arith.constant 0 : i32
        %dma_start3A_104 = tpu.memref_slice %arg25[%dma_start3A_103] : memref<50176xf32, #tpu.memory_space<vmem_shared>> -> memref<50176xf32, #tpu.memory_space<vmem_shared>>
        tpu.enqueue_indirect_dma source(%arg14 : memref<10000xf32, #tpu.memory_space<vmem>>) target(%dma_start3A_104 : memref<50176xf32, #tpu.memory_space<vmem_shared>>) offsets(%arg12 : memref<10000xi32, #tpu.memory_space<vmem>>) semaphore(%run_scoped3A : memref<!tpu.dma_semaphore, #tpu.memory_space<semaphore_mem>>) {add = true}
        %dma_wait3A_105 = arith.constant 0 : i32
        %dma_wait3A_106 = tpu.memref_slice %arg25[%dma_wait3A_105] : memref<50176xf32, #tpu.memory_space<vmem_shared>> -> memref<50176xf32, #tpu.memory_space<vmem_shared>>
        tpu.wait_indirect_dma semaphore(%run_scoped3A : memref<!tpu.dma_semaphore, #tpu.memory_space<semaphore_mem>>) src(%arg14 : memref<10000xf32, #tpu.memory_space<vmem>>) dst(%dma_wait3A_106 : memref<50176xf32, #tpu.memory_space<vmem_shared>>)
        tpu.yield
      }) : () -> ()
      %add3A_85 = arith.constant 30000 : i32
      %add3A_86 = arith.addi %mul3A_69, %add3A_85 : i32
      "tpu.region"() ({
        %run_scoped3A = tpu.sem_alloc : memref<!tpu.dma_semaphore, #tpu.memory_space<semaphore_mem>>
        %dma_start3A_103 = tpu.memref_slice %arg4[%add3A_86] : memref<800000xi32, #tpu.memory_space<hbm>> -> memref<10000xi32, #tpu.memory_space<hbm>>
        %dma_start3A_104 = tpu.memref_slice %arg4[%add3A_86] : memref<800000xi32, #tpu.memory_space<hbm>> -> memref<10000xi32, #tpu.memory_space<hbm>>
        tpu.enqueue_dma source(%dma_start3A_104 : memref<10000xi32, #tpu.memory_space<hbm>>) target(%arg10 : memref<10000xi32, #tpu.memory_space<vmem>>) target_semaphore(%run_scoped3A : memref<!tpu.dma_semaphore, #tpu.memory_space<semaphore_mem>>)
        %dma_wait3A_105 = tpu.memref_slice %arg4[%add3A_86] : memref<800000xi32, #tpu.memory_space<hbm>> -> memref<10000xi32, #tpu.memory_space<hbm>>
        %dma_wait3A_106 = tpu.memref_slice %arg4[%add3A_86] : memref<800000xi32, #tpu.memory_space<hbm>> -> memref<10000xi32, #tpu.memory_space<hbm>>
        tpu.wait_dma2 semaphore(%run_scoped3A : memref<!tpu.dma_semaphore, #tpu.memory_space<semaphore_mem>>) src(%dma_wait3A_106 : memref<10000xi32, #tpu.memory_space<hbm>>) dst(%arg10 : memref<10000xi32, #tpu.memory_space<vmem>>)
        tpu.yield
      }) : () -> ()
      %add3A_87 = arith.constant 30000 : i32
      %add3A_88 = arith.addi %mul3A_69, %add3A_87 : i32
      "tpu.region"() ({
        %run_scoped3A = tpu.sem_alloc : memref<!tpu.dma_semaphore, #tpu.memory_space<semaphore_mem>>
        %dma_start3A_103 = tpu.memref_slice %arg3[%add3A_88] : memref<800000xi32, #tpu.memory_space<hbm>> -> memref<10000xi32, #tpu.memory_space<hbm>>
        %dma_start3A_104 = tpu.memref_slice %arg3[%add3A_88] : memref<800000xi32, #tpu.memory_space<hbm>> -> memref<10000xi32, #tpu.memory_space<hbm>>
        tpu.enqueue_dma source(%dma_start3A_104 : memref<10000xi32, #tpu.memory_space<hbm>>) target(%arg12 : memref<10000xi32, #tpu.memory_space<vmem>>) target_semaphore(%run_scoped3A : memref<!tpu.dma_semaphore, #tpu.memory_space<semaphore_mem>>)
        %dma_wait3A_105 = tpu.memref_slice %arg3[%add3A_88] : memref<800000xi32, #tpu.memory_space<hbm>> -> memref<10000xi32, #tpu.memory_space<hbm>>
        %dma_wait3A_106 = tpu.memref_slice %arg3[%add3A_88] : memref<800000xi32, #tpu.memory_space<hbm>> -> memref<10000xi32, #tpu.memory_space<hbm>>
        tpu.wait_dma2 semaphore(%run_scoped3A : memref<!tpu.dma_semaphore, #tpu.memory_space<semaphore_mem>>) src(%dma_wait3A_106 : memref<10000xi32, #tpu.memory_space<hbm>>) dst(%arg12 : memref<10000xi32, #tpu.memory_space<vmem>>)
        tpu.yield
      }) : () -> ()
      %dma_start3A_89 = arith.constant 0 : i32
      %dma_start3A_90 = tpu.memref_slice %arg24[%dma_start3A_89] : memref<50176xf32, #tpu.memory_space<vmem_shared>> -> memref<50176xf32, #tpu.memory_space<vmem_shared>>
      tpu.enqueue_indirect_dma source(%dma_start3A_90 : memref<50176xf32, #tpu.memory_space<vmem_shared>>) target(%arg14 : memref<10000xf32, #tpu.memory_space<vmem>>) offsets(%arg10 : memref<10000xi32, #tpu.memory_space<vmem>>) semaphore(%arg28 : memref<!tpu.dma_semaphore, #tpu.memory_space<semaphore_mem>>)
      %dma_wait3A_91 = arith.constant 0 : i32
      %dma_wait3A_92 = tpu.memref_slice %arg24[%dma_wait3A_91] : memref<50176xf32, #tpu.memory_space<vmem_shared>> -> memref<50176xf32, #tpu.memory_space<vmem_shared>>
      tpu.wait_indirect_dma semaphore(%arg27 : memref<!tpu.dma_semaphore, #tpu.memory_space<semaphore_mem>>) src(%dma_wait3A_92 : memref<50176xf32, #tpu.memory_space<vmem_shared>>) dst(%arg13 : memref<10000xf32, #tpu.memory_space<vmem>>)
      "tpu.region"() ({
        %run_scoped3A = tpu.sem_alloc : memref<!tpu.dma_semaphore, #tpu.memory_space<semaphore_mem>>
        %dma_start3A_103 = arith.constant 0 : i32
        %dma_start3A_104 = tpu.memref_slice %arg25[%dma_start3A_103] : memref<50176xf32, #tpu.memory_space<vmem_shared>> -> memref<50176xf32, #tpu.memory_space<vmem_shared>>
        tpu.enqueue_indirect_dma source(%arg13 : memref<10000xf32, #tpu.memory_space<vmem>>) target(%dma_start3A_104 : memref<50176xf32, #tpu.memory_space<vmem_shared>>) offsets(%arg11 : memref<10000xi32, #tpu.memory_space<vmem>>) semaphore(%run_scoped3A : memref<!tpu.dma_semaphore, #tpu.memory_space<semaphore_mem>>) {add = true}
        %dma_wait3A_105 = arith.constant 0 : i32
        %dma_wait3A_106 = tpu.memref_slice %arg25[%dma_wait3A_105] : memref<50176xf32, #tpu.memory_space<vmem_shared>> -> memref<50176xf32, #tpu.memory_space<vmem_shared>>
        tpu.wait_indirect_dma semaphore(%run_scoped3A : memref<!tpu.dma_semaphore, #tpu.memory_space<semaphore_mem>>) src(%arg13 : memref<10000xf32, #tpu.memory_space<vmem>>) dst(%dma_wait3A_106 : memref<50176xf32, #tpu.memory_space<vmem_shared>>)
        tpu.yield
      }) : () -> ()
      %add3A_93 = arith.constant 40000 : i32
      %add3A_94 = arith.addi %mul3A_69, %add3A_93 : i32
      "tpu.region"() ({
        %run_scoped3A = tpu.sem_alloc : memref<!tpu.dma_semaphore, #tpu.memory_space<semaphore_mem>>
        %dma_start3A_103 = tpu.memref_slice %arg4[%add3A_94] : memref<800000xi32, #tpu.memory_space<hbm>> -> memref<10000xi32, #tpu.memory_space<hbm>>
        %dma_start3A_104 = tpu.memref_slice %arg4[%add3A_94] : memref<800000xi32, #tpu.memory_space<hbm>> -> memref<10000xi32, #tpu.memory_space<hbm>>
        tpu.enqueue_dma source(%dma_start3A_104 : memref<10000xi32, #tpu.memory_space<hbm>>) target(%arg9 : memref<10000xi32, #tpu.memory_space<vmem>>) target_semaphore(%run_scoped3A : memref<!tpu.dma_semaphore, #tpu.memory_space<semaphore_mem>>)
        %dma_wait3A_105 = tpu.memref_slice %arg4[%add3A_94] : memref<800000xi32, #tpu.memory_space<hbm>> -> memref<10000xi32, #tpu.memory_space<hbm>>
        %dma_wait3A_106 = tpu.memref_slice %arg4[%add3A_94] : memref<800000xi32, #tpu.memory_space<hbm>> -> memref<10000xi32, #tpu.memory_space<hbm>>
        tpu.wait_dma2 semaphore(%run_scoped3A : memref<!tpu.dma_semaphore, #tpu.memory_space<semaphore_mem>>) src(%dma_wait3A_106 : memref<10000xi32, #tpu.memory_space<hbm>>) dst(%arg9 : memref<10000xi32, #tpu.memory_space<vmem>>)
        tpu.yield
      }) : () -> ()
      %add3A_95 = arith.constant 40000 : i32
      %add3A_96 = arith.addi %mul3A_69, %add3A_95 : i32
      "tpu.region"() ({
        %run_scoped3A = tpu.sem_alloc : memref<!tpu.dma_semaphore, #tpu.memory_space<semaphore_mem>>
        %dma_start3A_103 = tpu.memref_slice %arg3[%add3A_96] : memref<800000xi32, #tpu.memory_space<hbm>> -> memref<10000xi32, #tpu.memory_space<hbm>>
        %dma_start3A_104 = tpu.memref_slice %arg3[%add3A_96] : memref<800000xi32, #tpu.memory_space<hbm>> -> memref<10000xi32, #tpu.memory_space<hbm>>
        tpu.enqueue_dma source(%dma_start3A_104 : memref<10000xi32, #tpu.memory_space<hbm>>) target(%arg11 : memref<10000xi32, #tpu.memory_space<vmem>>) target_semaphore(%run_scoped3A : memref<!tpu.dma_semaphore, #tpu.memory_space<semaphore_mem>>)
        %dma_wait3A_105 = tpu.memref_slice %arg3[%add3A_96] : memref<800000xi32, #tpu.memory_space<hbm>> -> memref<10000xi32, #tpu.memory_space<hbm>>
        %dma_wait3A_106 = tpu.memref_slice %arg3[%add3A_96] : memref<800000xi32, #tpu.memory_space<hbm>> -> memref<10000xi32, #tpu.memory_space<hbm>>
        tpu.wait_dma2 semaphore(%run_scoped3A : memref<!tpu.dma_semaphore, #tpu.memory_space<semaphore_mem>>) src(%dma_wait3A_106 : memref<10000xi32, #tpu.memory_space<hbm>>) dst(%arg11 : memref<10000xi32, #tpu.memory_space<vmem>>)
        tpu.yield
      }) : () -> ()
      %dma_start3A_97 = arith.constant 0 : i32
      %dma_start3A_98 = tpu.memref_slice %arg24[%dma_start3A_97] : memref<50176xf32, #tpu.memory_space<vmem_shared>> -> memref<50176xf32, #tpu.memory_space<vmem_shared>>
      tpu.enqueue_indirect_dma source(%dma_start3A_98 : memref<50176xf32, #tpu.memory_space<vmem_shared>>) target(%arg13 : memref<10000xf32, #tpu.memory_space<vmem>>) offsets(%arg9 : memref<10000xi32, #tpu.memory_space<vmem>>) semaphore(%arg27 : memref<!tpu.dma_semaphore, #tpu.memory_space<semaphore_mem>>)
      %dma_wait3A_99 = arith.constant 0 : i32
      %dma_wait3A_100 = tpu.memref_slice %arg24[%dma_wait3A_99] : memref<50176xf32, #tpu.memory_space<vmem_shared>> -> memref<50176xf32, #tpu.memory_space<vmem_shared>>
      tpu.wait_indirect_dma semaphore(%arg28 : memref<!tpu.dma_semaphore, #tpu.memory_space<semaphore_mem>>) src(%dma_wait3A_100 : memref<50176xf32, #tpu.memory_space<vmem_shared>>) dst(%arg14 : memref<10000xf32, #tpu.memory_space<vmem>>)
      "tpu.region"() ({
        %run_scoped3A = tpu.sem_alloc : memref<!tpu.dma_semaphore, #tpu.memory_space<semaphore_mem>>
        %dma_start3A_103 = arith.constant 0 : i32
        %dma_start3A_104 = tpu.memref_slice %arg25[%dma_start3A_103] : memref<50176xf32, #tpu.memory_space<vmem_shared>> -> memref<50176xf32, #tpu.memory_space<vmem_shared>>
        tpu.enqueue_indirect_dma source(%arg14 : memref<10000xf32, #tpu.memory_space<vmem>>) target(%dma_start3A_104 : memref<50176xf32, #tpu.memory_space<vmem_shared>>) offsets(%arg12 : memref<10000xi32, #tpu.memory_space<vmem>>) semaphore(%run_scoped3A : memref<!tpu.dma_semaphore, #tpu.memory_space<semaphore_mem>>) {add = true}
        %dma_wait3A_105 = arith.constant 0 : i32
        %dma_wait3A_106 = tpu.memref_slice %arg25[%dma_wait3A_105] : memref<50176xf32, #tpu.memory_space<vmem_shared>> -> memref<50176xf32, #tpu.memory_space<vmem_shared>>
        tpu.wait_indirect_dma semaphore(%run_scoped3A : memref<!tpu.dma_semaphore, #tpu.memory_space<semaphore_mem>>) src(%arg14 : memref<10000xf32, #tpu.memory_space<vmem>>) dst(%dma_wait3A_106 : memref<50176xf32, #tpu.memory_space<vmem_shared>>)
        tpu.yield
      }) : () -> ()
      %dma_wait3A_101 = arith.constant 0 : i32
      %dma_wait3A_102 = tpu.memref_slice %arg24[%dma_wait3A_101] : memref<50176xf32, #tpu.memory_space<vmem_shared>> -> memref<50176xf32, #tpu.memory_space<vmem_shared>>
      tpu.wait_indirect_dma semaphore(%arg27 : memref<!tpu.dma_semaphore, #tpu.memory_space<semaphore_mem>>) src(%dma_wait3A_102 : memref<50176xf32, #tpu.memory_space<vmem_shared>>) dst(%arg13 : memref<10000xf32, #tpu.memory_space<vmem>>)
      "tpu.region"() ({
        %run_scoped3A = tpu.sem_alloc : memref<!tpu.dma_semaphore, #tpu.memory_space<semaphore_mem>>
        %dma_start3A_103 = arith.constant 0 : i32
        %dma_start3A_104 = tpu.memref_slice %arg25[%dma_start3A_103] : memref<50176xf32, #tpu.memory_space<vmem_shared>> -> memref<50176xf32, #tpu.memory_space<vmem_shared>>
        tpu.enqueue_indirect_dma source(%arg13 : memref<10000xf32, #tpu.memory_space<vmem>>) target(%dma_start3A_104 : memref<50176xf32, #tpu.memory_space<vmem_shared>>) offsets(%arg11 : memref<10000xi32, #tpu.memory_space<vmem>>) semaphore(%run_scoped3A : memref<!tpu.dma_semaphore, #tpu.memory_space<semaphore_mem>>) {add = true}
        %dma_wait3A_105 = arith.constant 0 : i32
        %dma_wait3A_106 = tpu.memref_slice %arg25[%dma_wait3A_105] : memref<50176xf32, #tpu.memory_space<vmem_shared>> -> memref<50176xf32, #tpu.memory_space<vmem_shared>>
        tpu.wait_indirect_dma semaphore(%run_scoped3A : memref<!tpu.dma_semaphore, #tpu.memory_space<semaphore_mem>>) src(%arg13 : memref<10000xf32, #tpu.memory_space<vmem>>) dst(%dma_wait3A_106 : memref<50176xf32, #tpu.memory_space<vmem_shared>>)
        tpu.yield
      }) : () -> ()
    } else {
    }
    %barrier3A_25 = arith.constant 0 : index
    tpu.barrier barrier_id(%barrier3A_25)
    %get3A = arith.constant 0 : index
    %get3A_26 = tpu.vector_load %arg18[%get3A] {strides = array<i32>} : memref<16xf32, #tpu.memory_space<vmem>>, vector<16xf32>,
    %get3A_27 = vector.shape_cast %get3A_26 : vector<16xf32> to vector<16xf32>
    %get3A_28 = arith.constant 0 : index
    %get3A_29 = tpu.vector_load %arg19[%get3A_28] {strides = array<i32>} : memref<16xf32, #tpu.memory_space<vmem>>, vector<16xf32>,
    %get3A_30 = vector.shape_cast %get3A_29 : vector<16xf32> to vector<16xf32>
    "tpu.region"() ({
      %run_scoped3A = tpu.sem_alloc : memref<!tpu.dma_semaphore, #tpu.memory_space<semaphore_mem>>
      %dma_start3A = tpu.memref_slice %arg25[%mul3A_1] : memref<50176xf32, #tpu.memory_space<vmem_shared>> -> memref<3136xf32, #tpu.memory_space<vmem_shared>>
      %dma_start3A_68 = tpu.memref_slice %arg25[%mul3A_1] : memref<50176xf32, #tpu.memory_space<vmem_shared>> -> memref<3136xf32, #tpu.memory_space<vmem_shared>>
      tpu.enqueue_dma source(%dma_start3A_68 : memref<3136xf32, #tpu.memory_space<vmem_shared>>) target(%arg16 : memref<3136xf32, #tpu.memory_space<vmem>>) target_semaphore(%run_scoped3A : memref<!tpu.dma_semaphore, #tpu.memory_space<semaphore_mem>>)
      %dma_wait3A = tpu.memref_slice %arg25[%mul3A_1] : memref<50176xf32, #tpu.memory_space<vmem_shared>> -> memref<3136xf32, #tpu.memory_space<vmem_shared>>
      %dma_wait3A_69 = tpu.memref_slice %arg25[%mul3A_1] : memref<50176xf32, #tpu.memory_space<vmem_shared>> -> memref<3136xf32, #tpu.memory_space<vmem_shared>>
      tpu.wait_dma2 semaphore(%run_scoped3A : memref<!tpu.dma_semaphore, #tpu.memory_space<semaphore_mem>>) src(%dma_wait3A_69 : memref<3136xf32, #tpu.memory_space<vmem_shared>>) dst(%arg16 : memref<3136xf32, #tpu.memory_space<vmem>>)
      tpu.yield
    }) : () -> ()
    "tpu.region"() ({
      %run_scoped3A = tpu.sem_alloc : memref<!tpu.dma_semaphore, #tpu.memory_space<semaphore_mem>>
      %dma_start3A = tpu.memref_slice %arg21[%mul3A_1] : memref<50176xf32, #tpu.memory_space<vmem_shared>> -> memref<3136xf32, #tpu.memory_space<vmem_shared>>
      %dma_start3A_68 = tpu.memref_slice %arg21[%mul3A_1] : memref<50176xf32, #tpu.memory_space<vmem_shared>> -> memref<3136xf32, #tpu.memory_space<vmem_shared>>
      tpu.enqueue_dma source(%dma_start3A_68 : memref<3136xf32, #tpu.memory_space<vmem_shared>>) target(%arg17 : memref<3136xf32, #tpu.memory_space<vmem>>) target_semaphore(%run_scoped3A : memref<!tpu.dma_semaphore, #tpu.memory_space<semaphore_mem>>)
      %dma_wait3A = tpu.memref_slice %arg21[%mul3A_1] : memref<50176xf32, #tpu.memory_space<vmem_shared>> -> memref<3136xf32, #tpu.memory_space<vmem_shared>>
      %dma_wait3A_69 = tpu.memref_slice %arg21[%mul3A_1] : memref<50176xf32, #tpu.memory_space<vmem_shared>> -> memref<3136xf32, #tpu.memory_space<vmem_shared>>
      tpu.wait_dma2 semaphore(%run_scoped3A : memref<!tpu.dma_semaphore, #tpu.memory_space<semaphore_mem>>) src(%dma_wait3A_69 : memref<3136xf32, #tpu.memory_space<vmem_shared>>) dst(%arg17 : memref<3136xf32, #tpu.memory_space<vmem>>)
      tpu.yield
    }) : () -> ()
    %scan3A_31 = arith.constant 0 : i32
    %scan3A_32 = arith.constant 196 : i32
    %scan3A_33 = arith.addi %scan3A_31, %scan3A_32 : i32
    %scan3A_34 = arith.constant 1 : i32
    scf.for %scan3A_68 = %scan3A_31 to %scan3A_33 step %scan3A_34  : i32 {
      %mul3A_69 = arith.constant 1 : i32
      %mul3A_70 = arith.muli %scan3A_68, %mul3A_69 : i32
      %add3A = arith.constant 0 : i32
      %add3A_71 = arith.addi %add3A, %mul3A_70 : i32
      %mul3A_72 = arith.constant 16 : i32
      %mul3A_73 = arith.muli %add3A_71, %mul3A_72 : i32
      %get3A_74 = arith.index_cast %mul3A_73 : i32 to index
      %get3A_75 = tpu.vector_load %arg16[%get3A_74] {strides = array<i32>} : memref<3136xf32, #tpu.memory_space<vmem>>, vector<16xf32>,
      %get3A_76 = vector.shape_cast %get3A_75 : vector<16xf32> to vector<16xf32>
      %get3A_77 = arith.index_cast %mul3A_73 : i32 to index
      %get3A_78 = tpu.vector_load %arg17[%get3A_77] {strides = array<i32>} : memref<3136xf32, #tpu.memory_space<vmem>>, vector<16xf32>,
      %get3A_79 = vector.shape_cast %get3A_78 : vector<16xf32> to vector<16xf32>
      %eq3A_80 = arith.constant 0.000000e+00 : f32
      %eq3A_81 = vector.broadcast %eq3A_80 : f32 to vector<16xf32>
      %eq3A_82 = arith.cmpf oeq, %get3A_79, %eq3A_81 : vector<16xf32>
      %div3A = arith.divf %get3A_76, %get3A_79 : vector<16xf32>
      %jit3A = arith.constant 0.000000e+00 : f32
      %broadcast_in_dim3A_83 = vector.broadcast %jit3A : f32 to vector<16xf32>
      %select_n3A = arith.select %eq3A_82, %broadcast_in_dim3A_83, %div3A : vector<16xi1>, vector<16xf32>
      %max3A = arith.constant 0.000000e+00 : f32
      %max3A_84 = vector.broadcast %max3A : f32 to vector<16xf32>
      %max3A_85 = arith.maximumf %select_n3A, %max3A_84 : vector<16xf32>
      %mul3A_86 = arith.mulf %get3A_27, %max3A_85 : vector<16xf32>
      %neg3A = arith.constant 0.000000e+00 : f32
      %neg3A_87 = vector.broadcast %neg3A : f32 to vector<16xf32>
      %neg3A_88 = arith.subf %neg3A_87, %select_n3A : vector<16xf32>
      %max3A_89 = arith.constant 0.000000e+00 : f32
      %max3A_90 = vector.broadcast %max3A_89 : f32 to vector<16xf32>
      %max3A_91 = arith.maximumf %neg3A_88, %max3A_90 : vector<16xf32>
      %mul3A_92 = arith.mulf %get3A_30, %max3A_91 : vector<16xf32>
      %add3A_93 = arith.addf %mul3A_86, %mul3A_92 : vector<16xf32>
      %swap3A = arith.index_cast %mul3A_73 : i32 to index
      %swap3A_94 = tpu.vector_load %arg16[%swap3A] {strides = array<i32>} : memref<3136xf32, #tpu.memory_space<vmem>>, vector<16xf32>,
      %swap3A_95 = vector.shape_cast %swap3A_94 : vector<16xf32> to vector<16xf32>
      %swap3A_96 = vector.shape_cast %add3A_93 : vector<16xf32> to vector<16xf32>
      tpu.vector_store %arg16[%swap3A], %swap3A_96 {strides = array<i32>} : memref<3136xf32, #tpu.memory_space<vmem>>, vector<16xf32>,
    }
    %scan3A_35 = arith.constant 196 : i32
    "tpu.region"() ({
      %run_scoped3A = tpu.sem_alloc : memref<!tpu.dma_semaphore, #tpu.memory_space<semaphore_mem>>
      %dma_start3A = tpu.memref_slice %arg23[%mul3A_1] : memref<50176xf32, #tpu.memory_space<vmem_shared>> -> memref<3136xf32, #tpu.memory_space<vmem_shared>>
      %dma_start3A_68 = tpu.memref_slice %arg23[%mul3A_1] : memref<50176xf32, #tpu.memory_space<vmem_shared>> -> memref<3136xf32, #tpu.memory_space<vmem_shared>>
      tpu.enqueue_dma source(%arg16 : memref<3136xf32, #tpu.memory_space<vmem>>) target(%dma_start3A_68 : memref<3136xf32, #tpu.memory_space<vmem_shared>>) target_semaphore(%run_scoped3A : memref<!tpu.dma_semaphore, #tpu.memory_space<semaphore_mem>>)
      %dma_wait3A = tpu.memref_slice %arg23[%mul3A_1] : memref<50176xf32, #tpu.memory_space<vmem_shared>> -> memref<3136xf32, #tpu.memory_space<vmem_shared>>
      %dma_wait3A_69 = tpu.memref_slice %arg23[%mul3A_1] : memref<50176xf32, #tpu.memory_space<vmem_shared>> -> memref<3136xf32, #tpu.memory_space<vmem_shared>>
      tpu.wait_dma2 semaphore(%run_scoped3A : memref<!tpu.dma_semaphore, #tpu.memory_space<semaphore_mem>>) src(%arg16 : memref<3136xf32, #tpu.memory_space<vmem>>) dst(%dma_wait3A_69 : memref<3136xf32, #tpu.memory_space<vmem_shared>>)
      tpu.yield
    }) : () -> ()
    %broadcast_in_dim3A_36 = arith.constant 0.000000e+00 : f32
    %broadcast_in_dim3A_37 = vector.broadcast %broadcast_in_dim3A_36 : f32 to vector<16xf32>
    %scan3A_38 = arith.constant 0 : i32
    %scan3A_39 = arith.constant 196 : i32
    %scan3A_40 = arith.addi %scan3A_38, %scan3A_39 : i32
    %scan3A_41 = arith.constant 1 : i32
    scf.for %scan3A_68 = %scan3A_38 to %scan3A_40 step %scan3A_41  : i32 {
      %mul3A_69 = arith.constant 1 : i32
      %mul3A_70 = arith.muli %scan3A_68, %mul3A_69 : i32
      %add3A = arith.constant 0 : i32
      %add3A_71 = arith.addi %add3A, %mul3A_70 : i32
      %mul3A_72 = arith.constant 16 : i32
      %mul3A_73 = arith.muli %add3A_71, %mul3A_72 : i32
      %swap3A = arith.index_cast %mul3A_73 : i32 to index
      %swap3A_74 = tpu.vector_load %arg17[%swap3A] {strides = array<i32>} : memref<3136xf32, #tpu.memory_space<vmem>>, vector<16xf32>,
      %swap3A_75 = vector.shape_cast %swap3A_74 : vector<16xf32> to vector<16xf32>
      %swap3A_76 = vector.shape_cast %broadcast_in_dim3A_37 : vector<16xf32> to vector<16xf32>
      tpu.vector_store %arg17[%swap3A], %swap3A_76 {strides = array<i32>} : memref<3136xf32, #tpu.memory_space<vmem>>, vector<16xf32>,
    }
    %scan3A_42 = arith.constant 196 : i32
    "tpu.region"() ({
      %run_scoped3A = tpu.sem_alloc : memref<!tpu.dma_semaphore, #tpu.memory_space<semaphore_mem>>
      %dma_start3A = tpu.memref_slice %arg26[%mul3A_1] : memref<50176xf32, #tpu.memory_space<vmem_shared>> -> memref<3136xf32, #tpu.memory_space<vmem_shared>>
      %dma_start3A_68 = tpu.memref_slice %arg26[%mul3A_1] : memref<50176xf32, #tpu.memory_space<vmem_shared>> -> memref<3136xf32, #tpu.memory_space<vmem_shared>>
      tpu.enqueue_dma source(%arg17 : memref<3136xf32, #tpu.memory_space<vmem>>) target(%dma_start3A_68 : memref<3136xf32, #tpu.memory_space<vmem_shared>>) target_semaphore(%run_scoped3A : memref<!tpu.dma_semaphore, #tpu.memory_space<semaphore_mem>>)
      %dma_wait3A = tpu.memref_slice %arg26[%mul3A_1] : memref<50176xf32, #tpu.memory_space<vmem_shared>> -> memref<3136xf32, #tpu.memory_space<vmem_shared>>
      %dma_wait3A_69 = tpu.memref_slice %arg26[%mul3A_1] : memref<50176xf32, #tpu.memory_space<vmem_shared>> -> memref<3136xf32, #tpu.memory_space<vmem_shared>>
      tpu.wait_dma2 semaphore(%run_scoped3A : memref<!tpu.dma_semaphore, #tpu.memory_space<semaphore_mem>>) src(%arg17 : memref<3136xf32, #tpu.memory_space<vmem>>) dst(%dma_wait3A_69 : memref<3136xf32, #tpu.memory_space<vmem_shared>>)
      tpu.yield
    }) : () -> ()
    %barrier3A_43 = arith.constant 0 : index
    tpu.barrier barrier_id(%barrier3A_43)
    %convert_element_type3A_44 = arith.extui %eq3A_0 : i1 to i32
    %cond3A_45 = arith.constant 0 : i32
    %cond3A_46 = arith.cmpi ne, %convert_element_type3A_44, %cond3A_45 : i32
    scf.if %cond3A_46 {
      %mul3A_68 = arith.constant 50000 : i32
      %mul3A_69 = arith.muli %arg1, %mul3A_68 : i32
      "tpu.region"() ({
        %run_scoped3A = tpu.sem_alloc : memref<!tpu.dma_semaphore, #tpu.memory_space<semaphore_mem>>
        %dma_start3A_103 = tpu.memref_slice %arg3[%mul3A_69] : memref<800000xi32, #tpu.memory_space<hbm>> -> memref<10000xi32, #tpu.memory_space<hbm>>
        %dma_start3A_104 = tpu.memref_slice %arg3[%mul3A_69] : memref<800000xi32, #tpu.memory_space<hbm>> -> memref<10000xi32, #tpu.memory_space<hbm>>
        tpu.enqueue_dma source(%dma_start3A_104 : memref<10000xi32, #tpu.memory_space<hbm>>) target(%arg9 : memref<10000xi32, #tpu.memory_space<vmem>>) target_semaphore(%run_scoped3A : memref<!tpu.dma_semaphore, #tpu.memory_space<semaphore_mem>>)
        %dma_wait3A_105 = tpu.memref_slice %arg3[%mul3A_69] : memref<800000xi32, #tpu.memory_space<hbm>> -> memref<10000xi32, #tpu.memory_space<hbm>>
        %dma_wait3A_106 = tpu.memref_slice %arg3[%mul3A_69] : memref<800000xi32, #tpu.memory_space<hbm>> -> memref<10000xi32, #tpu.memory_space<hbm>>
        tpu.wait_dma2 semaphore(%run_scoped3A : memref<!tpu.dma_semaphore, #tpu.memory_space<semaphore_mem>>) src(%dma_wait3A_106 : memref<10000xi32, #tpu.memory_space<hbm>>) dst(%arg9 : memref<10000xi32, #tpu.memory_space<vmem>>)
        tpu.yield
      }) : () -> ()
      "tpu.region"() ({
        %run_scoped3A = tpu.sem_alloc : memref<!tpu.dma_semaphore, #tpu.memory_space<semaphore_mem>>
        %dma_start3A_103 = tpu.memref_slice %arg4[%mul3A_69] : memref<800000xi32, #tpu.memory_space<hbm>> -> memref<10000xi32, #tpu.memory_space<hbm>>
        %dma_start3A_104 = tpu.memref_slice %arg4[%mul3A_69] : memref<800000xi32, #tpu.memory_space<hbm>> -> memref<10000xi32, #tpu.memory_space<hbm>>
        tpu.enqueue_dma source(%dma_start3A_104 : memref<10000xi32, #tpu.memory_space<hbm>>) target(%arg11 : memref<10000xi32, #tpu.memory_space<vmem>>) target_semaphore(%run_scoped3A : memref<!tpu.dma_semaphore, #tpu.memory_space<semaphore_mem>>)
        %dma_wait3A_105 = tpu.memref_slice %arg4[%mul3A_69] : memref<800000xi32, #tpu.memory_space<hbm>> -> memref<10000xi32, #tpu.memory_space<hbm>>
        %dma_wait3A_106 = tpu.memref_slice %arg4[%mul3A_69] : memref<800000xi32, #tpu.memory_space<hbm>> -> memref<10000xi32, #tpu.memory_space<hbm>>
        tpu.wait_dma2 semaphore(%run_scoped3A : memref<!tpu.dma_semaphore, #tpu.memory_space<semaphore_mem>>) src(%dma_wait3A_106 : memref<10000xi32, #tpu.memory_space<hbm>>) dst(%arg11 : memref<10000xi32, #tpu.memory_space<vmem>>)
        tpu.yield
      }) : () -> ()
      %dma_start3A = arith.constant 0 : i32
      %dma_start3A_70 = tpu.memref_slice %arg23[%dma_start3A] : memref<50176xf32, #tpu.memory_space<vmem_shared>> -> memref<50176xf32, #tpu.memory_space<vmem_shared>>
      tpu.enqueue_indirect_dma source(%dma_start3A_70 : memref<50176xf32, #tpu.memory_space<vmem_shared>>) target(%arg13 : memref<10000xf32, #tpu.memory_space<vmem>>) offsets(%arg9 : memref<10000xi32, #tpu.memory_space<vmem>>) semaphore(%arg27 : memref<!tpu.dma_semaphore, #tpu.memory_space<semaphore_mem>>)
      %add3A = arith.constant 10000 : i32
      %add3A_71 = arith.addi %mul3A_69, %add3A : i32
      "tpu.region"() ({
        %run_scoped3A = tpu.sem_alloc : memref<!tpu.dma_semaphore, #tpu.memory_space<semaphore_mem>>
        %dma_start3A_103 = tpu.memref_slice %arg3[%add3A_71] : memref<800000xi32, #tpu.memory_space<hbm>> -> memref<10000xi32, #tpu.memory_space<hbm>>
        %dma_start3A_104 = tpu.memref_slice %arg3[%add3A_71] : memref<800000xi32, #tpu.memory_space<hbm>> -> memref<10000xi32, #tpu.memory_space<hbm>>
        tpu.enqueue_dma source(%dma_start3A_104 : memref<10000xi32, #tpu.memory_space<hbm>>) target(%arg10 : memref<10000xi32, #tpu.memory_space<vmem>>) target_semaphore(%run_scoped3A : memref<!tpu.dma_semaphore, #tpu.memory_space<semaphore_mem>>)
        %dma_wait3A_105 = tpu.memref_slice %arg3[%add3A_71] : memref<800000xi32, #tpu.memory_space<hbm>> -> memref<10000xi32, #tpu.memory_space<hbm>>
        %dma_wait3A_106 = tpu.memref_slice %arg3[%add3A_71] : memref<800000xi32, #tpu.memory_space<hbm>> -> memref<10000xi32, #tpu.memory_space<hbm>>
        tpu.wait_dma2 semaphore(%run_scoped3A : memref<!tpu.dma_semaphore, #tpu.memory_space<semaphore_mem>>) src(%dma_wait3A_106 : memref<10000xi32, #tpu.memory_space<hbm>>) dst(%arg10 : memref<10000xi32, #tpu.memory_space<vmem>>)
        tpu.yield
      }) : () -> ()
      %add3A_72 = arith.constant 10000 : i32
      %add3A_73 = arith.addi %mul3A_69, %add3A_72 : i32
      "tpu.region"() ({
        %run_scoped3A = tpu.sem_alloc : memref<!tpu.dma_semaphore, #tpu.memory_space<semaphore_mem>>
        %dma_start3A_103 = tpu.memref_slice %arg4[%add3A_73] : memref<800000xi32, #tpu.memory_space<hbm>> -> memref<10000xi32, #tpu.memory_space<hbm>>
        %dma_start3A_104 = tpu.memref_slice %arg4[%add3A_73] : memref<800000xi32, #tpu.memory_space<hbm>> -> memref<10000xi32, #tpu.memory_space<hbm>>
        tpu.enqueue_dma source(%dma_start3A_104 : memref<10000xi32, #tpu.memory_space<hbm>>) target(%arg12 : memref<10000xi32, #tpu.memory_space<vmem>>) target_semaphore(%run_scoped3A : memref<!tpu.dma_semaphore, #tpu.memory_space<semaphore_mem>>)
        %dma_wait3A_105 = tpu.memref_slice %arg4[%add3A_73] : memref<800000xi32, #tpu.memory_space<hbm>> -> memref<10000xi32, #tpu.memory_space<hbm>>
        %dma_wait3A_106 = tpu.memref_slice %arg4[%add3A_73] : memref<800000xi32, #tpu.memory_space<hbm>> -> memref<10000xi32, #tpu.memory_space<hbm>>
        tpu.wait_dma2 semaphore(%run_scoped3A : memref<!tpu.dma_semaphore, #tpu.memory_space<semaphore_mem>>) src(%dma_wait3A_106 : memref<10000xi32, #tpu.memory_space<hbm>>) dst(%arg12 : memref<10000xi32, #tpu.memory_space<vmem>>)
        tpu.yield
      }) : () -> ()
      %dma_start3A_74 = arith.constant 0 : i32
      %dma_start3A_75 = tpu.memref_slice %arg23[%dma_start3A_74] : memref<50176xf32, #tpu.memory_space<vmem_shared>> -> memref<50176xf32, #tpu.memory_space<vmem_shared>>
      tpu.enqueue_indirect_dma source(%dma_start3A_75 : memref<50176xf32, #tpu.memory_space<vmem_shared>>) target(%arg14 : memref<10000xf32, #tpu.memory_space<vmem>>) offsets(%arg10 : memref<10000xi32, #tpu.memory_space<vmem>>) semaphore(%arg28 : memref<!tpu.dma_semaphore, #tpu.memory_space<semaphore_mem>>)
      %dma_wait3A = arith.constant 0 : i32
      %dma_wait3A_76 = tpu.memref_slice %arg23[%dma_wait3A] : memref<50176xf32, #tpu.memory_space<vmem_shared>> -> memref<50176xf32, #tpu.memory_space<vmem_shared>>
      tpu.wait_indirect_dma semaphore(%arg27 : memref<!tpu.dma_semaphore, #tpu.memory_space<semaphore_mem>>) src(%dma_wait3A_76 : memref<50176xf32, #tpu.memory_space<vmem_shared>>) dst(%arg13 : memref<10000xf32, #tpu.memory_space<vmem>>)
      "tpu.region"() ({
        %run_scoped3A = tpu.sem_alloc : memref<!tpu.dma_semaphore, #tpu.memory_space<semaphore_mem>>
        %dma_start3A_103 = arith.constant 0 : i32
        %dma_start3A_104 = tpu.memref_slice %arg26[%dma_start3A_103] : memref<50176xf32, #tpu.memory_space<vmem_shared>> -> memref<50176xf32, #tpu.memory_space<vmem_shared>>
        tpu.enqueue_indirect_dma source(%arg13 : memref<10000xf32, #tpu.memory_space<vmem>>) target(%dma_start3A_104 : memref<50176xf32, #tpu.memory_space<vmem_shared>>) offsets(%arg11 : memref<10000xi32, #tpu.memory_space<vmem>>) semaphore(%run_scoped3A : memref<!tpu.dma_semaphore, #tpu.memory_space<semaphore_mem>>) {add = true}
        %dma_wait3A_105 = arith.constant 0 : i32
        %dma_wait3A_106 = tpu.memref_slice %arg26[%dma_wait3A_105] : memref<50176xf32, #tpu.memory_space<vmem_shared>> -> memref<50176xf32, #tpu.memory_space<vmem_shared>>
        tpu.wait_indirect_dma semaphore(%run_scoped3A : memref<!tpu.dma_semaphore, #tpu.memory_space<semaphore_mem>>) src(%arg13 : memref<10000xf32, #tpu.memory_space<vmem>>) dst(%dma_wait3A_106 : memref<50176xf32, #tpu.memory_space<vmem_shared>>)
        tpu.yield
      }) : () -> ()
      %add3A_77 = arith.constant 20000 : i32
      %add3A_78 = arith.addi %mul3A_69, %add3A_77 : i32
      "tpu.region"() ({
        %run_scoped3A = tpu.sem_alloc : memref<!tpu.dma_semaphore, #tpu.memory_space<semaphore_mem>>
        %dma_start3A_103 = tpu.memref_slice %arg3[%add3A_78] : memref<800000xi32, #tpu.memory_space<hbm>> -> memref<10000xi32, #tpu.memory_space<hbm>>
        %dma_start3A_104 = tpu.memref_slice %arg3[%add3A_78] : memref<800000xi32, #tpu.memory_space<hbm>> -> memref<10000xi32, #tpu.memory_space<hbm>>
        tpu.enqueue_dma source(%dma_start3A_104 : memref<10000xi32, #tpu.memory_space<hbm>>) target(%arg9 : memref<10000xi32, #tpu.memory_space<vmem>>) target_semaphore(%run_scoped3A : memref<!tpu.dma_semaphore, #tpu.memory_space<semaphore_mem>>)
        %dma_wait3A_105 = tpu.memref_slice %arg3[%add3A_78] : memref<800000xi32, #tpu.memory_space<hbm>> -> memref<10000xi32, #tpu.memory_space<hbm>>
        %dma_wait3A_106 = tpu.memref_slice %arg3[%add3A_78] : memref<800000xi32, #tpu.memory_space<hbm>> -> memref<10000xi32, #tpu.memory_space<hbm>>
        tpu.wait_dma2 semaphore(%run_scoped3A : memref<!tpu.dma_semaphore, #tpu.memory_space<semaphore_mem>>) src(%dma_wait3A_106 : memref<10000xi32, #tpu.memory_space<hbm>>) dst(%arg9 : memref<10000xi32, #tpu.memory_space<vmem>>)
        tpu.yield
      }) : () -> ()
      %add3A_79 = arith.constant 20000 : i32
      %add3A_80 = arith.addi %mul3A_69, %add3A_79 : i32
      "tpu.region"() ({
        %run_scoped3A = tpu.sem_alloc : memref<!tpu.dma_semaphore, #tpu.memory_space<semaphore_mem>>
        %dma_start3A_103 = tpu.memref_slice %arg4[%add3A_80] : memref<800000xi32, #tpu.memory_space<hbm>> -> memref<10000xi32, #tpu.memory_space<hbm>>
        %dma_start3A_104 = tpu.memref_slice %arg4[%add3A_80] : memref<800000xi32, #tpu.memory_space<hbm>> -> memref<10000xi32, #tpu.memory_space<hbm>>
        tpu.enqueue_dma source(%dma_start3A_104 : memref<10000xi32, #tpu.memory_space<hbm>>) target(%arg11 : memref<10000xi32, #tpu.memory_space<vmem>>) target_semaphore(%run_scoped3A : memref<!tpu.dma_semaphore, #tpu.memory_space<semaphore_mem>>)
        %dma_wait3A_105 = tpu.memref_slice %arg4[%add3A_80] : memref<800000xi32, #tpu.memory_space<hbm>> -> memref<10000xi32, #tpu.memory_space<hbm>>
        %dma_wait3A_106 = tpu.memref_slice %arg4[%add3A_80] : memref<800000xi32, #tpu.memory_space<hbm>> -> memref<10000xi32, #tpu.memory_space<hbm>>
        tpu.wait_dma2 semaphore(%run_scoped3A : memref<!tpu.dma_semaphore, #tpu.memory_space<semaphore_mem>>) src(%dma_wait3A_106 : memref<10000xi32, #tpu.memory_space<hbm>>) dst(%arg11 : memref<10000xi32, #tpu.memory_space<vmem>>)
        tpu.yield
      }) : () -> ()
      %dma_start3A_81 = arith.constant 0 : i32
      %dma_start3A_82 = tpu.memref_slice %arg23[%dma_start3A_81] : memref<50176xf32, #tpu.memory_space<vmem_shared>> -> memref<50176xf32, #tpu.memory_space<vmem_shared>>
      tpu.enqueue_indirect_dma source(%dma_start3A_82 : memref<50176xf32, #tpu.memory_space<vmem_shared>>) target(%arg13 : memref<10000xf32, #tpu.memory_space<vmem>>) offsets(%arg9 : memref<10000xi32, #tpu.memory_space<vmem>>) semaphore(%arg27 : memref<!tpu.dma_semaphore, #tpu.memory_space<semaphore_mem>>)
      %dma_wait3A_83 = arith.constant 0 : i32
      %dma_wait3A_84 = tpu.memref_slice %arg23[%dma_wait3A_83] : memref<50176xf32, #tpu.memory_space<vmem_shared>> -> memref<50176xf32, #tpu.memory_space<vmem_shared>>
      tpu.wait_indirect_dma semaphore(%arg28 : memref<!tpu.dma_semaphore, #tpu.memory_space<semaphore_mem>>) src(%dma_wait3A_84 : memref<50176xf32, #tpu.memory_space<vmem_shared>>) dst(%arg14 : memref<10000xf32, #tpu.memory_space<vmem>>)
      "tpu.region"() ({
        %run_scoped3A = tpu.sem_alloc : memref<!tpu.dma_semaphore, #tpu.memory_space<semaphore_mem>>
        %dma_start3A_103 = arith.constant 0 : i32
        %dma_start3A_104 = tpu.memref_slice %arg26[%dma_start3A_103] : memref<50176xf32, #tpu.memory_space<vmem_shared>> -> memref<50176xf32, #tpu.memory_space<vmem_shared>>
        tpu.enqueue_indirect_dma source(%arg14 : memref<10000xf32, #tpu.memory_space<vmem>>) target(%dma_start3A_104 : memref<50176xf32, #tpu.memory_space<vmem_shared>>) offsets(%arg12 : memref<10000xi32, #tpu.memory_space<vmem>>) semaphore(%run_scoped3A : memref<!tpu.dma_semaphore, #tpu.memory_space<semaphore_mem>>) {add = true}
        %dma_wait3A_105 = arith.constant 0 : i32
        %dma_wait3A_106 = tpu.memref_slice %arg26[%dma_wait3A_105] : memref<50176xf32, #tpu.memory_space<vmem_shared>> -> memref<50176xf32, #tpu.memory_space<vmem_shared>>
        tpu.wait_indirect_dma semaphore(%run_scoped3A : memref<!tpu.dma_semaphore, #tpu.memory_space<semaphore_mem>>) src(%arg14 : memref<10000xf32, #tpu.memory_space<vmem>>) dst(%dma_wait3A_106 : memref<50176xf32, #tpu.memory_space<vmem_shared>>)
        tpu.yield
      }) : () -> ()
      %add3A_85 = arith.constant 30000 : i32
      %add3A_86 = arith.addi %mul3A_69, %add3A_85 : i32
      "tpu.region"() ({
        %run_scoped3A = tpu.sem_alloc : memref<!tpu.dma_semaphore, #tpu.memory_space<semaphore_mem>>
        %dma_start3A_103 = tpu.memref_slice %arg3[%add3A_86] : memref<800000xi32, #tpu.memory_space<hbm>> -> memref<10000xi32, #tpu.memory_space<hbm>>
        %dma_start3A_104 = tpu.memref_slice %arg3[%add3A_86] : memref<800000xi32, #tpu.memory_space<hbm>> -> memref<10000xi32, #tpu.memory_space<hbm>>
        tpu.enqueue_dma source(%dma_start3A_104 : memref<10000xi32, #tpu.memory_space<hbm>>) target(%arg10 : memref<10000xi32, #tpu.memory_space<vmem>>) target_semaphore(%run_scoped3A : memref<!tpu.dma_semaphore, #tpu.memory_space<semaphore_mem>>)
        %dma_wait3A_105 = tpu.memref_slice %arg3[%add3A_86] : memref<800000xi32, #tpu.memory_space<hbm>> -> memref<10000xi32, #tpu.memory_space<hbm>>
        %dma_wait3A_106 = tpu.memref_slice %arg3[%add3A_86] : memref<800000xi32, #tpu.memory_space<hbm>> -> memref<10000xi32, #tpu.memory_space<hbm>>
        tpu.wait_dma2 semaphore(%run_scoped3A : memref<!tpu.dma_semaphore, #tpu.memory_space<semaphore_mem>>) src(%dma_wait3A_106 : memref<10000xi32, #tpu.memory_space<hbm>>) dst(%arg10 : memref<10000xi32, #tpu.memory_space<vmem>>)
        tpu.yield
      }) : () -> ()
      %add3A_87 = arith.constant 30000 : i32
      %add3A_88 = arith.addi %mul3A_69, %add3A_87 : i32
      "tpu.region"() ({
        %run_scoped3A = tpu.sem_alloc : memref<!tpu.dma_semaphore, #tpu.memory_space<semaphore_mem>>
        %dma_start3A_103 = tpu.memref_slice %arg4[%add3A_88] : memref<800000xi32, #tpu.memory_space<hbm>> -> memref<10000xi32, #tpu.memory_space<hbm>>
        %dma_start3A_104 = tpu.memref_slice %arg4[%add3A_88] : memref<800000xi32, #tpu.memory_space<hbm>> -> memref<10000xi32, #tpu.memory_space<hbm>>
        tpu.enqueue_dma source(%dma_start3A_104 : memref<10000xi32, #tpu.memory_space<hbm>>) target(%arg12 : memref<10000xi32, #tpu.memory_space<vmem>>) target_semaphore(%run_scoped3A : memref<!tpu.dma_semaphore, #tpu.memory_space<semaphore_mem>>)
        %dma_wait3A_105 = tpu.memref_slice %arg4[%add3A_88] : memref<800000xi32, #tpu.memory_space<hbm>> -> memref<10000xi32, #tpu.memory_space<hbm>>
        %dma_wait3A_106 = tpu.memref_slice %arg4[%add3A_88] : memref<800000xi32, #tpu.memory_space<hbm>> -> memref<10000xi32, #tpu.memory_space<hbm>>
        tpu.wait_dma2 semaphore(%run_scoped3A : memref<!tpu.dma_semaphore, #tpu.memory_space<semaphore_mem>>) src(%dma_wait3A_106 : memref<10000xi32, #tpu.memory_space<hbm>>) dst(%arg12 : memref<10000xi32, #tpu.memory_space<vmem>>)
        tpu.yield
      }) : () -> ()
      %dma_start3A_89 = arith.constant 0 : i32
      %dma_start3A_90 = tpu.memref_slice %arg23[%dma_start3A_89] : memref<50176xf32, #tpu.memory_space<vmem_shared>> -> memref<50176xf32, #tpu.memory_space<vmem_shared>>
      tpu.enqueue_indirect_dma source(%dma_start3A_90 : memref<50176xf32, #tpu.memory_space<vmem_shared>>) target(%arg14 : memref<10000xf32, #tpu.memory_space<vmem>>) offsets(%arg10 : memref<10000xi32, #tpu.memory_space<vmem>>) semaphore(%arg28 : memref<!tpu.dma_semaphore, #tpu.memory_space<semaphore_mem>>)
      %dma_wait3A_91 = arith.constant 0 : i32
      %dma_wait3A_92 = tpu.memref_slice %arg23[%dma_wait3A_91] : memref<50176xf32, #tpu.memory_space<vmem_shared>> -> memref<50176xf32, #tpu.memory_space<vmem_shared>>
      tpu.wait_indirect_dma semaphore(%arg27 : memref<!tpu.dma_semaphore, #tpu.memory_space<semaphore_mem>>) src(%dma_wait3A_92 : memref<50176xf32, #tpu.memory_space<vmem_shared>>) dst(%arg13 : memref<10000xf32, #tpu.memory_space<vmem>>)
      "tpu.region"() ({
        %run_scoped3A = tpu.sem_alloc : memref<!tpu.dma_semaphore, #tpu.memory_space<semaphore_mem>>
        %dma_start3A_103 = arith.constant 0 : i32
        %dma_start3A_104 = tpu.memref_slice %arg26[%dma_start3A_103] : memref<50176xf32, #tpu.memory_space<vmem_shared>> -> memref<50176xf32, #tpu.memory_space<vmem_shared>>
        tpu.enqueue_indirect_dma source(%arg13 : memref<10000xf32, #tpu.memory_space<vmem>>) target(%dma_start3A_104 : memref<50176xf32, #tpu.memory_space<vmem_shared>>) offsets(%arg11 : memref<10000xi32, #tpu.memory_space<vmem>>) semaphore(%run_scoped3A : memref<!tpu.dma_semaphore, #tpu.memory_space<semaphore_mem>>) {add = true}
        %dma_wait3A_105 = arith.constant 0 : i32
        %dma_wait3A_106 = tpu.memref_slice %arg26[%dma_wait3A_105] : memref<50176xf32, #tpu.memory_space<vmem_shared>> -> memref<50176xf32, #tpu.memory_space<vmem_shared>>
        tpu.wait_indirect_dma semaphore(%run_scoped3A : memref<!tpu.dma_semaphore, #tpu.memory_space<semaphore_mem>>) src(%arg13 : memref<10000xf32, #tpu.memory_space<vmem>>) dst(%dma_wait3A_106 : memref<50176xf32, #tpu.memory_space<vmem_shared>>)
        tpu.yield
      }) : () -> ()
      %add3A_93 = arith.constant 40000 : i32
      %add3A_94 = arith.addi %mul3A_69, %add3A_93 : i32
      "tpu.region"() ({
        %run_scoped3A = tpu.sem_alloc : memref<!tpu.dma_semaphore, #tpu.memory_space<semaphore_mem>>
        %dma_start3A_103 = tpu.memref_slice %arg3[%add3A_94] : memref<800000xi32, #tpu.memory_space<hbm>> -> memref<10000xi32, #tpu.memory_space<hbm>>
        %dma_start3A_104 = tpu.memref_slice %arg3[%add3A_94] : memref<800000xi32, #tpu.memory_space<hbm>> -> memref<10000xi32, #tpu.memory_space<hbm>>
        tpu.enqueue_dma source(%dma_start3A_104 : memref<10000xi32, #tpu.memory_space<hbm>>) target(%arg9 : memref<10000xi32, #tpu.memory_space<vmem>>) target_semaphore(%run_scoped3A : memref<!tpu.dma_semaphore, #tpu.memory_space<semaphore_mem>>)
        %dma_wait3A_105 = tpu.memref_slice %arg3[%add3A_94] : memref<800000xi32, #tpu.memory_space<hbm>> -> memref<10000xi32, #tpu.memory_space<hbm>>
        %dma_wait3A_106 = tpu.memref_slice %arg3[%add3A_94] : memref<800000xi32, #tpu.memory_space<hbm>> -> memref<10000xi32, #tpu.memory_space<hbm>>
        tpu.wait_dma2 semaphore(%run_scoped3A : memref<!tpu.dma_semaphore, #tpu.memory_space<semaphore_mem>>) src(%dma_wait3A_106 : memref<10000xi32, #tpu.memory_space<hbm>>) dst(%arg9 : memref<10000xi32, #tpu.memory_space<vmem>>)
        tpu.yield
      }) : () -> ()
      %add3A_95 = arith.constant 40000 : i32
      %add3A_96 = arith.addi %mul3A_69, %add3A_95 : i32
      "tpu.region"() ({
        %run_scoped3A = tpu.sem_alloc : memref<!tpu.dma_semaphore, #tpu.memory_space<semaphore_mem>>
        %dma_start3A_103 = tpu.memref_slice %arg4[%add3A_96] : memref<800000xi32, #tpu.memory_space<hbm>> -> memref<10000xi32, #tpu.memory_space<hbm>>
        %dma_start3A_104 = tpu.memref_slice %arg4[%add3A_96] : memref<800000xi32, #tpu.memory_space<hbm>> -> memref<10000xi32, #tpu.memory_space<hbm>>
        tpu.enqueue_dma source(%dma_start3A_104 : memref<10000xi32, #tpu.memory_space<hbm>>) target(%arg11 : memref<10000xi32, #tpu.memory_space<vmem>>) target_semaphore(%run_scoped3A : memref<!tpu.dma_semaphore, #tpu.memory_space<semaphore_mem>>)
        %dma_wait3A_105 = tpu.memref_slice %arg4[%add3A_96] : memref<800000xi32, #tpu.memory_space<hbm>> -> memref<10000xi32, #tpu.memory_space<hbm>>
        %dma_wait3A_106 = tpu.memref_slice %arg4[%add3A_96] : memref<800000xi32, #tpu.memory_space<hbm>> -> memref<10000xi32, #tpu.memory_space<hbm>>
        tpu.wait_dma2 semaphore(%run_scoped3A : memref<!tpu.dma_semaphore, #tpu.memory_space<semaphore_mem>>) src(%dma_wait3A_106 : memref<10000xi32, #tpu.memory_space<hbm>>) dst(%arg11 : memref<10000xi32, #tpu.memory_space<vmem>>)
        tpu.yield
      }) : () -> ()
      %dma_start3A_97 = arith.constant 0 : i32
      %dma_start3A_98 = tpu.memref_slice %arg23[%dma_start3A_97] : memref<50176xf32, #tpu.memory_space<vmem_shared>> -> memref<50176xf32, #tpu.memory_space<vmem_shared>>
      tpu.enqueue_indirect_dma source(%dma_start3A_98 : memref<50176xf32, #tpu.memory_space<vmem_shared>>) target(%arg13 : memref<10000xf32, #tpu.memory_space<vmem>>) offsets(%arg9 : memref<10000xi32, #tpu.memory_space<vmem>>) semaphore(%arg27 : memref<!tpu.dma_semaphore, #tpu.memory_space<semaphore_mem>>)
      %dma_wait3A_99 = arith.constant 0 : i32
      %dma_wait3A_100 = tpu.memref_slice %arg23[%dma_wait3A_99] : memref<50176xf32, #tpu.memory_space<vmem_shared>> -> memref<50176xf32, #tpu.memory_space<vmem_shared>>
      tpu.wait_indirect_dma semaphore(%arg28 : memref<!tpu.dma_semaphore, #tpu.memory_space<semaphore_mem>>) src(%dma_wait3A_100 : memref<50176xf32, #tpu.memory_space<vmem_shared>>) dst(%arg14 : memref<10000xf32, #tpu.memory_space<vmem>>)
      "tpu.region"() ({
        %run_scoped3A = tpu.sem_alloc : memref<!tpu.dma_semaphore, #tpu.memory_space<semaphore_mem>>
        %dma_start3A_103 = arith.constant 0 : i32
        %dma_start3A_104 = tpu.memref_slice %arg26[%dma_start3A_103] : memref<50176xf32, #tpu.memory_space<vmem_shared>> -> memref<50176xf32, #tpu.memory_space<vmem_shared>>
        tpu.enqueue_indirect_dma source(%arg14 : memref<10000xf32, #tpu.memory_space<vmem>>) target(%dma_start3A_104 : memref<50176xf32, #tpu.memory_space<vmem_shared>>) offsets(%arg12 : memref<10000xi32, #tpu.memory_space<vmem>>) semaphore(%run_scoped3A : memref<!tpu.dma_semaphore, #tpu.memory_space<semaphore_mem>>) {add = true}
        %dma_wait3A_105 = arith.constant 0 : i32
        %dma_wait3A_106 = tpu.memref_slice %arg26[%dma_wait3A_105] : memref<50176xf32, #tpu.memory_space<vmem_shared>> -> memref<50176xf32, #tpu.memory_space<vmem_shared>>
        tpu.wait_indirect_dma semaphore(%run_scoped3A : memref<!tpu.dma_semaphore, #tpu.memory_space<semaphore_mem>>) src(%arg14 : memref<10000xf32, #tpu.memory_space<vmem>>) dst(%dma_wait3A_106 : memref<50176xf32, #tpu.memory_space<vmem_shared>>)
        tpu.yield
      }) : () -> ()
      %dma_wait3A_101 = arith.constant 0 : i32
      %dma_wait3A_102 = tpu.memref_slice %arg23[%dma_wait3A_101] : memref<50176xf32, #tpu.memory_space<vmem_shared>> -> memref<50176xf32, #tpu.memory_space<vmem_shared>>
      tpu.wait_indirect_dma semaphore(%arg27 : memref<!tpu.dma_semaphore, #tpu.memory_space<semaphore_mem>>) src(%dma_wait3A_102 : memref<50176xf32, #tpu.memory_space<vmem_shared>>) dst(%arg13 : memref<10000xf32, #tpu.memory_space<vmem>>)
      "tpu.region"() ({
        %run_scoped3A = tpu.sem_alloc : memref<!tpu.dma_semaphore, #tpu.memory_space<semaphore_mem>>
        %dma_start3A_103 = arith.constant 0 : i32
        %dma_start3A_104 = tpu.memref_slice %arg26[%dma_start3A_103] : memref<50176xf32, #tpu.memory_space<vmem_shared>> -> memref<50176xf32, #tpu.memory_space<vmem_shared>>
        tpu.enqueue_indirect_dma source(%arg13 : memref<10000xf32, #tpu.memory_space<vmem>>) target(%dma_start3A_104 : memref<50176xf32, #tpu.memory_space<vmem_shared>>) offsets(%arg11 : memref<10000xi32, #tpu.memory_space<vmem>>) semaphore(%run_scoped3A : memref<!tpu.dma_semaphore, #tpu.memory_space<semaphore_mem>>) {add = true}
        %dma_wait3A_105 = arith.constant 0 : i32
        %dma_wait3A_106 = tpu.memref_slice %arg26[%dma_wait3A_105] : memref<50176xf32, #tpu.memory_space<vmem_shared>> -> memref<50176xf32, #tpu.memory_space<vmem_shared>>
        tpu.wait_indirect_dma semaphore(%run_scoped3A : memref<!tpu.dma_semaphore, #tpu.memory_space<semaphore_mem>>) src(%arg13 : memref<10000xf32, #tpu.memory_space<vmem>>) dst(%dma_wait3A_106 : memref<50176xf32, #tpu.memory_space<vmem_shared>>)
        tpu.yield
      }) : () -> ()
    } else {
    }
    %barrier3A_47 = arith.constant 0 : index
    tpu.barrier barrier_id(%barrier3A_47)
    "tpu.region"() ({
      %run_scoped3A = tpu.sem_alloc : memref<!tpu.dma_semaphore, #tpu.memory_space<semaphore_mem>>
      %dma_start3A = tpu.memref_slice %arg26[%mul3A_1] : memref<50176xf32, #tpu.memory_space<vmem_shared>> -> memref<3136xf32, #tpu.memory_space<vmem_shared>>
      %dma_start3A_68 = tpu.memref_slice %arg26[%mul3A_1] : memref<50176xf32, #tpu.memory_space<vmem_shared>> -> memref<3136xf32, #tpu.memory_space<vmem_shared>>
      tpu.enqueue_dma source(%dma_start3A_68 : memref<3136xf32, #tpu.memory_space<vmem_shared>>) target(%arg16 : memref<3136xf32, #tpu.memory_space<vmem>>) target_semaphore(%run_scoped3A : memref<!tpu.dma_semaphore, #tpu.memory_space<semaphore_mem>>)
      %dma_wait3A = tpu.memref_slice %arg26[%mul3A_1] : memref<50176xf32, #tpu.memory_space<vmem_shared>> -> memref<3136xf32, #tpu.memory_space<vmem_shared>>
      %dma_wait3A_69 = tpu.memref_slice %arg26[%mul3A_1] : memref<50176xf32, #tpu.memory_space<vmem_shared>> -> memref<3136xf32, #tpu.memory_space<vmem_shared>>
      tpu.wait_dma2 semaphore(%run_scoped3A : memref<!tpu.dma_semaphore, #tpu.memory_space<semaphore_mem>>) src(%dma_wait3A_69 : memref<3136xf32, #tpu.memory_space<vmem_shared>>) dst(%arg16 : memref<3136xf32, #tpu.memory_space<vmem>>)
      tpu.yield
    }) : () -> ()
    "tpu.region"() ({
      %run_scoped3A = tpu.sem_alloc : memref<!tpu.dma_semaphore, #tpu.memory_space<semaphore_mem>>
      %dma_start3A = tpu.memref_slice %arg22[%mul3A_1] : memref<50176xf32, #tpu.memory_space<vmem_shared>> -> memref<3136xf32, #tpu.memory_space<vmem_shared>>
      %dma_start3A_68 = tpu.memref_slice %arg22[%mul3A_1] : memref<50176xf32, #tpu.memory_space<vmem_shared>> -> memref<3136xf32, #tpu.memory_space<vmem_shared>>
      tpu.enqueue_dma source(%dma_start3A_68 : memref<3136xf32, #tpu.memory_space<vmem_shared>>) target(%arg17 : memref<3136xf32, #tpu.memory_space<vmem>>) target_semaphore(%run_scoped3A : memref<!tpu.dma_semaphore, #tpu.memory_space<semaphore_mem>>)
      %dma_wait3A = tpu.memref_slice %arg22[%mul3A_1] : memref<50176xf32, #tpu.memory_space<vmem_shared>> -> memref<3136xf32, #tpu.memory_space<vmem_shared>>
      %dma_wait3A_69 = tpu.memref_slice %arg22[%mul3A_1] : memref<50176xf32, #tpu.memory_space<vmem_shared>> -> memref<3136xf32, #tpu.memory_space<vmem_shared>>
      tpu.wait_dma2 semaphore(%run_scoped3A : memref<!tpu.dma_semaphore, #tpu.memory_space<semaphore_mem>>) src(%dma_wait3A_69 : memref<3136xf32, #tpu.memory_space<vmem_shared>>) dst(%arg17 : memref<3136xf32, #tpu.memory_space<vmem>>)
      tpu.yield
    }) : () -> ()
    %scan3A_48 = arith.constant 0 : i32
    %scan3A_49 = arith.constant 196 : i32
    %scan3A_50 = arith.addi %scan3A_48, %scan3A_49 : i32
    %scan3A_51 = arith.constant 1 : i32
    scf.for %scan3A_68 = %scan3A_48 to %scan3A_50 step %scan3A_51  : i32 {
      %mul3A_69 = arith.constant 1 : i32
      %mul3A_70 = arith.muli %scan3A_68, %mul3A_69 : i32
      %add3A = arith.constant 0 : i32
      %add3A_71 = arith.addi %add3A, %mul3A_70 : i32
      %mul3A_72 = arith.constant 16 : i32
      %mul3A_73 = arith.muli %add3A_71, %mul3A_72 : i32
      %get3A_74 = arith.index_cast %mul3A_73 : i32 to index
      %get3A_75 = tpu.vector_load %arg16[%get3A_74] {strides = array<i32>} : memref<3136xf32, #tpu.memory_space<vmem>>, vector<16xf32>,
      %get3A_76 = vector.shape_cast %get3A_75 : vector<16xf32> to vector<16xf32>
      %get3A_77 = arith.index_cast %mul3A_73 : i32 to index
      %get3A_78 = tpu.vector_load %arg17[%get3A_77] {strides = array<i32>} : memref<3136xf32, #tpu.memory_space<vmem>>, vector<16xf32>,
      %get3A_79 = vector.shape_cast %get3A_78 : vector<16xf32> to vector<16xf32>
      %eq3A_80 = arith.constant 0.000000e+00 : f32
      %eq3A_81 = vector.broadcast %eq3A_80 : f32 to vector<16xf32>
      %eq3A_82 = arith.cmpf oeq, %get3A_79, %eq3A_81 : vector<16xf32>
      %div3A = arith.divf %get3A_76, %get3A_79 : vector<16xf32>
      %jit3A = arith.constant 0.000000e+00 : f32
      %broadcast_in_dim3A_83 = vector.broadcast %jit3A : f32 to vector<16xf32>
      %select_n3A = arith.select %eq3A_82, %broadcast_in_dim3A_83, %div3A : vector<16xi1>, vector<16xf32>
      %swap3A = arith.index_cast %mul3A_73 : i32 to index
      %swap3A_84 = tpu.vector_load %arg16[%swap3A] {strides = array<i32>} : memref<3136xf32, #tpu.memory_space<vmem>>, vector<16xf32>,
      %swap3A_85 = vector.shape_cast %swap3A_84 : vector<16xf32> to vector<16xf32>
      %swap3A_86 = vector.shape_cast %select_n3A : vector<16xf32> to vector<16xf32>
      tpu.vector_store %arg16[%swap3A], %swap3A_86 {strides = array<i32>} : memref<3136xf32, #tpu.memory_space<vmem>>, vector<16xf32>,
    }
    %scan3A_52 = arith.constant 196 : i32
    "tpu.region"() ({
      %run_scoped3A = tpu.sem_alloc : memref<!tpu.dma_semaphore, #tpu.memory_space<semaphore_mem>>
      %dma_start3A = tpu.memref_slice %arg24[%mul3A_1] : memref<50176xf32, #tpu.memory_space<vmem_shared>> -> memref<3136xf32, #tpu.memory_space<vmem_shared>>
      %dma_start3A_68 = tpu.memref_slice %arg24[%mul3A_1] : memref<50176xf32, #tpu.memory_space<vmem_shared>> -> memref<3136xf32, #tpu.memory_space<vmem_shared>>
      tpu.enqueue_dma source(%arg16 : memref<3136xf32, #tpu.memory_space<vmem>>) target(%dma_start3A_68 : memref<3136xf32, #tpu.memory_space<vmem_shared>>) target_semaphore(%run_scoped3A : memref<!tpu.dma_semaphore, #tpu.memory_space<semaphore_mem>>)
      %dma_wait3A = tpu.memref_slice %arg24[%mul3A_1] : memref<50176xf32, #tpu.memory_space<vmem_shared>> -> memref<3136xf32, #tpu.memory_space<vmem_shared>>
      %dma_wait3A_69 = tpu.memref_slice %arg24[%mul3A_1] : memref<50176xf32, #tpu.memory_space<vmem_shared>> -> memref<3136xf32, #tpu.memory_space<vmem_shared>>
      tpu.wait_dma2 semaphore(%run_scoped3A : memref<!tpu.dma_semaphore, #tpu.memory_space<semaphore_mem>>) src(%arg16 : memref<3136xf32, #tpu.memory_space<vmem>>) dst(%dma_wait3A_69 : memref<3136xf32, #tpu.memory_space<vmem_shared>>)
      tpu.yield
    }) : () -> ()
    %broadcast_in_dim3A_53 = arith.constant 0.000000e+00 : f32
    %broadcast_in_dim3A_54 = vector.broadcast %broadcast_in_dim3A_53 : f32 to vector<16xf32>
    %scan3A_55 = arith.constant 0 : i32
    %scan3A_56 = arith.constant 196 : i32
    %scan3A_57 = arith.addi %scan3A_55, %scan3A_56 : i32
    %scan3A_58 = arith.constant 1 : i32
    scf.for %scan3A_68 = %scan3A_55 to %scan3A_57 step %scan3A_58  : i32 {
      %mul3A_69 = arith.constant 1 : i32
      %mul3A_70 = arith.muli %scan3A_68, %mul3A_69 : i32
      %add3A = arith.constant 0 : i32
      %add3A_71 = arith.addi %add3A, %mul3A_70 : i32
      %mul3A_72 = arith.constant 16 : i32
      %mul3A_73 = arith.muli %add3A_71, %mul3A_72 : i32
      %swap3A = arith.index_cast %mul3A_73 : i32 to index
      %swap3A_74 = tpu.vector_load %arg17[%swap3A] {strides = array<i32>} : memref<3136xf32, #tpu.memory_space<vmem>>, vector<16xf32>,
      %swap3A_75 = vector.shape_cast %swap3A_74 : vector<16xf32> to vector<16xf32>
      %swap3A_76 = vector.shape_cast %broadcast_in_dim3A_54 : vector<16xf32> to vector<16xf32>
      tpu.vector_store %arg17[%swap3A], %swap3A_76 {strides = array<i32>} : memref<3136xf32, #tpu.memory_space<vmem>>, vector<16xf32>,
    }
    %scan3A_59 = arith.constant 196 : i32
    "tpu.region"() ({
      %run_scoped3A = tpu.sem_alloc : memref<!tpu.dma_semaphore, #tpu.memory_space<semaphore_mem>>
      %dma_start3A = tpu.memref_slice %arg25[%mul3A_1] : memref<50176xf32, #tpu.memory_space<vmem_shared>> -> memref<3136xf32, #tpu.memory_space<vmem_shared>>
      %dma_start3A_68 = tpu.memref_slice %arg25[%mul3A_1] : memref<50176xf32, #tpu.memory_space<vmem_shared>> -> memref<3136xf32, #tpu.memory_space<vmem_shared>>
      tpu.enqueue_dma source(%arg17 : memref<3136xf32, #tpu.memory_space<vmem>>) target(%dma_start3A_68 : memref<3136xf32, #tpu.memory_space<vmem_shared>>) target_semaphore(%run_scoped3A : memref<!tpu.dma_semaphore, #tpu.memory_space<semaphore_mem>>)
      %dma_wait3A = tpu.memref_slice %arg25[%mul3A_1] : memref<50176xf32, #tpu.memory_space<vmem_shared>> -> memref<3136xf32, #tpu.memory_space<vmem_shared>>
      %dma_wait3A_69 = tpu.memref_slice %arg25[%mul3A_1] : memref<50176xf32, #tpu.memory_space<vmem_shared>> -> memref<3136xf32, #tpu.memory_space<vmem_shared>>
      tpu.wait_dma2 semaphore(%run_scoped3A : memref<!tpu.dma_semaphore, #tpu.memory_space<semaphore_mem>>) src(%arg17 : memref<3136xf32, #tpu.memory_space<vmem>>) dst(%dma_wait3A_69 : memref<3136xf32, #tpu.memory_space<vmem_shared>>)
      tpu.yield
    }) : () -> ()
    %barrier3A_60 = arith.constant 0 : index
    tpu.barrier barrier_id(%barrier3A_60)
    %convert_element_type3A_61 = arith.extui %eq3A_0 : i1 to i32
    %cond3A_62 = arith.constant 0 : i32
    %cond3A_63 = arith.cmpi ne, %convert_element_type3A_61, %cond3A_62 : i32
    scf.if %cond3A_63 {
      %mul3A_68 = arith.constant 50000 : i32
      %mul3A_69 = arith.muli %arg1, %mul3A_68 : i32
      "tpu.region"() ({
        %run_scoped3A = tpu.sem_alloc : memref<!tpu.dma_semaphore, #tpu.memory_space<semaphore_mem>>
        %dma_start3A_103 = tpu.memref_slice %arg4[%mul3A_69] : memref<800000xi32, #tpu.memory_space<hbm>> -> memref<10000xi32, #tpu.memory_space<hbm>>
        %dma_start3A_104 = tpu.memref_slice %arg4[%mul3A_69] : memref<800000xi32, #tpu.memory_space<hbm>> -> memref<10000xi32, #tpu.memory_space<hbm>>
        tpu.enqueue_dma source(%dma_start3A_104 : memref<10000xi32, #tpu.memory_space<hbm>>) target(%arg9 : memref<10000xi32, #tpu.memory_space<vmem>>) target_semaphore(%run_scoped3A : memref<!tpu.dma_semaphore, #tpu.memory_space<semaphore_mem>>)
        %dma_wait3A_105 = tpu.memref_slice %arg4[%mul3A_69] : memref<800000xi32, #tpu.memory_space<hbm>> -> memref<10000xi32, #tpu.memory_space<hbm>>
        %dma_wait3A_106 = tpu.memref_slice %arg4[%mul3A_69] : memref<800000xi32, #tpu.memory_space<hbm>> -> memref<10000xi32, #tpu.memory_space<hbm>>
        tpu.wait_dma2 semaphore(%run_scoped3A : memref<!tpu.dma_semaphore, #tpu.memory_space<semaphore_mem>>) src(%dma_wait3A_106 : memref<10000xi32, #tpu.memory_space<hbm>>) dst(%arg9 : memref<10000xi32, #tpu.memory_space<vmem>>)
        tpu.yield
      }) : () -> ()
      "tpu.region"() ({
        %run_scoped3A = tpu.sem_alloc : memref<!tpu.dma_semaphore, #tpu.memory_space<semaphore_mem>>
        %dma_start3A_103 = tpu.memref_slice %arg3[%mul3A_69] : memref<800000xi32, #tpu.memory_space<hbm>> -> memref<10000xi32, #tpu.memory_space<hbm>>
        %dma_start3A_104 = tpu.memref_slice %arg3[%mul3A_69] : memref<800000xi32, #tpu.memory_space<hbm>> -> memref<10000xi32, #tpu.memory_space<hbm>>
        tpu.enqueue_dma source(%dma_start3A_104 : memref<10000xi32, #tpu.memory_space<hbm>>) target(%arg11 : memref<10000xi32, #tpu.memory_space<vmem>>) target_semaphore(%run_scoped3A : memref<!tpu.dma_semaphore, #tpu.memory_space<semaphore_mem>>)
        %dma_wait3A_105 = tpu.memref_slice %arg3[%mul3A_69] : memref<800000xi32, #tpu.memory_space<hbm>> -> memref<10000xi32, #tpu.memory_space<hbm>>
        %dma_wait3A_106 = tpu.memref_slice %arg3[%mul3A_69] : memref<800000xi32, #tpu.memory_space<hbm>> -> memref<10000xi32, #tpu.memory_space<hbm>>
        tpu.wait_dma2 semaphore(%run_scoped3A : memref<!tpu.dma_semaphore, #tpu.memory_space<semaphore_mem>>) src(%dma_wait3A_106 : memref<10000xi32, #tpu.memory_space<hbm>>) dst(%arg11 : memref<10000xi32, #tpu.memory_space<vmem>>)
        tpu.yield
      }) : () -> ()
      %dma_start3A = arith.constant 0 : i32
      %dma_start3A_70 = tpu.memref_slice %arg24[%dma_start3A] : memref<50176xf32, #tpu.memory_space<vmem_shared>> -> memref<50176xf32, #tpu.memory_space<vmem_shared>>
      tpu.enqueue_indirect_dma source(%dma_start3A_70 : memref<50176xf32, #tpu.memory_space<vmem_shared>>) target(%arg13 : memref<10000xf32, #tpu.memory_space<vmem>>) offsets(%arg9 : memref<10000xi32, #tpu.memory_space<vmem>>) semaphore(%arg27 : memref<!tpu.dma_semaphore, #tpu.memory_space<semaphore_mem>>)
      %add3A = arith.constant 10000 : i32
      %add3A_71 = arith.addi %mul3A_69, %add3A : i32
      "tpu.region"() ({
        %run_scoped3A = tpu.sem_alloc : memref<!tpu.dma_semaphore, #tpu.memory_space<semaphore_mem>>
        %dma_start3A_103 = tpu.memref_slice %arg4[%add3A_71] : memref<800000xi32, #tpu.memory_space<hbm>> -> memref<10000xi32, #tpu.memory_space<hbm>>
        %dma_start3A_104 = tpu.memref_slice %arg4[%add3A_71] : memref<800000xi32, #tpu.memory_space<hbm>> -> memref<10000xi32, #tpu.memory_space<hbm>>
        tpu.enqueue_dma source(%dma_start3A_104 : memref<10000xi32, #tpu.memory_space<hbm>>) target(%arg10 : memref<10000xi32, #tpu.memory_space<vmem>>) target_semaphore(%run_scoped3A : memref<!tpu.dma_semaphore, #tpu.memory_space<semaphore_mem>>)
        %dma_wait3A_105 = tpu.memref_slice %arg4[%add3A_71] : memref<800000xi32, #tpu.memory_space<hbm>> -> memref<10000xi32, #tpu.memory_space<hbm>>
        %dma_wait3A_106 = tpu.memref_slice %arg4[%add3A_71] : memref<800000xi32, #tpu.memory_space<hbm>> -> memref<10000xi32, #tpu.memory_space<hbm>>
        tpu.wait_dma2 semaphore(%run_scoped3A : memref<!tpu.dma_semaphore, #tpu.memory_space<semaphore_mem>>) src(%dma_wait3A_106 : memref<10000xi32, #tpu.memory_space<hbm>>) dst(%arg10 : memref<10000xi32, #tpu.memory_space<vmem>>)
        tpu.yield
      }) : () -> ()
      %add3A_72 = arith.constant 10000 : i32
      %add3A_73 = arith.addi %mul3A_69, %add3A_72 : i32
      "tpu.region"() ({
        %run_scoped3A = tpu.sem_alloc : memref<!tpu.dma_semaphore, #tpu.memory_space<semaphore_mem>>
        %dma_start3A_103 = tpu.memref_slice %arg3[%add3A_73] : memref<800000xi32, #tpu.memory_space<hbm>> -> memref<10000xi32, #tpu.memory_space<hbm>>
        %dma_start3A_104 = tpu.memref_slice %arg3[%add3A_73] : memref<800000xi32, #tpu.memory_space<hbm>> -> memref<10000xi32, #tpu.memory_space<hbm>>
        tpu.enqueue_dma source(%dma_start3A_104 : memref<10000xi32, #tpu.memory_space<hbm>>) target(%arg12 : memref<10000xi32, #tpu.memory_space<vmem>>) target_semaphore(%run_scoped3A : memref<!tpu.dma_semaphore, #tpu.memory_space<semaphore_mem>>)
        %dma_wait3A_105 = tpu.memref_slice %arg3[%add3A_73] : memref<800000xi32, #tpu.memory_space<hbm>> -> memref<10000xi32, #tpu.memory_space<hbm>>
        %dma_wait3A_106 = tpu.memref_slice %arg3[%add3A_73] : memref<800000xi32, #tpu.memory_space<hbm>> -> memref<10000xi32, #tpu.memory_space<hbm>>
        tpu.wait_dma2 semaphore(%run_scoped3A : memref<!tpu.dma_semaphore, #tpu.memory_space<semaphore_mem>>) src(%dma_wait3A_106 : memref<10000xi32, #tpu.memory_space<hbm>>) dst(%arg12 : memref<10000xi32, #tpu.memory_space<vmem>>)
        tpu.yield
      }) : () -> ()
      %dma_start3A_74 = arith.constant 0 : i32
      %dma_start3A_75 = tpu.memref_slice %arg24[%dma_start3A_74] : memref<50176xf32, #tpu.memory_space<vmem_shared>> -> memref<50176xf32, #tpu.memory_space<vmem_shared>>
      tpu.enqueue_indirect_dma source(%dma_start3A_75 : memref<50176xf32, #tpu.memory_space<vmem_shared>>) target(%arg14 : memref<10000xf32, #tpu.memory_space<vmem>>) offsets(%arg10 : memref<10000xi32, #tpu.memory_space<vmem>>) semaphore(%arg28 : memref<!tpu.dma_semaphore, #tpu.memory_space<semaphore_mem>>)
      %dma_wait3A = arith.constant 0 : i32
      %dma_wait3A_76 = tpu.memref_slice %arg24[%dma_wait3A] : memref<50176xf32, #tpu.memory_space<vmem_shared>> -> memref<50176xf32, #tpu.memory_space<vmem_shared>>
      tpu.wait_indirect_dma semaphore(%arg27 : memref<!tpu.dma_semaphore, #tpu.memory_space<semaphore_mem>>) src(%dma_wait3A_76 : memref<50176xf32, #tpu.memory_space<vmem_shared>>) dst(%arg13 : memref<10000xf32, #tpu.memory_space<vmem>>)
      "tpu.region"() ({
        %run_scoped3A = tpu.sem_alloc : memref<!tpu.dma_semaphore, #tpu.memory_space<semaphore_mem>>
        %dma_start3A_103 = arith.constant 0 : i32
        %dma_start3A_104 = tpu.memref_slice %arg25[%dma_start3A_103] : memref<50176xf32, #tpu.memory_space<vmem_shared>> -> memref<50176xf32, #tpu.memory_space<vmem_shared>>
        tpu.enqueue_indirect_dma source(%arg13 : memref<10000xf32, #tpu.memory_space<vmem>>) target(%dma_start3A_104 : memref<50176xf32, #tpu.memory_space<vmem_shared>>) offsets(%arg11 : memref<10000xi32, #tpu.memory_space<vmem>>) semaphore(%run_scoped3A : memref<!tpu.dma_semaphore, #tpu.memory_space<semaphore_mem>>) {add = true}
        %dma_wait3A_105 = arith.constant 0 : i32
        %dma_wait3A_106 = tpu.memref_slice %arg25[%dma_wait3A_105] : memref<50176xf32, #tpu.memory_space<vmem_shared>> -> memref<50176xf32, #tpu.memory_space<vmem_shared>>
        tpu.wait_indirect_dma semaphore(%run_scoped3A : memref<!tpu.dma_semaphore, #tpu.memory_space<semaphore_mem>>) src(%arg13 : memref<10000xf32, #tpu.memory_space<vmem>>) dst(%dma_wait3A_106 : memref<50176xf32, #tpu.memory_space<vmem_shared>>)
        tpu.yield
      }) : () -> ()
      %add3A_77 = arith.constant 20000 : i32
      %add3A_78 = arith.addi %mul3A_69, %add3A_77 : i32
      "tpu.region"() ({
        %run_scoped3A = tpu.sem_alloc : memref<!tpu.dma_semaphore, #tpu.memory_space<semaphore_mem>>
        %dma_start3A_103 = tpu.memref_slice %arg4[%add3A_78] : memref<800000xi32, #tpu.memory_space<hbm>> -> memref<10000xi32, #tpu.memory_space<hbm>>
        %dma_start3A_104 = tpu.memref_slice %arg4[%add3A_78] : memref<800000xi32, #tpu.memory_space<hbm>> -> memref<10000xi32, #tpu.memory_space<hbm>>
        tpu.enqueue_dma source(%dma_start3A_104 : memref<10000xi32, #tpu.memory_space<hbm>>) target(%arg9 : memref<10000xi32, #tpu.memory_space<vmem>>) target_semaphore(%run_scoped3A : memref<!tpu.dma_semaphore, #tpu.memory_space<semaphore_mem>>)
        %dma_wait3A_105 = tpu.memref_slice %arg4[%add3A_78] : memref<800000xi32, #tpu.memory_space<hbm>> -> memref<10000xi32, #tpu.memory_space<hbm>>
        %dma_wait3A_106 = tpu.memref_slice %arg4[%add3A_78] : memref<800000xi32, #tpu.memory_space<hbm>> -> memref<10000xi32, #tpu.memory_space<hbm>>
        tpu.wait_dma2 semaphore(%run_scoped3A : memref<!tpu.dma_semaphore, #tpu.memory_space<semaphore_mem>>) src(%dma_wait3A_106 : memref<10000xi32, #tpu.memory_space<hbm>>) dst(%arg9 : memref<10000xi32, #tpu.memory_space<vmem>>)
        tpu.yield
      }) : () -> ()
      %add3A_79 = arith.constant 20000 : i32
      %add3A_80 = arith.addi %mul3A_69, %add3A_79 : i32
      "tpu.region"() ({
        %run_scoped3A = tpu.sem_alloc : memref<!tpu.dma_semaphore, #tpu.memory_space<semaphore_mem>>
        %dma_start3A_103 = tpu.memref_slice %arg3[%add3A_80] : memref<800000xi32, #tpu.memory_space<hbm>> -> memref<10000xi32, #tpu.memory_space<hbm>>
        %dma_start3A_104 = tpu.memref_slice %arg3[%add3A_80] : memref<800000xi32, #tpu.memory_space<hbm>> -> memref<10000xi32, #tpu.memory_space<hbm>>
        tpu.enqueue_dma source(%dma_start3A_104 : memref<10000xi32, #tpu.memory_space<hbm>>) target(%arg11 : memref<10000xi32, #tpu.memory_space<vmem>>) target_semaphore(%run_scoped3A : memref<!tpu.dma_semaphore, #tpu.memory_space<semaphore_mem>>)
        %dma_wait3A_105 = tpu.memref_slice %arg3[%add3A_80] : memref<800000xi32, #tpu.memory_space<hbm>> -> memref<10000xi32, #tpu.memory_space<hbm>>
        %dma_wait3A_106 = tpu.memref_slice %arg3[%add3A_80] : memref<800000xi32, #tpu.memory_space<hbm>> -> memref<10000xi32, #tpu.memory_space<hbm>>
        tpu.wait_dma2 semaphore(%run_scoped3A : memref<!tpu.dma_semaphore, #tpu.memory_space<semaphore_mem>>) src(%dma_wait3A_106 : memref<10000xi32, #tpu.memory_space<hbm>>) dst(%arg11 : memref<10000xi32, #tpu.memory_space<vmem>>)
        tpu.yield
      }) : () -> ()
      %dma_start3A_81 = arith.constant 0 : i32
      %dma_start3A_82 = tpu.memref_slice %arg24[%dma_start3A_81] : memref<50176xf32, #tpu.memory_space<vmem_shared>> -> memref<50176xf32, #tpu.memory_space<vmem_shared>>
      tpu.enqueue_indirect_dma source(%dma_start3A_82 : memref<50176xf32, #tpu.memory_space<vmem_shared>>) target(%arg13 : memref<10000xf32, #tpu.memory_space<vmem>>) offsets(%arg9 : memref<10000xi32, #tpu.memory_space<vmem>>) semaphore(%arg27 : memref<!tpu.dma_semaphore, #tpu.memory_space<semaphore_mem>>)
      %dma_wait3A_83 = arith.constant 0 : i32
      %dma_wait3A_84 = tpu.memref_slice %arg24[%dma_wait3A_83] : memref<50176xf32, #tpu.memory_space<vmem_shared>> -> memref<50176xf32, #tpu.memory_space<vmem_shared>>
      tpu.wait_indirect_dma semaphore(%arg28 : memref<!tpu.dma_semaphore, #tpu.memory_space<semaphore_mem>>) src(%dma_wait3A_84 : memref<50176xf32, #tpu.memory_space<vmem_shared>>) dst(%arg14 : memref<10000xf32, #tpu.memory_space<vmem>>)
      "tpu.region"() ({
        %run_scoped3A = tpu.sem_alloc : memref<!tpu.dma_semaphore, #tpu.memory_space<semaphore_mem>>
        %dma_start3A_103 = arith.constant 0 : i32
        %dma_start3A_104 = tpu.memref_slice %arg25[%dma_start3A_103] : memref<50176xf32, #tpu.memory_space<vmem_shared>> -> memref<50176xf32, #tpu.memory_space<vmem_shared>>
        tpu.enqueue_indirect_dma source(%arg14 : memref<10000xf32, #tpu.memory_space<vmem>>) target(%dma_start3A_104 : memref<50176xf32, #tpu.memory_space<vmem_shared>>) offsets(%arg12 : memref<10000xi32, #tpu.memory_space<vmem>>) semaphore(%run_scoped3A : memref<!tpu.dma_semaphore, #tpu.memory_space<semaphore_mem>>) {add = true}
        %dma_wait3A_105 = arith.constant 0 : i32
        %dma_wait3A_106 = tpu.memref_slice %arg25[%dma_wait3A_105] : memref<50176xf32, #tpu.memory_space<vmem_shared>> -> memref<50176xf32, #tpu.memory_space<vmem_shared>>
        tpu.wait_indirect_dma semaphore(%run_scoped3A : memref<!tpu.dma_semaphore, #tpu.memory_space<semaphore_mem>>) src(%arg14 : memref<10000xf32, #tpu.memory_space<vmem>>) dst(%dma_wait3A_106 : memref<50176xf32, #tpu.memory_space<vmem_shared>>)
        tpu.yield
      }) : () -> ()
      %add3A_85 = arith.constant 30000 : i32
      %add3A_86 = arith.addi %mul3A_69, %add3A_85 : i32
      "tpu.region"() ({
        %run_scoped3A = tpu.sem_alloc : memref<!tpu.dma_semaphore, #tpu.memory_space<semaphore_mem>>
        %dma_start3A_103 = tpu.memref_slice %arg4[%add3A_86] : memref<800000xi32, #tpu.memory_space<hbm>> -> memref<10000xi32, #tpu.memory_space<hbm>>
        %dma_start3A_104 = tpu.memref_slice %arg4[%add3A_86] : memref<800000xi32, #tpu.memory_space<hbm>> -> memref<10000xi32, #tpu.memory_space<hbm>>
        tpu.enqueue_dma source(%dma_start3A_104 : memref<10000xi32, #tpu.memory_space<hbm>>) target(%arg10 : memref<10000xi32, #tpu.memory_space<vmem>>) target_semaphore(%run_scoped3A : memref<!tpu.dma_semaphore, #tpu.memory_space<semaphore_mem>>)
        %dma_wait3A_105 = tpu.memref_slice %arg4[%add3A_86] : memref<800000xi32, #tpu.memory_space<hbm>> -> memref<10000xi32, #tpu.memory_space<hbm>>
        %dma_wait3A_106 = tpu.memref_slice %arg4[%add3A_86] : memref<800000xi32, #tpu.memory_space<hbm>> -> memref<10000xi32, #tpu.memory_space<hbm>>
        tpu.wait_dma2 semaphore(%run_scoped3A : memref<!tpu.dma_semaphore, #tpu.memory_space<semaphore_mem>>) src(%dma_wait3A_106 : memref<10000xi32, #tpu.memory_space<hbm>>) dst(%arg10 : memref<10000xi32, #tpu.memory_space<vmem>>)
        tpu.yield
      }) : () -> ()
      %add3A_87 = arith.constant 30000 : i32
      %add3A_88 = arith.addi %mul3A_69, %add3A_87 : i32
      "tpu.region"() ({
        %run_scoped3A = tpu.sem_alloc : memref<!tpu.dma_semaphore, #tpu.memory_space<semaphore_mem>>
        %dma_start3A_103 = tpu.memref_slice %arg3[%add3A_88] : memref<800000xi32, #tpu.memory_space<hbm>> -> memref<10000xi32, #tpu.memory_space<hbm>>
        %dma_start3A_104 = tpu.memref_slice %arg3[%add3A_88] : memref<800000xi32, #tpu.memory_space<hbm>> -> memref<10000xi32, #tpu.memory_space<hbm>>
        tpu.enqueue_dma source(%dma_start3A_104 : memref<10000xi32, #tpu.memory_space<hbm>>) target(%arg12 : memref<10000xi32, #tpu.memory_space<vmem>>) target_semaphore(%run_scoped3A : memref<!tpu.dma_semaphore, #tpu.memory_space<semaphore_mem>>)
        %dma_wait3A_105 = tpu.memref_slice %arg3[%add3A_88] : memref<800000xi32, #tpu.memory_space<hbm>> -> memref<10000xi32, #tpu.memory_space<hbm>>
        %dma_wait3A_106 = tpu.memref_slice %arg3[%add3A_88] : memref<800000xi32, #tpu.memory_space<hbm>> -> memref<10000xi32, #tpu.memory_space<hbm>>
        tpu.wait_dma2 semaphore(%run_scoped3A : memref<!tpu.dma_semaphore, #tpu.memory_space<semaphore_mem>>) src(%dma_wait3A_106 : memref<10000xi32, #tpu.memory_space<hbm>>) dst(%arg12 : memref<10000xi32, #tpu.memory_space<vmem>>)
        tpu.yield
      }) : () -> ()
      %dma_start3A_89 = arith.constant 0 : i32
      %dma_start3A_90 = tpu.memref_slice %arg24[%dma_start3A_89] : memref<50176xf32, #tpu.memory_space<vmem_shared>> -> memref<50176xf32, #tpu.memory_space<vmem_shared>>
      tpu.enqueue_indirect_dma source(%dma_start3A_90 : memref<50176xf32, #tpu.memory_space<vmem_shared>>) target(%arg14 : memref<10000xf32, #tpu.memory_space<vmem>>) offsets(%arg10 : memref<10000xi32, #tpu.memory_space<vmem>>) semaphore(%arg28 : memref<!tpu.dma_semaphore, #tpu.memory_space<semaphore_mem>>)
      %dma_wait3A_91 = arith.constant 0 : i32
      %dma_wait3A_92 = tpu.memref_slice %arg24[%dma_wait3A_91] : memref<50176xf32, #tpu.memory_space<vmem_shared>> -> memref<50176xf32, #tpu.memory_space<vmem_shared>>
      tpu.wait_indirect_dma semaphore(%arg27 : memref<!tpu.dma_semaphore, #tpu.memory_space<semaphore_mem>>) src(%dma_wait3A_92 : memref<50176xf32, #tpu.memory_space<vmem_shared>>) dst(%arg13 : memref<10000xf32, #tpu.memory_space<vmem>>)
      "tpu.region"() ({
        %run_scoped3A = tpu.sem_alloc : memref<!tpu.dma_semaphore, #tpu.memory_space<semaphore_mem>>
        %dma_start3A_103 = arith.constant 0 : i32
        %dma_start3A_104 = tpu.memref_slice %arg25[%dma_start3A_103] : memref<50176xf32, #tpu.memory_space<vmem_shared>> -> memref<50176xf32, #tpu.memory_space<vmem_shared>>
        tpu.enqueue_indirect_dma source(%arg13 : memref<10000xf32, #tpu.memory_space<vmem>>) target(%dma_start3A_104 : memref<50176xf32, #tpu.memory_space<vmem_shared>>) offsets(%arg11 : memref<10000xi32, #tpu.memory_space<vmem>>) semaphore(%run_scoped3A : memref<!tpu.dma_semaphore, #tpu.memory_space<semaphore_mem>>) {add = true}
        %dma_wait3A_105 = arith.constant 0 : i32
        %dma_wait3A_106 = tpu.memref_slice %arg25[%dma_wait3A_105] : memref<50176xf32, #tpu.memory_space<vmem_shared>> -> memref<50176xf32, #tpu.memory_space<vmem_shared>>
        tpu.wait_indirect_dma semaphore(%run_scoped3A : memref<!tpu.dma_semaphore, #tpu.memory_space<semaphore_mem>>) src(%arg13 : memref<10000xf32, #tpu.memory_space<vmem>>) dst(%dma_wait3A_106 : memref<50176xf32, #tpu.memory_space<vmem_shared>>)
        tpu.yield
      }) : () -> ()
      %add3A_93 = arith.constant 40000 : i32
      %add3A_94 = arith.addi %mul3A_69, %add3A_93 : i32
      "tpu.region"() ({
        %run_scoped3A = tpu.sem_alloc : memref<!tpu.dma_semaphore, #tpu.memory_space<semaphore_mem>>
        %dma_start3A_103 = tpu.memref_slice %arg4[%add3A_94] : memref<800000xi32, #tpu.memory_space<hbm>> -> memref<10000xi32, #tpu.memory_space<hbm>>
        %dma_start3A_104 = tpu.memref_slice %arg4[%add3A_94] : memref<800000xi32, #tpu.memory_space<hbm>> -> memref<10000xi32, #tpu.memory_space<hbm>>
        tpu.enqueue_dma source(%dma_start3A_104 : memref<10000xi32, #tpu.memory_space<hbm>>) target(%arg9 : memref<10000xi32, #tpu.memory_space<vmem>>) target_semaphore(%run_scoped3A : memref<!tpu.dma_semaphore, #tpu.memory_space<semaphore_mem>>)
        %dma_wait3A_105 = tpu.memref_slice %arg4[%add3A_94] : memref<800000xi32, #tpu.memory_space<hbm>> -> memref<10000xi32, #tpu.memory_space<hbm>>
        %dma_wait3A_106 = tpu.memref_slice %arg4[%add3A_94] : memref<800000xi32, #tpu.memory_space<hbm>> -> memref<10000xi32, #tpu.memory_space<hbm>>
        tpu.wait_dma2 semaphore(%run_scoped3A : memref<!tpu.dma_semaphore, #tpu.memory_space<semaphore_mem>>) src(%dma_wait3A_106 : memref<10000xi32, #tpu.memory_space<hbm>>) dst(%arg9 : memref<10000xi32, #tpu.memory_space<vmem>>)
        tpu.yield
      }) : () -> ()
      %add3A_95 = arith.constant 40000 : i32
      %add3A_96 = arith.addi %mul3A_69, %add3A_95 : i32
      "tpu.region"() ({
        %run_scoped3A = tpu.sem_alloc : memref<!tpu.dma_semaphore, #tpu.memory_space<semaphore_mem>>
        %dma_start3A_103 = tpu.memref_slice %arg3[%add3A_96] : memref<800000xi32, #tpu.memory_space<hbm>> -> memref<10000xi32, #tpu.memory_space<hbm>>
        %dma_start3A_104 = tpu.memref_slice %arg3[%add3A_96] : memref<800000xi32, #tpu.memory_space<hbm>> -> memref<10000xi32, #tpu.memory_space<hbm>>
        tpu.enqueue_dma source(%dma_start3A_104 : memref<10000xi32, #tpu.memory_space<hbm>>) target(%arg11 : memref<10000xi32, #tpu.memory_space<vmem>>) target_semaphore(%run_scoped3A : memref<!tpu.dma_semaphore, #tpu.memory_space<semaphore_mem>>)
        %dma_wait3A_105 = tpu.memref_slice %arg3[%add3A_96] : memref<800000xi32, #tpu.memory_space<hbm>> -> memref<10000xi32, #tpu.memory_space<hbm>>
        %dma_wait3A_106 = tpu.memref_slice %arg3[%add3A_96] : memref<800000xi32, #tpu.memory_space<hbm>> -> memref<10000xi32, #tpu.memory_space<hbm>>
        tpu.wait_dma2 semaphore(%run_scoped3A : memref<!tpu.dma_semaphore, #tpu.memory_space<semaphore_mem>>) src(%dma_wait3A_106 : memref<10000xi32, #tpu.memory_space<hbm>>) dst(%arg11 : memref<10000xi32, #tpu.memory_space<vmem>>)
        tpu.yield
      }) : () -> ()
      %dma_start3A_97 = arith.constant 0 : i32
      %dma_start3A_98 = tpu.memref_slice %arg24[%dma_start3A_97] : memref<50176xf32, #tpu.memory_space<vmem_shared>> -> memref<50176xf32, #tpu.memory_space<vmem_shared>>
      tpu.enqueue_indirect_dma source(%dma_start3A_98 : memref<50176xf32, #tpu.memory_space<vmem_shared>>) target(%arg13 : memref<10000xf32, #tpu.memory_space<vmem>>) offsets(%arg9 : memref<10000xi32, #tpu.memory_space<vmem>>) semaphore(%arg27 : memref<!tpu.dma_semaphore, #tpu.memory_space<semaphore_mem>>)
      %dma_wait3A_99 = arith.constant 0 : i32
      %dma_wait3A_100 = tpu.memref_slice %arg24[%dma_wait3A_99] : memref<50176xf32, #tpu.memory_space<vmem_shared>> -> memref<50176xf32, #tpu.memory_space<vmem_shared>>
      tpu.wait_indirect_dma semaphore(%arg28 : memref<!tpu.dma_semaphore, #tpu.memory_space<semaphore_mem>>) src(%dma_wait3A_100 : memref<50176xf32, #tpu.memory_space<vmem_shared>>) dst(%arg14 : memref<10000xf32, #tpu.memory_space<vmem>>)
      "tpu.region"() ({
        %run_scoped3A = tpu.sem_alloc : memref<!tpu.dma_semaphore, #tpu.memory_space<semaphore_mem>>
        %dma_start3A_103 = arith.constant 0 : i32
        %dma_start3A_104 = tpu.memref_slice %arg25[%dma_start3A_103] : memref<50176xf32, #tpu.memory_space<vmem_shared>> -> memref<50176xf32, #tpu.memory_space<vmem_shared>>
        tpu.enqueue_indirect_dma source(%arg14 : memref<10000xf32, #tpu.memory_space<vmem>>) target(%dma_start3A_104 : memref<50176xf32, #tpu.memory_space<vmem_shared>>) offsets(%arg12 : memref<10000xi32, #tpu.memory_space<vmem>>) semaphore(%run_scoped3A : memref<!tpu.dma_semaphore, #tpu.memory_space<semaphore_mem>>) {add = true}
        %dma_wait3A_105 = arith.constant 0 : i32
        %dma_wait3A_106 = tpu.memref_slice %arg25[%dma_wait3A_105] : memref<50176xf32, #tpu.memory_space<vmem_shared>> -> memref<50176xf32, #tpu.memory_space<vmem_shared>>
        tpu.wait_indirect_dma semaphore(%run_scoped3A : memref<!tpu.dma_semaphore, #tpu.memory_space<semaphore_mem>>) src(%arg14 : memref<10000xf32, #tpu.memory_space<vmem>>) dst(%dma_wait3A_106 : memref<50176xf32, #tpu.memory_space<vmem_shared>>)
        tpu.yield
      }) : () -> ()
      %dma_wait3A_101 = arith.constant 0 : i32
      %dma_wait3A_102 = tpu.memref_slice %arg24[%dma_wait3A_101] : memref<50176xf32, #tpu.memory_space<vmem_shared>> -> memref<50176xf32, #tpu.memory_space<vmem_shared>>
      tpu.wait_indirect_dma semaphore(%arg27 : memref<!tpu.dma_semaphore, #tpu.memory_space<semaphore_mem>>) src(%dma_wait3A_102 : memref<50176xf32, #tpu.memory_space<vmem_shared>>) dst(%arg13 : memref<10000xf32, #tpu.memory_space<vmem>>)
      "tpu.region"() ({
        %run_scoped3A = tpu.sem_alloc : memref<!tpu.dma_semaphore, #tpu.memory_space<semaphore_mem>>
        %dma_start3A_103 = arith.constant 0 : i32
        %dma_start3A_104 = tpu.memref_slice %arg25[%dma_start3A_103] : memref<50176xf32, #tpu.memory_space<vmem_shared>> -> memref<50176xf32, #tpu.memory_space<vmem_shared>>
        tpu.enqueue_indirect_dma source(%arg13 : memref<10000xf32, #tpu.memory_space<vmem>>) target(%dma_start3A_104 : memref<50176xf32, #tpu.memory_space<vmem_shared>>) offsets(%arg11 : memref<10000xi32, #tpu.memory_space<vmem>>) semaphore(%run_scoped3A : memref<!tpu.dma_semaphore, #tpu.memory_space<semaphore_mem>>) {add = true}
        %dma_wait3A_105 = arith.constant 0 : i32
        %dma_wait3A_106 = tpu.memref_slice %arg25[%dma_wait3A_105] : memref<50176xf32, #tpu.memory_space<vmem_shared>> -> memref<50176xf32, #tpu.memory_space<vmem_shared>>
        tpu.wait_indirect_dma semaphore(%run_scoped3A : memref<!tpu.dma_semaphore, #tpu.memory_space<semaphore_mem>>) src(%arg13 : memref<10000xf32, #tpu.memory_space<vmem>>) dst(%dma_wait3A_106 : memref<50176xf32, #tpu.memory_space<vmem_shared>>)
        tpu.yield
      }) : () -> ()
    } else {
    }
    %barrier3A_64 = arith.constant 0 : index
    tpu.barrier barrier_id(%barrier3A_64)
    %convert_element_type3A_65 = arith.extui %eq3A_0 : i1 to i32
    %cond3A_66 = arith.constant 0 : i32
    %cond3A_67 = arith.cmpi ne, %convert_element_type3A_65, %cond3A_66 : i32
    scf.if %cond3A_67 {
      "tpu.region"() ({
        %run_scoped3A = tpu.sem_alloc : memref<!tpu.dma_semaphore, #tpu.memory_space<semaphore_mem>>
        %dma_start3A = tpu.memref_slice %arg25[%mul3A_1] : memref<50176xf32, #tpu.memory_space<vmem_shared>> -> memref<3136xf32, #tpu.memory_space<vmem_shared>>
        %dma_start3A_76 = tpu.memref_slice %arg25[%mul3A_1] : memref<50176xf32, #tpu.memory_space<vmem_shared>> -> memref<3136xf32, #tpu.memory_space<vmem_shared>>
        tpu.enqueue_dma source(%dma_start3A_76 : memref<3136xf32, #tpu.memory_space<vmem_shared>>) target(%arg16 : memref<3136xf32, #tpu.memory_space<vmem>>) target_semaphore(%run_scoped3A : memref<!tpu.dma_semaphore, #tpu.memory_space<semaphore_mem>>)
        %dma_wait3A = tpu.memref_slice %arg25[%mul3A_1] : memref<50176xf32, #tpu.memory_space<vmem_shared>> -> memref<3136xf32, #tpu.memory_space<vmem_shared>>
        %dma_wait3A_77 = tpu.memref_slice %arg25[%mul3A_1] : memref<50176xf32, #tpu.memory_space<vmem_shared>> -> memref<3136xf32, #tpu.memory_space<vmem_shared>>
        tpu.wait_dma2 semaphore(%run_scoped3A : memref<!tpu.dma_semaphore, #tpu.memory_space<semaphore_mem>>) src(%dma_wait3A_77 : memref<3136xf32, #tpu.memory_space<vmem_shared>>) dst(%arg16 : memref<3136xf32, #tpu.memory_space<vmem>>)
        tpu.yield
      }) : () -> ()
      "tpu.region"() ({
        %run_scoped3A = tpu.sem_alloc : memref<!tpu.dma_semaphore, #tpu.memory_space<semaphore_mem>>
        %dma_start3A = tpu.memref_slice %arg21[%mul3A_1] : memref<50176xf32, #tpu.memory_space<vmem_shared>> -> memref<3136xf32, #tpu.memory_space<vmem_shared>>
        %dma_start3A_76 = tpu.memref_slice %arg21[%mul3A_1] : memref<50176xf32, #tpu.memory_space<vmem_shared>> -> memref<3136xf32, #tpu.memory_space<vmem_shared>>
        tpu.enqueue_dma source(%dma_start3A_76 : memref<3136xf32, #tpu.memory_space<vmem_shared>>) target(%arg17 : memref<3136xf32, #tpu.memory_space<vmem>>) target_semaphore(%run_scoped3A : memref<!tpu.dma_semaphore, #tpu.memory_space<semaphore_mem>>)
        %dma_wait3A = tpu.memref_slice %arg21[%mul3A_1] : memref<50176xf32, #tpu.memory_space<vmem_shared>> -> memref<3136xf32, #tpu.memory_space<vmem_shared>>
        %dma_wait3A_77 = tpu.memref_slice %arg21[%mul3A_1] : memref<50176xf32, #tpu.memory_space<vmem_shared>> -> memref<3136xf32, #tpu.memory_space<vmem_shared>>
        tpu.wait_dma2 semaphore(%run_scoped3A : memref<!tpu.dma_semaphore, #tpu.memory_space<semaphore_mem>>) src(%dma_wait3A_77 : memref<3136xf32, #tpu.memory_space<vmem_shared>>) dst(%arg17 : memref<3136xf32, #tpu.memory_space<vmem>>)
        tpu.yield
      }) : () -> ()
      %get3A_68 = arith.constant 0 : index
      %get3A_69 = tpu.vector_load %arg20[%get3A_68] {strides = array<i32>} : memref<16xf32, #tpu.memory_space<vmem>>, vector<16xf32>,
      %get3A_70 = vector.shape_cast %get3A_69 : vector<16xf32> to vector<16xf32>
      %scan3A_71 = arith.constant 0 : i32
      %scan3A_72 = arith.constant 196 : i32
      %scan3A_73 = arith.addi %scan3A_71, %scan3A_72 : i32
      %scan3A_74 = arith.constant 1 : i32
      scf.for %scan3A_76 = %scan3A_71 to %scan3A_73 step %scan3A_74  : i32 {
        %mul3A_77 = arith.constant 1 : i32
        %mul3A_78 = arith.muli %scan3A_76, %mul3A_77 : i32
        %add3A = arith.constant 0 : i32
        %add3A_79 = arith.addi %add3A, %mul3A_78 : i32
        %mul3A_80 = arith.constant 16 : i32
        %mul3A_81 = arith.muli %add3A_79, %mul3A_80 : i32
        %get3A_82 = arith.index_cast %mul3A_81 : i32 to index
        %get3A_83 = tpu.vector_load %arg16[%get3A_82] {strides = array<i32>} : memref<3136xf32, #tpu.memory_space<vmem>>, vector<16xf32>,
        %get3A_84 = vector.shape_cast %get3A_83 : vector<16xf32> to vector<16xf32>
        %get3A_85 = arith.index_cast %mul3A_81 : i32 to index
        %get3A_86 = tpu.vector_load %arg17[%get3A_85] {strides = array<i32>} : memref<3136xf32, #tpu.memory_space<vmem>>, vector<16xf32>,
        %get3A_87 = vector.shape_cast %get3A_86 : vector<16xf32> to vector<16xf32>
        %eq3A_88 = arith.constant 0.000000e+00 : f32
        %eq3A_89 = vector.broadcast %eq3A_88 : f32 to vector<16xf32>
        %eq3A_90 = arith.cmpf oeq, %get3A_87, %eq3A_89 : vector<16xf32>
        %div3A = arith.divf %get3A_84, %get3A_87 : vector<16xf32>
        %jit3A = arith.constant 0.000000e+00 : f32
        %broadcast_in_dim3A_91 = vector.broadcast %jit3A : f32 to vector<16xf32>
        %select_n3A = arith.select %eq3A_90, %broadcast_in_dim3A_91, %div3A : vector<16xi1>, vector<16xf32>
        %add3A_92 = arith.addf %select_n3A, %get3A_70 : vector<16xf32>
        %swap3A = arith.index_cast %mul3A_81 : i32 to index
        %swap3A_93 = tpu.vector_load %arg16[%swap3A] {strides = array<i32>} : memref<3136xf32, #tpu.memory_space<vmem>>, vector<16xf32>,
        %swap3A_94 = vector.shape_cast %swap3A_93 : vector<16xf32> to vector<16xf32>
        %swap3A_95 = vector.shape_cast %add3A_92 : vector<16xf32> to vector<16xf32>
        tpu.vector_store %arg16[%swap3A], %swap3A_95 {strides = array<i32>} : memref<3136xf32, #tpu.memory_space<vmem>>, vector<16xf32>,
      }
      %scan3A_75 = arith.constant 196 : i32
      "tpu.region"() ({
        %run_scoped3A = tpu.sem_alloc : memref<!tpu.dma_semaphore, #tpu.memory_space<semaphore_mem>>
        %dma_start3A = tpu.memref_slice %arg8[%mul3A_1] : memref<50176xf32, #tpu.memory_space<hbm>> -> memref<3136xf32, #tpu.memory_space<hbm>>
        %dma_start3A_76 = tpu.memref_slice %arg8[%mul3A_1] : memref<50176xf32, #tpu.memory_space<hbm>> -> memref<3136xf32, #tpu.memory_space<hbm>>
        tpu.enqueue_dma source(%arg16 : memref<3136xf32, #tpu.memory_space<vmem>>) target(%dma_start3A_76 : memref<3136xf32, #tpu.memory_space<hbm>>) target_semaphore(%run_scoped3A : memref<!tpu.dma_semaphore, #tpu.memory_space<semaphore_mem>>)
        %dma_wait3A = tpu.memref_slice %arg8[%mul3A_1] : memref<50176xf32, #tpu.memory_space<hbm>> -> memref<3136xf32, #tpu.memory_space<hbm>>
        %dma_wait3A_77 = tpu.memref_slice %arg8[%mul3A_1] : memref<50176xf32, #tpu.memory_space<hbm>> -> memref<3136xf32, #tpu.memory_space<hbm>>
        tpu.wait_dma2 semaphore(%run_scoped3A : memref<!tpu.dma_semaphore, #tpu.memory_space<semaphore_mem>>) src(%arg16 : memref<3136xf32, #tpu.memory_space<vmem>>) dst(%dma_wait3A_77 : memref<3136xf32, #tpu.memory_space<hbm>>)
        tpu.yield
      }) : () -> ()
    } else {
    }
    return
  }
}

</mosaic_0001>

<sc_bundles>
// kernel: _run.3.cloned.1.call-start
scs
__scs_entry_jumppad:
0x0: {  	(pc) =	sbr.rel $0x88, $3  }
0x1: {  	(tag) =	ssettag $0x0;
	lr =	simm.s32 $0x1  }
0x2: {  	[smem:$0x3F9B] =	sst lr;
	_ =	strace $0xD0000000  }
0x3: {  	_ = 	snop  }
0x4: {  	_ = 	snop  }
0x5: {  	_ = 	snop  }
0x6: {  	_ = 	snop  }
0x7: {  	_ = 	snop  }
__scs_overlays_trampoline_lowered:
0x8: {  	[smem:$0x3FAA] =	sst s0  }
0x9: {  	[smem:$0x3FAB] =	sst s1  }
0xa: {  	[smem:$0x3FAC] =	sst s2  }
0xb: {  	[smem:$0x3FAD] =	sst s3  }
0xc: {  	[smem:$0x3FAE] =	sst s4  }
0xd: {  	[smem:$0x3FAF] =	sst s5  }
0xe: {  	[smem:$0x3FB0] =	sst s6  }
0xf: {  	[smem:$0x3FB1] =	sst s7  }
0x10: {  	[smem:$0x3FB2] =	sst s8  }
0x11: {  	[smem:$0x3FB3] =	sst s9;
	s0 =	simm.s32 @!p0 $0x0  }
0x12: {  	s1 =	sld [smem:$0x3F99];
	s0 =	simm.s32 @p0 $0x1  }
0x13: {  	[smem:$0x3FB4] =	sst s0;
	s0 =	simm.s32 @!p1 $0x0  }
0x14: {  	s2 =	sld [smem:$0x3F98];
	s0 =	simm.s32 @p1 $0x1  }
0x15: {  	[smem:$0x3FB5] =	sst s0;
	s0 =	simm.s32 @!p2 $0x0  }
0x16: {  	s3 =	sld [smem:$0x3FDB];
	s0 =	simm.s32 @p2 $0x1  }
0x17: {  	s4 =	simm.s32 $0x1BF5;
	[smem:$0x3FB7] =	sst s0  }
0x18: {  	s0 =	sld [smem:$0x3F9A];
	_ =	swait.ge [sflag:s4], $0x0  }
0x19: {  	s7 =	sld [smem:$0x3F9B]  }
0x1a: {  	s8 =	sadd.s32 $0xFFFFE003, lr  }
0x1b: {  	s9 =	sadd.s32 $0xFFFFFEF7, lr;
	s5 =	simm.s32 $0xFFFFFFFF;
	p2 =	slt.u32 s8, $0xFFFFF086  }
0x1c: {  	p1 =	slt.u32 s9, $0xF7A;
	s5 =	simm.s32 @!p2 $0x0  }
0x1d: {  	s5 =	simm.s32 @p1 $0x1;
	p0 =	seq.s32 s7, s2  }
0x1e: {  	s7 =	smul.u32 @!p0 $0xF7A, s2;
	p2 =	seq.s32 @!p0 s5, $0x0  }
0x1f: {  	s9 =	smul.u32 $0xF7A, s1;
	s8 =	simm.s32 @!p0 $0x1BF5;
	p2 =	por !p2, p0  }
0x20: {  	[sflag:s8] =	ssyncset.s32 @!p0 $0xFFFFF086;
	s6 =	sadd.s32 @!p0 s3, s7;
	s7 =	simm.s32 @!p0 $0x108  }
0x21: {  	s3 =	sadd.s32 s3, s9;
	s6 =	sadd.s32 @!p0 $0x88, s6;
	s7 =	simm.s32 @p2 $0x1082  }
0x22: {  	[simem:s7], [sflag:s8] =	dma.local @!p0 [hbm:s6], $0xF7A  }
0x23: {  	s9 =	sor.u32 $0xD0000000, s2;
	s6 =	simm.s32 $0x108;
	_ =	swait.ge @!p0 [sflag:s8], $0x0  }
0x24: {  	s3 =	sadd.s32 $0x88, s3;
	s6 =	simm.s32 @!p1 $0x1082;
	[sflag:s4] =	ssyncset.s32 $0xFFFFF086  }
0x25: {  	[simem:s6], [sflag:s4] =	dma.local [hbm:s3], $0xF7A  }
0x26: {  	[smem:$0x3F9B] =	sst s1;
	(tag) =	ssettag s2;
	_ =	strace s9  }
0x27: {  	s1 =	sld [smem:$0x3FAB]  }
0x28: {  	s2 =	sld [smem:$0x3FAC]  }
0x29: {  	s4 =	sld [smem:$0x3FAE]  }
0x2a: {  	p0 =	seq.s32 s5, $0x0;
	s5 =	sld [smem:$0x3FAF]  }
0x2b: {  	s6 =	sld [smem:$0x3FB0]  }
0x2c: {  	s7 =	sld [smem:$0x3FB1]  }
0x2d: {  	s3 =	simm.s32 $0x108;
	s8 =	sld [smem:$0x3FB2]  }
0x2e: {  	s3 =	simm.s32 @!p0 $0x1082;
	s9 =	sld [smem:$0x3FB3]  }
0x2f: {  	lr =	sadd.s32 s0, s3;
	s0 =	sld [smem:$0x3FAA]  }
0x30: {  	s3 =	sld [smem:$0x3FAD]  }
0x31: {  	[smem:$0x3FB6] =	sst s10  }
0x32: {  	s10 =	sld [smem:$0x3FB4];
	_ =	sdelay $0x3  }
0x33: {  	p0 =	seq.s32 s10, $0x1;
	s10 =	sld [smem:$0x3FB6];
	_ =	sdelay $0x3  }
0x34: {  	[smem:$0x3FB6] =	sst s10  }
0x35: {  	s10 =	sld [smem:$0x3FB5];
	_ =	sdelay $0x3  }
0x36: {  	p1 =	seq.s32 s10, $0x1;
	s10 =	sld [smem:$0x3FB6];
	_ =	sdelay $0x3  }
0x37: {  	[smem:$0x3FB6] =	sst s10  }
0x38: {  	s10 =	sld [smem:$0x3FB7]  }
0x39: {  	_ = 	snop;
	(pc) =	sbr.ind lr, $3  }
0x3a: {  	_ = 	snop  }
0x3b: {  	_ = 	snop  }
0x3c: {  	p2 =	seq.s32 s10, $0x1;
	s10 =	sld [smem:$0x3FB6]  }
0x3d: {  	_ =	shalt  }
0x3e: {  	_ =	shalt  }
0x3f: {  	_ =	shalt  }
0x40: {  	_ =	shalt  }
0x41: {  	_ =	shalt  }
0x42: {  	_ =	shalt  }
0x43: {  	_ =	shalt  }
0x44: {  	_ =	shalt  }
0x45: {  	_ =	shalt  }
0x46: {  	_ =	shalt  }
0x47: {  	_ =	shalt  }
0x48: {  	_ =	shalt  }
0x49: {  	_ =	shalt  }
0x4a: {  	_ =	shalt  }
0x4b: {  	_ =	shalt  }
0x4c: {  	_ =	shalt  }
0x4d: {  	_ =	shalt  }
0x4e: {  	_ =	shalt  }
0x4f: {  	_ =	shalt  }
0x50: {  	_ =	shalt  }
0x51: {  	_ =	shalt  }
0x52: {  	_ =	shalt  }
0x53: {  	_ =	shalt  }
0x54: {  	_ =	shalt  }
0x55: {  	_ =	shalt  }
0x56: {  	_ =	shalt  }
0x57: {  	_ =	shalt  }
0x58: {  	_ =	shalt  }
0x59: {  	_ =	shalt  }
0x5a: {  	_ =	shalt  }
0x5b: {  	_ =	shalt  }
0x5c: {  	_ =	shalt  }
0x5d: {  	_ =	shalt  }
0x5e: {  	_ =	shalt  }
0x5f: {  	_ =	shalt  }
0x60: {  	_ =	shalt  }
0x61: {  	_ =	shalt  }
0x62: {  	_ =	shalt  }
0x63: {  	_ =	shalt  }
0x64: {  	_ =	shalt  }
0x65: {  	_ =	shalt  }
0x66: {  	_ =	shalt  }
0x67: {  	_ =	shalt  }
0x68: {  	_ =	shalt  }
0x69: {  	_ =	shalt  }
0x6a: {  	_ =	shalt  }
0x6b: {  	_ =	shalt  }
0x6c: {  	_ =	shalt  }
0x6d: {  	_ =	shalt  }
0x6e: {  	_ =	shalt  }
0x6f: {  	_ =	shalt  }
0x70: {  	_ =	shalt  }
0x71: {  	_ =	shalt  }
0x72: {  	_ =	shalt  }
0x73: {  	_ =	shalt  }
0x74: {  	_ =	shalt  }
0x75: {  	_ =	shalt  }
0x76: {  	_ =	shalt  }
0x77: {  	_ =	shalt  }
0x78: {  	_ =	shalt  }
0x79: {  	_ =	shalt  }
0x7a: {  	_ =	shalt  }
0x7b: {  	_ =	shalt  }
0x7c: {  	_ =	shalt  }
0x7d: {  	_ =	shalt  }
0x7e: {  	_ =	shalt  }
0x7f: {  	_ =	shalt  }
0x80: {  	_ =	shalt  }
0x81: {  	_ =	shalt  }
0x82: {  	_ =	shalt  }
0x83: {  	_ =	shalt  }
0x84: {  	_ =	shalt  }
0x85: {  	_ =	shalt  }
0x86: {  	_ =	shalt  }
0x87: {  	_ =	shalt  }
.Lfunc_end0:
.L_simem_size_0:
called_computation_lowered:
.L_overlay_start_0:
0x88: {  	s2 =	sld [smem:$0x3FD9]  }
0x89: {  	s3 =	sld [smem:$0x3FFE];
	_ =	sdelay $0x1  }
0x8a: {  	s1 =	srdreg.scid  }
0x8b: {  	s0 =	sand.u32 $0x1, s1  }
0x8c: {  	s18 =	sshll.u32 s0, $0xA;
	s2 =	sadd.s32 s3, s2  }
0x8d: {  	s2 =	sadd.s32 s2, s18  }
0x8e: {  	[smem:$0x3FC2] =	sst s2  }
0x8f: {  	_ = 	snop  }
0x90: {  	s2 =	sld [smem:$0x3FC9]  }
0x91: {  	s19 =	sld [smem:$0x3FC8]  }
0x92: {  	s4 =	sld [smem:$0x3FC7]  }
0x93: {  	s5 =	sld [smem:$0x3FC6]  }
0x94: {  	s6 =	sld [smem:$0x3FC5]  }
0x95: {  	s7 =	sld [smem:$0x3FC4]  }
0x96: {  	s8 =	sld [smem:$0x3FD0];
	(tm) =	ssettm $0x1  }
0x97: {  	s9 =	sld [smem:$0x3FFB];
	_ =	sdelay $0x3  }
0x98: {  	_ =	strace s9  }
0x99: {  	s9 =	sld [smem:$0x3FFC];
	_ =	sdelay $0x3  }
0x9a: {  	_ =	strace s9  }
0x9b: {  	s9 =	sld [smem:$0x3FFD];
	_ =	sdelay $0x3  }
0x9c: {  	_ =	strace s9  }
0x9d: {  	_ =	strace $0x8FFFFFFF  }
0x9e: {  	s20 =	sld [smem:$0x3FDB];
	_ =	sdelay $0x1  }
0x9f: {  	s10 =	simm.s32 $_scs_section_size  }
0xa0: {  	s11 =	simm.s32 $_size__tile_overlayer_lowered;
	s12 =	simm.s32 $_tile_overlayer_lowered  }
0xa1: {  	s23 =	simm.s32 $0x1BFF;
	s22 =	sshll.u32 s12, $0x1;
	s9 =	sadd.s32 s10, s20  }
0xa2: {  	s13 =	simm.s32 $0x0;
	s21 =	sshll.u32 s11, $0x1;
	s11 =	sadd.s32 s22, s9  }
0xa3: {  	[timem:s13], [sflag:s23] =	dma.local [hbm:s11], s21  }
0xa4: {  	_ =	swait.ge [sflag:s23], s21  }
0xa5: {  	s10 =	ssub.s32 $0x0, s21;
	[sflag:s23] =	ssyncset.done $0x0  }
0xa6: {  	[sflag:s23] =	ssyncadd.s32 s10;
	_ =	sdelay $0x1  }
0xa7: {  	s24 =	simm.s32 $0x1B8B  }
0xa8: {  	_ =	swait.ge [sflag:s24], $0x1  }
0xa9: {  	[sflag:s24] =	ssyncset.done $0x0  }
0xaa: {  	s25 =	simm.s32 $0x1B8E;
	[sflag:s24] =	ssyncadd.s32 $0xFFFFFFFF  }
0xab: {  	s26 =	simm.s32 $execute0_lowered;
	[smem:$0x3FD2] =	sst s25  }
0xac: {  	s10 =	sshll.u32 s26, $0x1;
	_ =	strace $0x80000046;
	[dreg:$0x1] =	wrdreg $0xFFFFFFFF  }
0xad: {  	s28 =	simm.s32 $_size_execute0_lowered;
	s9 =	sadd.s32 s9, s10;
	[dreg:$0x0] =	wrdreg $0x0  }
0xae: {  	s10 =	sshll.u32 s28, $0x1;
	[dreg:$0x2] =	wrdreg s9  }
0xaf: {  	[dreg:$0x3] =	wrdreg s10  }
0xb0: {  	[dreg:$0x4] =	wrdreg $0xC0  }
0xb1: {  	_ =	task [dreg:s13], $0x5FFFF  }
0xb2: {  	[dreg:$0x1] =	wrdreg $0xFFFFFFFF  }
0xb3: {  	[dreg:$0x0] =	wrdreg $0x60  }
0xb4: {  	[dreg:$0x2] =	wrdreg s2  }
0xb5: {  	[dreg:$0x3] =	wrdreg s19  }
0xb6: {  	[dreg:$0x4] =	wrdreg s4  }
0xb7: {  	[dreg:$0x5] =	wrdreg s5  }
0xb8: {  	[dreg:$0x6] =	wrdreg s6  }
0xb9: {  	[dreg:$0x7] =	wrdreg s7  }
0xba: {  	[dreg:$0x8] =	wrdreg s8  }
0xbb: {  	[dreg:$0x9] =	wrdreg $0x12F000  }
0xbc: {  	[dreg:$0xa] =	wrdreg $0x13B400  }
0xbd: {  	[dreg:$0xb] =	wrdreg $0x160000  }
0xbe: {  	[dreg:$0xc] =	wrdreg $0x16C400  }
0xbf: {  	[dreg:$0xd] =	wrdreg $0x147800  }
0xc0: {  	[dreg:$0xe] =	wrdreg $0x153C00  }
0xc1: {  	[dreg:$0xf] =	wrdreg $0x9  }
0xc2: {  	_ =	task.clear_ibuf [dreg:s13], $0x10FFFF;
	_ =	strace $0x90000046  }
0xc3: {  	s29 =	simm.s32 $0x9;
	_ =	strace $0x80000048  }
0xc4: {  	_ =	swait.ge [sflag:s29], $0x1  }
0xc5: {  	[sflag:s29] =	ssyncadd.s32 $0xFFFFFFFF  }
0xc6: {  	_ =	strace $0x90000048  }
0xc7: {  	_ =	sfence  }
0xc8: {  	s30 =	sld [smem:$0x0];
	_ =	sdelay $0x2  }
0xc9: {  	s31 =	sshll.u32 s1, $0xD;
	s1 =	sshrl.u32 s1, $0x2  }
0xca: {  	s3 =	sand.u32 $0x4000, s31;
	s1 =	sadd.s32 s1, s30  }
0xcb: {  	s0 =	sor.u32 s3, s0;
	s1 =	sshll.u32 s1, $0x11  }
0xcc: {  	s0 =	sor.u32 s1, s0  }
0xcd: {  	s0 =	sadd.s32 $0x8F2B, s0  }
0xce: {  	[sflag:s0] =	ssyncadd.remote.s32 $0x1  }
0xcf: {  	_ =	sfence.sel $0xFFFF  }
0xd0: {  	[dreg:$0x0] =	wrdreg $0xFFFFFFFF;
	(pc) =	sbr.abs _section_cstart, $3  }
0xd1: {  	[dreg:$0x1] =	wrdreg $0xFFFFFFFF  }
0xd2: {  	_ =	task.clear_ibuf [dreg:s13], $0x2FFFF;
	_ =	strace $0x9FFFFFFF  }
0xd3: {  	(tm) =	ssettm $0x7FFFFFFF  }
tec
execute0_lowered:
.L_overlay_start_1:
0x0: {  	(tag) =	ssettag $0x1  }
0x1: {  	s0 =	rddreg [dreg:$0x0]  }
0x2: {  	s1 =	rddreg [dreg:$0x1]  }
0x3: {  	s2 =	rddreg [dreg:$0x2]  }
0x4: {  	s3 =	rddreg [dreg:$0x6]  }
0x5: {  	s13 =	rddreg [dreg:$0x7]  }
0x6: {  	s14 =	rddreg [dreg:$0x8]  }
0x7: {  	s6 =	rddreg [dreg:$0x9]  }
0x8: {  	s4 =	srdreg.scid;
	s7 =	rddreg [dreg:$0xa]  }
0x9: {  	s12 =	stileid.u32;
	s8 =	rddreg [dreg:$0xb]  }
0xa: {  	s9 =	rddreg [dreg:$0xc];
	s4 =	sand.u32 $0x1, s4;
	s10 =	smul.u32 $0xC350, s12  }
0xb: {  	s31 =	simm.s32 $0x7680;
	s5 =	ssub.s32 $0x2, s4;
	p0 =	sne.s32 s4, $0x0  }
0xc: {  	s4 =	simm.s32 $0x3;
	s11 =	sshrl.u32 s5, $0x1;
	s10 =	sshrl.u32 s10, $0x3  }
0xd: {  	s5 =	ssub.s32 s5, s11;
	s11 =	smul.u32 $0xC40, s12;
	s21 =	sadd.s32 s1, s10  }
0xe: {  	s22 =	sadd.s32 s2, s10;
	s23 =	sadd.s32 $0x4E2, s10;
	s24 =	sadd.s32 $0x9C4, s10  }
0xf: {  	s26 =	sadd.s32 $0xEA6, s10;
	s10 =	sadd.s32 $0x1388, s10;
	[dreg:$0xe] =	wrdreg s21  }
0x10: {  	[dreg:$0xf] =	wrdreg s22;
	s15 =	sadd.s32 s1, s23;
	s12 =	sadd.s32 s2, s23  }
0x11: {  	s25 =	sadd.s32 s1, s24;
	s16 =	sadd.s32 s1, s26;
	s18 =	sadd.s32 s2, s26  }
0x12: {  	s19 =	sadd.s32 s1, s10;
	s20 =	sadd.s32 s2, s10;
	[dreg:$0x10] =	wrdreg s15  }
0x13: {  	s22 =	simm.s32 $0x0;
	s23 =	smax.u32 s5, $0x1;
	[dreg:$0x11] =	wrdreg s12  }
0x14: {  	s1 =	simm.s32 $0x2710;
	s5 =	simm.s32 $0xED00;
	[dreg:$0x12] =	wrdreg s25  }
0x15: {  	s10 =	simm.s32 $0x1;
	s12 =	sadd.s32 s2, s24;
	[dreg:$0x14] =	wrdreg s16  }
0x16: {  	s17 =	sshrl.u32 s11, $0x3;
	[smem:$0x7FF] =	sst s22;
	s24 =	sadd.s32 s11, s13  }
0x17: {  	s25 =	sadd.s32 s11, s14;
	s26 =	sadd.s32 s11, s6;
	s28 =	sadd.s32 s11, s7  }
0x18: {  	s29 =	sadd.s32 s11, s8;
	s30 =	sadd.s32 s11, s9;
	s2 =	simm.s32 $0x11480  }
.Ltmp0:
0x19: {  	s11 =	simm.s32 $0x2;
	[dreg:$0x13] =	wrdreg s12;
	(pc) =	sbr.rel .LBB2_1-.Ltmp0, $4  }
0x1a: {  	s0 =	sadd.s32 s0, s17;
	s21 =	sadd.s32 s3, s17;
	s17 =	simm.s32 $0x12100  }
0x1b: {  	s3 =	simm.s32 $0xC580;
	s12 =	simm.s32 $0x0;
	[dreg:$0x15] =	wrdreg s0  }
0x1c: {  	[dreg:$0x16] =	wrdreg s21;
	s0 =	simm.s32 $0x4F00;
	s21 =	simm.s32 $0x2780  }
0x1d: {  	v0 =	vimm.f32 $1.000000000e+00;
	v1 =	vimm.f32 $0.0e+00;
	_ =	strace $0x80000047;
	[dreg:$0x17] =	wrdreg s23;
	s23 =	simm.s32 $0x9E00  }
.LBB2_25:
0x1e: {  	[bflag:$0x0] =	sbarrier.arrive $0xFFFF  }
.LBB2_26:
0x1f: {  	s12 =	sadd.s32 $0x1, s12;
	s13 =	rddreg [dreg:$0x17]  }
0x20: {  	p1 =	sne.s32 s12, s13  }
.Ltmp1:
0x21: {  	_ = 	snop;
	(pc) =	sbr.rel @!p1 .LBB2_27-.Ltmp1, $1  }
0x22: {  	_ =	sdelay $0x3  }
.LBB2_1:
0x23: {  	s13 =	rddreg [dreg:$0x3];
	s14 =	simm.s32 $0x12D80  }
0x24: {  	[tilespmem:s14], [sflag:$0x3] =	stream.linear.gather [hbm4b:s13+s22], $0x80, $0x38;
	[tilespmem:$0x17880] =	vst v63  }
0x25: {  	_ =	swait.ge [sflag:s4], $0x80  }
0x26: {  	[sflag:s4] =	ssyncset.done $0x0  }
0x27: {  	[sflag:s4] =	ssyncadd.s32 $0xFFFFFF80  }
0x28: {  	s16 =	simm.s32 $0x12E00;
	s15 =	rddreg [dreg:$0x4]  }
0x29: {  	[tilespmem:s16], [sflag:$0x3] =	stream.linear.gather [hbm4b:s15+s22], $0x80, $0x38;
	[tilespmem:$0x17880] =	vst v63  }
0x2a: {  	_ =	swait.ge [sflag:s4], $0x80  }
0x2b: {  	[sflag:s4] =	ssyncset.done $0x0  }
0x2c: {  	[sflag:s4] =	ssyncadd.s32 $0xFFFFFF80  }
0x2d: {  	s16 =	simm.s32 $0x12E80;
	s15 =	rddreg [dreg:$0x5]  }
0x2e: {  	[tilespmem:s16], [sflag:$0x3] =	stream.linear.gather [hbm4b:s15+s22], $0x80, $0x38;
	[tilespmem:$0x17880] =	vst v63  }
0x2f: {  	_ =	swait.ge [sflag:s4], $0x80  }
0x30: {  	[sflag:s4] =	ssyncset.done $0x0  }
0x31: {  	s13 =	simm.s32 $0x0;
	[sflag:s4] =	ssyncadd.s32 $0xFFFFFF80  }
.LBB2_2:
0x32: {  	p1 =	sne.s32 s13, $0x9C00  }
.Ltmp2:
0x33: {  	_ = 	snop;
	(pc) =	sbr.rel @p1 .LBB2_2-.Ltmp2, $3  }
0x34: {  	_ =	sdelay $0x1  }
0x35: {  	s14 =	sshra.s32 s13, $0x2  }
0x36: {  	s13 =	sadd.s32 $0x40, s13;
	[tilespmem:s14+$0xED00] =	vst v0  }
0x37: {  	s13 =	simm.s32 $0x40;
	s14 =	simm.s32 $0x0  }
.LBB2_4:
0x38: {  	p1 =	sne.s32 s13, $0x30C0;
	[tilespmem:s14+$0x11480] =	vst v1;
	s14 =	smov.u32 s13;
	s13 =	sadd.s32 $0x40, s13  }
.Ltmp3:
0x39: {  	(pc) =	sbr.rel @p1 .LBB2_4-.Ltmp3, $2  }
0x3a: {  	_ =	sdelay $0x2  }
0x3b: {  	s14 =	sshra.s32 s14, $0x2  }
0x3c: {  	[tilespmem:s14+$0x11480] =	vst v1  }
0x3d: {  	[spmem:s24] =	stream.linear.scatter [tilespmem:s2], [sflag:$0x3], $0xC40, $0x38;
	[tilespmem:$0x17880] =	vst v63  }
0x3e: {  	_ =	swait.ge [sflag:s4], $0xC40  }
0x3f: {  	[sflag:s4] =	ssyncset.done $0x0  }
0x40: {  	[sflag:s4] =	ssyncadd.s32 $0xFFFFF3C0  }
0x41: {  	[spmem:s25] =	stream.linear.scatter [tilespmem:s2], [sflag:$0x3], $0xC40, $0x38;
	[tilespmem:$0x17880] =	vst v63  }
0x42: {  	_ =	swait.ge [sflag:s4], $0xC40  }
0x43: {  	[sflag:s4] =	ssyncset.done $0x0  }
0x44: {  	[sflag:s4] =	ssyncadd.s32 $0xFFFFF3C0  }
0x45: {  	[spmem:s26] =	stream.linear.scatter [tilespmem:s2], [sflag:$0x3], $0xC40, $0x38;
	[tilespmem:$0x17880] =	vst v63  }
0x46: {  	_ =	swait.ge [sflag:s4], $0xC40  }
0x47: {  	[sflag:s4] =	ssyncset.done $0x0  }
0x48: {  	[sflag:s4] =	ssyncadd.s32 $0xFFFFF3C0  }
0x49: {  	[spmem:s28] =	stream.linear.scatter [tilespmem:s2], [sflag:$0x3], $0xC40, $0x38;
	[tilespmem:$0x17880] =	vst v63  }
0x4a: {  	_ =	swait.ge [sflag:s4], $0xC40  }
0x4b: {  	[sflag:s4] =	ssyncset.done $0x0  }
0x4c: {  	s13 =	rddreg [dreg:$0x15];
	[sflag:s4] =	ssyncadd.s32 $0xFFFFF3C0  }
0x4d: {  	[tilespmem:s17], [sflag:$0x3] =	stream.linear.gather [hbm4b:s13+s22], $0xC40, $0x38;
	[tilespmem:$0x17880] =	vst v63  }
0x4e: {  	_ =	swait.ge [sflag:s4], $0xC40  }
0x4f: {  	[sflag:s4] =	ssyncset.done $0x0  }
0x50: {  	[sflag:s4] =	ssyncadd.s32 $0xFFFFF3C0  }
0x51: {  	[spmem:s29] =	stream.linear.scatter [tilespmem:s17], [sflag:$0x3], $0xC40, $0x38;
	[tilespmem:$0x17880] =	vst v63  }
.Ltmp4:
0x52: {  	_ =	swait.ge [sflag:s4], $0xC40;
	(pc) =	sbr.rel @p0 .LBB2_7-.Ltmp4, $3  }
0x53: {  	[sflag:s4] =	ssyncset.done $0x0  }
0x54: {  	[sflag:s4] =	ssyncadd.s32 $0xFFFFF3C0  }
0x55: {  	[bflag:$0x0] =	sbarrier.arrive $0xFFFF;
	_ =	sdelay $0x1  }
0x56: {  	s13 =	rddreg [dreg:$0xe]  }
0x57: {  	[tilespmem:s22], [sflag:$0x3] =	stream.linear.gather [hbm4b:s13+s22], $0x2710, $0x38;
	[tilespmem:$0x17880] =	vst v63  }
0x58: {  	_ =	swait.ge [sflag:s4], $0x2710  }
0x59: {  	[sflag:s4] =	ssyncset.done $0x0  }
0x5a: {  	s16 =	rddreg [dreg:$0xf];
	[sflag:s4] =	ssyncadd.s32 $0xFFFFD8F0  }
0x5b: {  	[tilespmem:s0], [sflag:$0x3] =	stream.linear.gather [hbm4b:s16+s22], $0x2710, $0x38;
	[tilespmem:$0x17880] =	vst v63  }
0x5c: {  	_ =	swait.ge [sflag:s4], $0x2710  }
0x5d: {  	[sflag:s4] =	ssyncset.done $0x0  }
0x5e: {  	[sflag:s4] =	ssyncadd.s32 $0xFFFFD8F0  }
0x5f: {  	[tilespmem:s23], [sflag:$0x1] =	stream.indirect.gather [spmem:s8], $0x1, s22, s1, $0xb8;
	[tilespmem:$0x17880] =	vst v63  }
0x60: {  	s14 =	rddreg [dreg:$0x10]  }
0x61: {  	[tilespmem:s21], [sflag:$0x3] =	stream.linear.gather [hbm4b:s14+s22], $0x2710, $0x38;
	[tilespmem:$0x17880] =	vst v63  }
0x62: {  	_ =	swait.ge [sflag:s4], $0x2710  }
0x63: {  	[sflag:s4] =	ssyncset.done $0x0  }
0x64: {  	s15 =	rddreg [dreg:$0x11];
	[sflag:s4] =	ssyncadd.s32 $0xFFFFD8F0  }
0x65: {  	[tilespmem:s31], [sflag:$0x3] =	stream.linear.gather [hbm4b:s15+s22], $0x2710, $0x38;
	[tilespmem:$0x17880] =	vst v63  }
0x66: {  	_ =	swait.ge [sflag:s4], $0x2710  }
0x67: {  	[sflag:s4] =	ssyncset.done $0x0  }
0x68: {  	[sflag:s4] =	ssyncadd.s32 $0xFFFFD8F0  }
0x69: {  	[tilespmem:s3], [sflag:$0x2] =	stream.indirect.gather [spmem:s8], $0x1, s21, s1, $0xb8;
	[tilespmem:$0x17880] =	vst v63  }
0x6a: {  	s14 =	rddreg [dreg:$0x8]  }
0x6b: {  	[spmem:s14] =	stream.indirect.scatter.add.f32 [tilespmem:s5], [sflag:$0x3], $0x1, s0, s1, $0xb8;
	[tilespmem:$0x17880] =	vst v63  }
0x6c: {  	_ =	swait.ge [sflag:s4], $0x2710  }
0x6d: {  	[sflag:s4] =	ssyncset.done $0x0  }
0x6e: {  	[sflag:s4] =	ssyncadd.s32 $0xFFFFD8F0  }
0x6f: {  	s13 =	rddreg [dreg:$0x7]  }
0x70: {  	[spmem:s13] =	stream.indirect.scatter.add.f32 [tilespmem:s5], [sflag:$0x3], $0x1, s22, s1, $0xb8;
	[tilespmem:$0x17880] =	vst v63  }
0x71: {  	_ =	swait.ge [sflag:s4], $0x2710  }
0x72: {  	[sflag:s4] =	ssyncset.done $0x0  }
0x73: {  	[sflag:s4] =	ssyncadd.s32 $0xFFFFD8F0  }
0x74: {  	_ =	swait.ge [sflag:s10], $0x2710  }
0x75: {  	[sflag:s10] =	ssyncset.done $0x0  }
0x76: {  	[sflag:s10] =	ssyncadd.s32 $0xFFFFD8F0  }
0x77: {  	[spmem:s7] =	stream.indirect.scatter.add.f32 [tilespmem:s23], [sflag:$0x3], $0x1, s0, s1, $0xb8;
	[tilespmem:$0x17880] =	vst v63  }
0x78: {  	_ =	swait.ge [sflag:s4], $0x2710  }
0x79: {  	[sflag:s4] =	ssyncset.done $0x0  }
0x7a: {  	s15 =	rddreg [dreg:$0x12];
	[sflag:s4] =	ssyncadd.s32 $0xFFFFD8F0  }
0x7b: {  	[tilespmem:s22], [sflag:$0x3] =	stream.linear.gather [hbm4b:s15+s22], $0x2710, $0x38;
	[tilespmem:$0x17880] =	vst v63  }
0x7c: {  	_ =	swait.ge [sflag:s4], $0x2710  }
0x7d: {  	[sflag:s4] =	ssyncset.done $0x0  }
0x7e: {  	s16 =	rddreg [dreg:$0x13];
	[sflag:s4] =	ssyncadd.s32 $0xFFFFD8F0  }
0x7f: {  	[tilespmem:s0], [sflag:$0x3] =	stream.linear.gather [hbm4b:s16+s22], $0x2710, $0x38;
	[tilespmem:$0x17880] =	vst v63  }
0x80: {  	_ =	swait.ge [sflag:s4], $0x2710  }
0x81: {  	[sflag:s4] =	ssyncset.done $0x0  }
0x82: {  	[sflag:s4] =	ssyncadd.s32 $0xFFFFD8F0  }
0x83: {  	[tilespmem:s23], [sflag:$0x1] =	stream.indirect.gather [spmem:s8], $0x1, s22, s1, $0xb8;
	[tilespmem:$0x17880] =	vst v63  }
0x84: {  	_ = 	snop  }
0x85: {  	[spmem:s14] =	stream.indirect.scatter.add.f32 [tilespmem:s5], [sflag:$0x3], $0x1, s31, s1, $0xb8;
	[tilespmem:$0x17880] =	vst v63  }
0x86: {  	_ =	swait.ge [sflag:s4], $0x2710  }
0x87: {  	[sflag:s4] =	ssyncset.done $0x0  }
0x88: {  	[sflag:s4] =	ssyncadd.s32 $0xFFFFD8F0  }
0x89: {  	[spmem:s13] =	stream.indirect.scatter.add.f32 [tilespmem:s5], [sflag:$0x3], $0x1, s21, s1, $0xb8;
	[tilespmem:$0x17880] =	vst v63  }
0x8a: {  	_ =	swait.ge [sflag:s4], $0x2710  }
0x8b: {  	[sflag:s4] =	ssyncset.done $0x0  }
0x8c: {  	[sflag:s4] =	ssyncadd.s32 $0xFFFFD8F0  }
0x8d: {  	_ =	swait.ge [sflag:s11], $0x2710  }
0x8e: {  	[sflag:s11] =	ssyncset.done $0x0  }
0x8f: {  	[sflag:s11] =	ssyncadd.s32 $0xFFFFD8F0  }
0x90: {  	[spmem:s7] =	stream.indirect.scatter.add.f32 [tilespmem:s3], [sflag:$0x3], $0x1, s31, s1, $0xb8;
	[tilespmem:$0x17880] =	vst v63  }
0x91: {  	_ =	swait.ge [sflag:s4], $0x2710  }
0x92: {  	[sflag:s4] =	ssyncset.done $0x0  }
0x93: {  	s16 =	rddreg [dreg:$0x14];
	[sflag:s4] =	ssyncadd.s32 $0xFFFFD8F0  }
0x94: {  	[tilespmem:s21], [sflag:$0x3] =	stream.linear.gather [hbm4b:s16+s22], $0x2710, $0x38;
	[tilespmem:$0x17880] =	vst v63  }
0x95: {  	_ =	swait.ge [sflag:s4], $0x2710  }
0x96: {  	[sflag:s4] =	ssyncset.done $0x0  }
0x97: {  	[sflag:s4] =	ssyncadd.s32 $0xFFFFD8F0  }
0x98: {  	[tilespmem:s31], [sflag:$0x3] =	stream.linear.gather [hbm4b:s18+s22], $0x2710, $0x38;
	[tilespmem:$0x17880] =	vst v63  }
0x99: {  	_ =	swait.ge [sflag:s4], $0x2710  }
0x9a: {  	[sflag:s4] =	ssyncset.done $0x0  }
0x9b: {  	[sflag:s4] =	ssyncadd.s32 $0xFFFFD8F0  }
0x9c: {  	[tilespmem:s3], [sflag:$0x2] =	stream.indirect.gather [spmem:s8], $0x1, s21, s1, $0xb8;
	[tilespmem:$0x17880] =	vst v63  }
0x9d: {  	_ = 	snop  }
0x9e: {  	[spmem:s14] =	stream.indirect.scatter.add.f32 [tilespmem:s5], [sflag:$0x3], $0x1, s0, s1, $0xb8;
	[tilespmem:$0x17880] =	vst v63  }
0x9f: {  	_ =	swait.ge [sflag:s4], $0x2710  }
0xa0: {  	[sflag:s4] =	ssyncset.done $0x0  }
0xa1: {  	[sflag:s4] =	ssyncadd.s32 $0xFFFFD8F0  }
0xa2: {  	[spmem:s13] =	stream.indirect.scatter.add.f32 [tilespmem:s5], [sflag:$0x3], $0x1, s22, s1, $0xb8;
	[tilespmem:$0x17880] =	vst v63  }
0xa3: {  	_ =	swait.ge [sflag:s4], $0x2710  }
0xa4: {  	[sflag:s4] =	ssyncset.done $0x0  }
0xa5: {  	[sflag:s4] =	ssyncadd.s32 $0xFFFFD8F0  }
0xa6: {  	_ =	swait.ge [sflag:s10], $0x2710  }
0xa7: {  	[sflag:s10] =	ssyncset.done $0x0  }
0xa8: {  	[sflag:s10] =	ssyncadd.s32 $0xFFFFD8F0  }
0xa9: {  	[spmem:s7] =	stream.indirect.scatter.add.f32 [tilespmem:s23], [sflag:$0x3], $0x1, s0, s1, $0xb8;
	[tilespmem:$0x17880] =	vst v63  }
0xaa: {  	_ =	swait.ge [sflag:s4], $0x2710  }
0xab: {  	[sflag:s4] =	ssyncset.done $0x0  }
0xac: {  	[sflag:s4] =	ssyncadd.s32 $0xFFFFD8F0  }
0xad: {  	[tilespmem:s22], [sflag:$0x3] =	stream.linear.gather [hbm4b:s19+s22], $0x2710, $0x38;
	[tilespmem:$0x17880] =	vst v63  }
0xae: {  	_ =	swait.ge [sflag:s4], $0x2710  }
0xaf: {  	[sflag:s4] =	ssyncset.done $0x0  }
0xb0: {  	[sflag:s4] =	ssyncadd.s32 $0xFFFFD8F0  }
0xb1: {  	[tilespmem:s0], [sflag:$0x3] =	stream.linear.gather [hbm4b:s20+s22], $0x2710, $0x38;
	[tilespmem:$0x17880] =	vst v63  }
0xb2: {  	_ =	swait.ge [sflag:s4], $0x2710  }
0xb3: {  	[sflag:s4] =	ssyncset.done $0x0  }
0xb4: {  	[sflag:s4] =	ssyncadd.s32 $0xFFFFD8F0  }
0xb5: {  	[tilespmem:s23], [sflag:$0x1] =	stream.indirect.gather [spmem:s8], $0x1, s22, s1, $0xb8;
	[tilespmem:$0x17880] =	vst v63  }
0xb6: {  	_ = 	snop  }
0xb7: {  	[spmem:s14] =	stream.indirect.scatter.add.f32 [tilespmem:s5], [sflag:$0x3], $0x1, s31, s1, $0xb8;
	[tilespmem:$0x17880] =	vst v63  }
0xb8: {  	_ =	swait.ge [sflag:s4], $0x2710  }
0xb9: {  	[sflag:s4] =	ssyncset.done $0x0  }
0xba: {  	[sflag:s4] =	ssyncadd.s32 $0xFFFFD8F0  }
0xbb: {  	[spmem:s13] =	stream.indirect.scatter.add.f32 [tilespmem:s5], [sflag:$0x3], $0x1, s21, s1, $0xb8;
	[tilespmem:$0x17880] =	vst v63  }
0xbc: {  	_ =	swait.ge [sflag:s4], $0x2710  }
0xbd: {  	[sflag:s4] =	ssyncset.done $0x0  }
0xbe: {  	[sflag:s4] =	ssyncadd.s32 $0xFFFFD8F0  }
0xbf: {  	_ =	swait.ge [sflag:s11], $0x2710  }
0xc0: {  	[sflag:s11] =	ssyncset.done $0x0  }
0xc1: {  	[sflag:s11] =	ssyncadd.s32 $0xFFFFD8F0  }
0xc2: {  	[spmem:s7] =	stream.indirect.scatter.add.f32 [tilespmem:s3], [sflag:$0x3], $0x1, s31, s1, $0xb8;
	[tilespmem:$0x17880] =	vst v63  }
0xc3: {  	_ =	swait.ge [sflag:s4], $0x2710  }
0xc4: {  	[sflag:s4] =	ssyncset.done $0x0  }
0xc5: {  	[sflag:s4] =	ssyncadd.s32 $0xFFFFD8F0  }
0xc6: {  	[spmem:s14] =	stream.indirect.scatter.add.f32 [tilespmem:s5], [sflag:$0x3], $0x1, s0, s1, $0xb8;
	[tilespmem:$0x17880] =	vst v63  }
0xc7: {  	_ =	swait.ge [sflag:s4], $0x2710  }
0xc8: {  	[sflag:s4] =	ssyncset.done $0x0  }
0xc9: {  	[sflag:s4] =	ssyncadd.s32 $0xFFFFD8F0  }
0xca: {  	[spmem:s13] =	stream.indirect.scatter.add.f32 [tilespmem:s5], [sflag:$0x3], $0x1, s22, s1, $0xb8;
	[tilespmem:$0x17880] =	vst v63  }
0xcb: {  	_ =	swait.ge [sflag:s4], $0x2710  }
0xcc: {  	[sflag:s4] =	ssyncset.done $0x0  }
0xcd: {  	[sflag:s4] =	ssyncadd.s32 $0xFFFFD8F0  }
0xce: {  	_ =	swait.ge [sflag:s10], $0x2710  }
0xcf: {  	[sflag:s10] =	ssyncset.done $0x0  }
0xd0: {  	[sflag:s10] =	ssyncadd.s32 $0xFFFFD8F0  }
0xd1: {  	[spmem:s7] =	stream.indirect.scatter.add.f32 [tilespmem:s23], [sflag:$0x3], $0x1, s0, s1, $0xb8;
	[tilespmem:$0x17880] =	vst v63  }
0xd2: {  	_ =	swait.ge [sflag:s4], $0x2710  }
0xd3: {  	[sflag:s4] =	ssyncset.done $0x0  }
0xd4: {  	[sflag:s4] =	ssyncadd.s32 $0xFFFFD8F0  }
.LBB2_7:
0xd5: {  	[bflag:$0x0] =	sbarrier.arrive $0xFFFF  }
0xd6: {  	[tilespmem:s2], [sflag:$0x3] =	stream.linear.gather [spmem:s28], $0xC40, $0x38;
	[tilespmem:$0x17880] =	vst v63  }
0xd7: {  	_ =	swait.ge [sflag:s4], $0xC40  }
0xd8: {  	[sflag:s4] =	ssyncset.done $0x0  }
0xd9: {  	[sflag:s4] =	ssyncadd.s32 $0xFFFFF3C0  }
0xda: {  	[tilespmem:s17], [sflag:$0x3] =	stream.linear.gather [spmem:s25], $0xC40, $0x38;
	[tilespmem:$0x17880] =	vst v63  }
0xdb: {  	_ =	swait.ge [sflag:s4], $0xC40  }
0xdc: {  	[sflag:s4] =	ssyncset.done $0x0  }
0xdd: {  	s14 =	simm.s32 $0x0;
	[sflag:s4] =	ssyncadd.s32 $0xFFFFF3C0  }
0xde: {  	v3 =	vld [tilespmem:s14+$0x12100];
	_ =	sdelay $0x4  }
0xdf: {  	(erf) = vrcp.f32 v3;
	_ =	sdelay $0x2  }
0xe0: {  	s13 =	simm.s32 $0x10  }
0xe1: {  	v2 =	vld [tilespmem:s13+$0x12100]  }
0xe2: {  	v4 =	vld [tilespmem:s14+$0x11480];
	_ =	sdelay $0x3  }
0xe3: {  	v5 =	vpop (erf);
	(erf) = vrcp.f32 v2  }
0xe4: {  	v4 =	vmul.f32 v5, v4  }
0xe5: {  	vm0 =	veq.f32 v3, $0.0e+00  }
0xe6: {  	s15 =	simm.s32 $0x20;
	s16 =	simm.s32 $0xC0;
	v3 =	vsel vm0, $0x0, v4  }
.LBB2_8:
0xe7: {  	p1 =	sne.s32 s16, $0x30C0;
	v4 =	vld [tilespmem:s15+$0x12100];
	[tilespmem:s14+$0x11480] =	vst v3;
	s14 =	smov.u32 s13;
	s13 =	smov.u32 s15  }
0xe8: {  	v3 =	vld [tilespmem:s14+$0x11480];
	_ =	sdelay $0x2  }
.Ltmp5:
0xe9: {  	(pc) =	sbr.rel @p1 .LBB2_8-.Ltmp5, $4  }
0xea: {  	(erf) = vrcp.f32 v4;
	v5 =	vpop (erf)  }
0xeb: {  	v3 =	vmul.f32 v5, v3  }
0xec: {  	vm0 =	veq.f32 v2, $0.0e+00;
	v2 =	vmov v4  }
0xed: {  	s15 =	sshra.s32 s16, $0x2;
	s16 =	sadd.s32 $0x40, s16;
	v3 =	vsel vm0, $0x0, v3  }
0xee: {  	v4 =	vld [tilespmem:s15+$0x12100];
	[tilespmem:s14+$0x11480] =	vst v3  }
0xef: {  	v3 =	vld [tilespmem:s13+$0x11480];
	_ =	sdelay $0x3  }
0xf0: {  	(erf) = vrcp.f32 v4;
	v5 =	vpop (erf)  }
0xf1: {  	v3 =	vmul.f32 v5, v3  }
0xf2: {  	vm0 =	veq.f32 v2, $0.0e+00  }
0xf3: {  	v2 =	vsel vm0, $0x0, v3  }
0xf4: {  	[tilespmem:s13+$0x11480] =	vst v2  }
0xf5: {  	v2 =	vld [tilespmem:s15+$0x11480];
	_ =	sdelay $0x3  }
0xf6: {  	v3 =	vpop (erf)  }
0xf7: {  	v2 =	vmul.f32 v3, v2  }
0xf8: {  	vm15 =	veq.f32 v4, $0.0e+00  }
0xf9: {  	v2 =	vsel vm15, $0x0, v2  }
0xfa: {  	[tilespmem:s15+$0x11480] =	vst v2  }
0xfb: {  	[spmem:s30] =	stream.linear.scatter [tilespmem:s2], [sflag:$0x3], $0xC40, $0x38;
	[tilespmem:$0x17880] =	vst v63  }
.Ltmp6:
0xfc: {  	_ =	swait.ge [sflag:s4], $0xC40;
	(pc) =	sbr.rel @p0 .LBB2_11-.Ltmp6, $3  }
0xfd: {  	[sflag:s4] =	ssyncset.done $0x0  }
0xfe: {  	[sflag:s4] =	ssyncadd.s32 $0xFFFFF3C0  }
0xff: {  	[bflag:$0x0] =	sbarrier.arrive $0xFFFF;
	_ =	sdelay $0x1  }
0x100: {  	s13 =	rddreg [dreg:$0xf]  }
0x101: {  	[tilespmem:s22], [sflag:$0x3] =	stream.linear.gather [hbm4b:s13+s22], $0x2710, $0x38;
	[tilespmem:$0x17880] =	vst v63  }
0x102: {  	_ =	swait.ge [sflag:s4], $0x2710  }
0x103: {  	[sflag:s4] =	ssyncset.done $0x0  }
0x104: {  	s14 =	rddreg [dreg:$0xe];
	[sflag:s4] =	ssyncadd.s32 $0xFFFFD8F0  }
0x105: {  	[tilespmem:s0], [sflag:$0x3] =	stream.linear.gather [hbm4b:s14+s22], $0x2710, $0x38;
	[tilespmem:$0x17880] =	vst v63  }
0x106: {  	_ =	swait.ge [sflag:s4], $0x2710  }
0x107: {  	[sflag:s4] =	ssyncset.done $0x0  }
0x108: {  	[sflag:s4] =	ssyncadd.s32 $0xFFFFD8F0  }
0x109: {  	[tilespmem:s23], [sflag:$0x1] =	stream.indirect.gather [spmem:s9], $0x1, s22, s1, $0xb8;
	[tilespmem:$0x17880] =	vst v63  }
0x10a: {  	s15 =	rddreg [dreg:$0x11]  }
0x10b: {  	[tilespmem:s21], [sflag:$0x3] =	stream.linear.gather [hbm4b:s15+s22], $0x2710, $0x38;
	[tilespmem:$0x17880] =	vst v63  }
0x10c: {  	_ =	swait.ge [sflag:s4], $0x2710  }
0x10d: {  	[sflag:s4] =	ssyncset.done $0x0  }
0x10e: {  	s16 =	rddreg [dreg:$0x10];
	[sflag:s4] =	ssyncadd.s32 $0xFFFFD8F0  }
0x10f: {  	[tilespmem:s31], [sflag:$0x3] =	stream.linear.gather [hbm4b:s16+s22], $0x2710, $0x38;
	[tilespmem:$0x17880] =	vst v63  }
0x110: {  	_ =	swait.ge [sflag:s4], $0x2710  }
0x111: {  	[sflag:s4] =	ssyncset.done $0x0  }
0x112: {  	[sflag:s4] =	ssyncadd.s32 $0xFFFFD8F0  }
0x113: {  	[tilespmem:s3], [sflag:$0x2] =	stream.indirect.gather [spmem:s9], $0x1, s21, s1, $0xb8;
	[tilespmem:$0x17880] =	vst v63  }
0x114: {  	_ =	swait.ge [sflag:s10], $0x2710  }
0x115: {  	[sflag:s10] =	ssyncset.done $0x0  }
0x116: {  	[sflag:s10] =	ssyncadd.s32 $0xFFFFD8F0  }
0x117: {  	[spmem:s6] =	stream.indirect.scatter.add.f32 [tilespmem:s23], [sflag:$0x3], $0x1, s0, s1, $0xb8;
	[tilespmem:$0x17880] =	vst v63  }
0x118: {  	_ =	swait.ge [sflag:s4], $0x2710  }
0x119: {  	[sflag:s4] =	ssyncset.done $0x0  }
0x11a: {  	s14 =	rddreg [dreg:$0x13];
	[sflag:s4] =	ssyncadd.s32 $0xFFFFD8F0  }
0x11b: {  	[tilespmem:s22], [sflag:$0x3] =	stream.linear.gather [hbm4b:s14+s22], $0x2710, $0x38;
	[tilespmem:$0x17880] =	vst v63  }
0x11c: {  	_ =	swait.ge [sflag:s4], $0x2710  }
0x11d: {  	[sflag:s4] =	ssyncset.done $0x0  }
0x11e: {  	s15 =	rddreg [dreg:$0x12];
	[sflag:s4] =	ssyncadd.s32 $0xFFFFD8F0  }
0x11f: {  	[tilespmem:s0], [sflag:$0x3] =	stream.linear.gather [hbm4b:s15+s22], $0x2710, $0x38;
	[tilespmem:$0x17880] =	vst v63  }
0x120: {  	_ =	swait.ge [sflag:s4], $0x2710  }
0x121: {  	[sflag:s4] =	ssyncset.done $0x0  }
0x122: {  	[sflag:s4] =	ssyncadd.s32 $0xFFFFD8F0  }
0x123: {  	[tilespmem:s23], [sflag:$0x1] =	stream.indirect.gather [spmem:s9], $0x1, s22, s1, $0xb8;
	[tilespmem:$0x17880] =	vst v63  }
0x124: {  	_ =	swait.ge [sflag:s11], $0x2710  }
0x125: {  	[sflag:s11] =	ssyncset.done $0x0  }
0x126: {  	[sflag:s11] =	ssyncadd.s32 $0xFFFFD8F0  }
0x127: {  	[spmem:s6] =	stream.indirect.scatter.add.f32 [tilespmem:s3], [sflag:$0x3], $0x1, s31, s1, $0xb8;
	[tilespmem:$0x17880] =	vst v63  }
0x128: {  	_ =	swait.ge [sflag:s4], $0x2710  }
0x129: {  	[sflag:s4] =	ssyncset.done $0x0  }
0x12a: {  	[sflag:s4] =	ssyncadd.s32 $0xFFFFD8F0  }
0x12b: {  	[tilespmem:s21], [sflag:$0x3] =	stream.linear.gather [hbm4b:s18+s22], $0x2710, $0x38;
	[tilespmem:$0x17880] =	vst v63  }
0x12c: {  	_ =	swait.ge [sflag:s4], $0x2710  }
0x12d: {  	[sflag:s4] =	ssyncset.done $0x0  }
0x12e: {  	s16 =	rddreg [dreg:$0x14];
	[sflag:s4] =	ssyncadd.s32 $0xFFFFD8F0  }
0x12f: {  	[tilespmem:s31], [sflag:$0x3] =	stream.linear.gather [hbm4b:s16+s22], $0x2710, $0x38;
	[tilespmem:$0x17880] =	vst v63  }
0x130: {  	_ =	swait.ge [sflag:s4], $0x2710  }
0x131: {  	[sflag:s4] =	ssyncset.done $0x0  }
0x132: {  	[sflag:s4] =	ssyncadd.s32 $0xFFFFD8F0  }
0x133: {  	[tilespmem:s3], [sflag:$0x2] =	stream.indirect.gather [spmem:s9], $0x1, s21, s1, $0xb8;
	[tilespmem:$0x17880] =	vst v63  }
0x134: {  	_ =	swait.ge [sflag:s10], $0x2710  }
0x135: {  	[sflag:s10] =	ssyncset.done $0x0  }
0x136: {  	[sflag:s10] =	ssyncadd.s32 $0xFFFFD8F0  }
0x137: {  	[spmem:s6] =	stream.indirect.scatter.add.f32 [tilespmem:s23], [sflag:$0x3], $0x1, s0, s1, $0xb8;
	[tilespmem:$0x17880] =	vst v63  }
0x138: {  	_ =	swait.ge [sflag:s4], $0x2710  }
0x139: {  	[sflag:s4] =	ssyncset.done $0x0  }
0x13a: {  	[sflag:s4] =	ssyncadd.s32 $0xFFFFD8F0  }
0x13b: {  	[tilespmem:s22], [sflag:$0x3] =	stream.linear.gather [hbm4b:s20+s22], $0x2710, $0x38;
	[tilespmem:$0x17880] =	vst v63  }
0x13c: {  	_ =	swait.ge [sflag:s4], $0x2710  }
0x13d: {  	[sflag:s4] =	ssyncset.done $0x0  }
0x13e: {  	[sflag:s4] =	ssyncadd.s32 $0xFFFFD8F0  }
0x13f: {  	[tilespmem:s0], [sflag:$0x3] =	stream.linear.gather [hbm4b:s19+s22], $0x2710, $0x38;
	[tilespmem:$0x17880] =	vst v63  }
0x140: {  	_ =	swait.ge [sflag:s4], $0x2710  }
0x141: {  	[sflag:s4] =	ssyncset.done $0x0  }
0x142: {  	[sflag:s4] =	ssyncadd.s32 $0xFFFFD8F0  }
0x143: {  	[tilespmem:s23], [sflag:$0x1] =	stream.indirect.gather [spmem:s9], $0x1, s22, s1, $0xb8;
	[tilespmem:$0x17880] =	vst v63  }
0x144: {  	_ =	swait.ge [sflag:s11], $0x2710  }
0x145: {  	[sflag:s11] =	ssyncset.done $0x0  }
0x146: {  	[sflag:s11] =	ssyncadd.s32 $0xFFFFD8F0  }
0x147: {  	[spmem:s6] =	stream.indirect.scatter.add.f32 [tilespmem:s3], [sflag:$0x3], $0x1, s31, s1, $0xb8;
	[tilespmem:$0x17880] =	vst v63  }
0x148: {  	_ =	swait.ge [sflag:s4], $0x2710  }
0x149: {  	[sflag:s4] =	ssyncset.done $0x0  }
0x14a: {  	[sflag:s4] =	ssyncadd.s32 $0xFFFFD8F0  }
0x14b: {  	_ =	swait.ge [sflag:s10], $0x2710  }
0x14c: {  	[sflag:s10] =	ssyncset.done $0x0  }
0x14d: {  	[sflag:s10] =	ssyncadd.s32 $0xFFFFD8F0  }
0x14e: {  	[spmem:s6] =	stream.indirect.scatter.add.f32 [tilespmem:s23], [sflag:$0x3], $0x1, s0, s1, $0xb8;
	[tilespmem:$0x17880] =	vst v63  }
0x14f: {  	_ =	swait.ge [sflag:s4], $0x2710  }
0x150: {  	[sflag:s4] =	ssyncset.done $0x0  }
0x151: {  	[sflag:s4] =	ssyncadd.s32 $0xFFFFD8F0  }
.LBB2_11:
0x152: {  	[bflag:$0x0] =	sbarrier.arrive $0xFFFF  }
0x153: {  	v2 =	vld [tilespmem:$0x12D80]  }
0x154: {  	v3 =	vld [tilespmem:$0x12E00];
	[tilespmem:s2], [sflag:$0x3] =	stream.linear.gather [spmem:s26], $0xC40, $0x38  }
0x155: {  	_ =	swait.ge [sflag:s4], $0xC40  }
0x156: {  	[sflag:s4] =	ssyncset.done $0x0  }
0x157: {  	[sflag:s4] =	ssyncadd.s32 $0xFFFFF3C0  }
0x158: {  	[tilespmem:s17], [sflag:$0x3] =	stream.linear.gather [spmem:s24], $0xC40, $0x38;
	[tilespmem:$0x17880] =	vst v63  }
0x159: {  	_ =	swait.ge [sflag:s4], $0xC40  }
0x15a: {  	[sflag:s4] =	ssyncset.done $0x0  }
0x15b: {  	s14 =	simm.s32 $0x0;
	[sflag:s4] =	ssyncadd.s32 $0xFFFFF3C0  }
0x15c: {  	v4 =	vld [tilespmem:s14+$0x12100];
	_ =	sdelay $0x4  }
0x15d: {  	(erf) = vrcp.f32 v4;
	_ =	sdelay $0x4  }
0x15e: {  	v6 =	vld [tilespmem:s14+$0x11480];
	_ =	sdelay $0x2  }
0x15f: {  	s13 =	simm.s32 $0x10  }
0x160: {  	s15 =	simm.s32 $0x80;
	v5 =	vld [tilespmem:s13+$0x12100];
	v7 =	vpop (erf)  }
.LBB2_12:
0x161: {  	p1 =	sne.s32 s15, $0x30C0;
	v6 =	vmul.f32 v7, v6  }
0x162: {  	vm0 =	veq.f32 v4, $0.0e+00  }
0x163: {  	v8 =	vsel vm0, $0x0, v6  }
0x164: {  	v6 =	vxor.u32 $0x80000000, v8  }
0x165: {  	v7 =	vmax.f32 v8, $0.0e+00;
	(erf) = vrcp.f32 v5;
	v6 =	vmax.f32 v6, $0.0e+00;
	v4 =	vmovc v5  }
0x166: {  	v5 =	vmul.f32 v7, v2;
	v6 =	vmul.f32 v6, v3;
	_ =	sdelay $0x1  }
0x167: {  	v5 =	vadd.f32 v6, v5;
	_ =	sdelay $0x1  }
0x168: {  	[tilespmem:s14+$0x11480] =	vst v5;
	s14 =	smov.u32 s13  }
.Ltmp7:
0x169: {  	v6 =	vld [tilespmem:s14+$0x11480];
	(pc) =	sbr.rel @p1 .LBB2_12-.Ltmp7, $3  }
0x16a: {  	_ =	sdelay $0x1  }
0x16b: {  	s13 =	sshra.s32 s15, $0x2;
	v7 =	vpop (erf)  }
0x16c: {  	s15 =	sadd.s32 $0x40, s15;
	v5 =	vld [tilespmem:s13+$0x12100]  }
0x16d: {  	v6 =	vmul.f32 v7, v6  }
0x16e: {  	vm0 =	veq.f32 v4, $0.0e+00  }
0x16f: {  	v4 =	vsel vm0, $0x0, v6  }
0x170: {  	v6 =	vxor.u32 $0x80000000, v4  }
0x171: {  	v4 =	vmax.f32 v4, $0.0e+00;
	(erf) = vrcp.f32 v5;
	v6 =	vmax.f32 v6, $0.0e+00  }
0x172: {  	v4 =	vmul.f32 v4, v2;
	v6 =	vmul.f32 v6, v3;
	_ =	sdelay $0x1  }
0x173: {  	v4 =	vadd.f32 v6, v4;
	_ =	sdelay $0x1  }
0x174: {  	[tilespmem:s14+$0x11480] =	vst v4  }
0x175: {  	v4 =	vld [tilespmem:s13+$0x11480];
	_ =	sdelay $0x3  }
0x176: {  	v62 =	vpop (erf)  }
0x177: {  	v4 =	vmul.f32 v62, v4  }
0x178: {  	vm15 =	veq.f32 v5, $0.0e+00  }
0x179: {  	v4 =	vsel vm15, $0x0, v4  }
0x17a: {  	v63 =	vxor.u32 $0x80000000, v4  }
0x17b: {  	v4 =	vmax.f32 v4, $0.0e+00;
	v5 =	vmax.f32 v63, $0.0e+00  }
0x17c: {  	v2 =	vmul.f32 v4, v2;
	v3 =	vmul.f32 v5, v3;
	_ =	sdelay $0x1  }
0x17d: {  	v2 =	vadd.f32 v3, v2;
	_ =	sdelay $0x1  }
0x17e: {  	[tilespmem:s13+$0x11480] =	vst v2  }
0x17f: {  	[spmem:s29] =	stream.linear.scatter [tilespmem:s2], [sflag:$0x3], $0xC40, $0x38;
	[tilespmem:$0x17880] =	vst v63  }
0x180: {  	_ =	swait.ge [sflag:s4], $0xC40  }
0x181: {  	[sflag:s4] =	ssyncset.done $0x0  }
0x182: {  	s14 =	simm.s32 $0x0;
	s13 =	simm.s32 $0x40;
	[sflag:s4] =	ssyncadd.s32 $0xFFFFF3C0  }
.LBB2_14:
0x183: {  	p1 =	sne.s32 s13, $0x30C0;
	[tilespmem:s14+$0x12100] =	vst v1;
	s14 =	smov.u32 s13;
	s13 =	sadd.s32 $0x40, s13  }
.Ltmp8:
0x184: {  	(pc) =	sbr.rel @p1 .LBB2_14-.Ltmp8, $2  }
0x185: {  	_ =	sdelay $0x2  }
0x186: {  	s14 =	sshra.s32 s14, $0x2  }
0x187: {  	[tilespmem:s14+$0x12100] =	vst v1  }
0x188: {  	[spmem:s28] =	stream.linear.scatter [tilespmem:s17], [sflag:$0x3], $0xC40, $0x38;
	[tilespmem:$0x17880] =	vst v63  }
.Ltmp9:
0x189: {  	_ =	swait.ge [sflag:s4], $0xC40;
	(pc) =	sbr.rel @p0 .LBB2_17-.Ltmp9, $3  }
0x18a: {  	[sflag:s4] =	ssyncset.done $0x0  }
0x18b: {  	[sflag:s4] =	ssyncadd.s32 $0xFFFFF3C0  }
0x18c: {  	[bflag:$0x0] =	sbarrier.arrive $0xFFFF;
	_ =	sdelay $0x1  }
0x18d: {  	s13 =	rddreg [dreg:$0xe]  }
0x18e: {  	[tilespmem:s22], [sflag:$0x3] =	stream.linear.gather [hbm4b:s13+s22], $0x2710, $0x38;
	[tilespmem:$0x17880] =	vst v63  }
0x18f: {  	_ =	swait.ge [sflag:s4], $0x2710  }
0x190: {  	[sflag:s4] =	ssyncset.done $0x0  }
0x191: {  	s14 =	rddreg [dreg:$0xf];
	[sflag:s4] =	ssyncadd.s32 $0xFFFFD8F0  }
0x192: {  	[tilespmem:s0], [sflag:$0x3] =	stream.linear.gather [hbm4b:s14+s22], $0x2710, $0x38;
	[tilespmem:$0x17880] =	vst v63  }
0x193: {  	_ =	swait.ge [sflag:s4], $0x2710  }
0x194: {  	[sflag:s4] =	ssyncset.done $0x0  }
0x195: {  	[sflag:s4] =	ssyncadd.s32 $0xFFFFD8F0  }
0x196: {  	[tilespmem:s23], [sflag:$0x1] =	stream.indirect.gather [spmem:s8], $0x1, s22, s1, $0xb8;
	[tilespmem:$0x17880] =	vst v63  }
0x197: {  	s15 =	rddreg [dreg:$0x10]  }
0x198: {  	[tilespmem:s21], [sflag:$0x3] =	stream.linear.gather [hbm4b:s15+s22], $0x2710, $0x38;
	[tilespmem:$0x17880] =	vst v63  }
0x199: {  	_ =	swait.ge [sflag:s4], $0x2710  }
0x19a: {  	[sflag:s4] =	ssyncset.done $0x0  }
0x19b: {  	s16 =	rddreg [dreg:$0x11];
	[sflag:s4] =	ssyncadd.s32 $0xFFFFD8F0  }
0x19c: {  	[tilespmem:s31], [sflag:$0x3] =	stream.linear.gather [hbm4b:s16+s22], $0x2710, $0x38;
	[tilespmem:$0x17880] =	vst v63  }
0x19d: {  	_ =	swait.ge [sflag:s4], $0x2710  }
0x19e: {  	[sflag:s4] =	ssyncset.done $0x0  }
0x19f: {  	[sflag:s4] =	ssyncadd.s32 $0xFFFFD8F0  }
0x1a0: {  	[tilespmem:s3], [sflag:$0x2] =	stream.indirect.gather [spmem:s8], $0x1, s21, s1, $0xb8;
	[tilespmem:$0x17880] =	vst v63  }
0x1a1: {  	_ =	swait.ge [sflag:s10], $0x2710  }
0x1a2: {  	[sflag:s10] =	ssyncset.done $0x0  }
0x1a3: {  	[sflag:s10] =	ssyncadd.s32 $0xFFFFD8F0  }
0x1a4: {  	[spmem:s7] =	stream.indirect.scatter.add.f32 [tilespmem:s23], [sflag:$0x3], $0x1, s0, s1, $0xb8;
	[tilespmem:$0x17880] =	vst v63  }
0x1a5: {  	_ =	swait.ge [sflag:s4], $0x2710  }
0x1a6: {  	[sflag:s4] =	ssyncset.done $0x0  }
0x1a7: {  	s14 =	rddreg [dreg:$0x12];
	[sflag:s4] =	ssyncadd.s32 $0xFFFFD8F0  }
0x1a8: {  	[tilespmem:s22], [sflag:$0x3] =	stream.linear.gather [hbm4b:s14+s22], $0x2710, $0x38;
	[tilespmem:$0x17880] =	vst v63  }
0x1a9: {  	_ =	swait.ge [sflag:s4], $0x2710  }
0x1aa: {  	[sflag:s4] =	ssyncset.done $0x0  }
0x1ab: {  	s15 =	rddreg [dreg:$0x13];
	[sflag:s4] =	ssyncadd.s32 $0xFFFFD8F0  }
0x1ac: {  	[tilespmem:s0], [sflag:$0x3] =	stream.linear.gather [hbm4b:s15+s22], $0x2710, $0x38;
	[tilespmem:$0x17880] =	vst v63  }
0x1ad: {  	_ =	swait.ge [sflag:s4], $0x2710  }
0x1ae: {  	[sflag:s4] =	ssyncset.done $0x0  }
0x1af: {  	[sflag:s4] =	ssyncadd.s32 $0xFFFFD8F0  }
0x1b0: {  	[tilespmem:s23], [sflag:$0x1] =	stream.indirect.gather [spmem:s8], $0x1, s22, s1, $0xb8;
	[tilespmem:$0x17880] =	vst v63  }
0x1b1: {  	_ =	swait.ge [sflag:s11], $0x2710  }
0x1b2: {  	[sflag:s11] =	ssyncset.done $0x0  }
0x1b3: {  	[sflag:s11] =	ssyncadd.s32 $0xFFFFD8F0  }
0x1b4: {  	[spmem:s7] =	stream.indirect.scatter.add.f32 [tilespmem:s3], [sflag:$0x3], $0x1, s31, s1, $0xb8;
	[tilespmem:$0x17880] =	vst v63  }
0x1b5: {  	_ =	swait.ge [sflag:s4], $0x2710  }
0x1b6: {  	[sflag:s4] =	ssyncset.done $0x0  }
0x1b7: {  	s16 =	rddreg [dreg:$0x14];
	[sflag:s4] =	ssyncadd.s32 $0xFFFFD8F0  }
0x1b8: {  	[tilespmem:s21], [sflag:$0x3] =	stream.linear.gather [hbm4b:s16+s22], $0x2710, $0x38;
	[tilespmem:$0x17880] =	vst v63  }
0x1b9: {  	_ =	swait.ge [sflag:s4], $0x2710  }
0x1ba: {  	[sflag:s4] =	ssyncset.done $0x0  }
0x1bb: {  	[sflag:s4] =	ssyncadd.s32 $0xFFFFD8F0  }
0x1bc: {  	[tilespmem:s31], [sflag:$0x3] =	stream.linear.gather [hbm4b:s18+s22], $0x2710, $0x38;
	[tilespmem:$0x17880] =	vst v63  }
0x1bd: {  	_ =	swait.ge [sflag:s4], $0x2710  }
0x1be: {  	[sflag:s4] =	ssyncset.done $0x0  }
0x1bf: {  	[sflag:s4] =	ssyncadd.s32 $0xFFFFD8F0  }
0x1c0: {  	[tilespmem:s3], [sflag:$0x2] =	stream.indirect.gather [spmem:s8], $0x1, s21, s1, $0xb8;
	[tilespmem:$0x17880] =	vst v63  }
0x1c1: {  	_ =	swait.ge [sflag:s10], $0x2710  }
0x1c2: {  	[sflag:s10] =	ssyncset.done $0x0  }
0x1c3: {  	[sflag:s10] =	ssyncadd.s32 $0xFFFFD8F0  }
0x1c4: {  	[spmem:s7] =	stream.indirect.scatter.add.f32 [tilespmem:s23], [sflag:$0x3], $0x1, s0, s1, $0xb8;
	[tilespmem:$0x17880] =	vst v63  }
0x1c5: {  	_ =	swait.ge [sflag:s4], $0x2710  }
0x1c6: {  	[sflag:s4] =	ssyncset.done $0x0  }
0x1c7: {  	[sflag:s4] =	ssyncadd.s32 $0xFFFFD8F0  }
0x1c8: {  	[tilespmem:s22], [sflag:$0x3] =	stream.linear.gather [hbm4b:s19+s22], $0x2710, $0x38;
	[tilespmem:$0x17880] =	vst v63  }
0x1c9: {  	_ =	swait.ge [sflag:s4], $0x2710  }
0x1ca: {  	[sflag:s4] =	ssyncset.done $0x0  }
0x1cb: {  	[sflag:s4] =	ssyncadd.s32 $0xFFFFD8F0  }
0x1cc: {  	[tilespmem:s0], [sflag:$0x3] =	stream.linear.gather [hbm4b:s20+s22], $0x2710, $0x38;
	[tilespmem:$0x17880] =	vst v63  }
0x1cd: {  	_ =	swait.ge [sflag:s4], $0x2710  }
0x1ce: {  	[sflag:s4] =	ssyncset.done $0x0  }
0x1cf: {  	[sflag:s4] =	ssyncadd.s32 $0xFFFFD8F0  }
0x1d0: {  	[tilespmem:s23], [sflag:$0x1] =	stream.indirect.gather [spmem:s8], $0x1, s22, s1, $0xb8;
	[tilespmem:$0x17880] =	vst v63  }
0x1d1: {  	_ =	swait.ge [sflag:s11], $0x2710  }
0x1d2: {  	[sflag:s11] =	ssyncset.done $0x0  }
0x1d3: {  	[sflag:s11] =	ssyncadd.s32 $0xFFFFD8F0  }
0x1d4: {  	[spmem:s7] =	stream.indirect.scatter.add.f32 [tilespmem:s3], [sflag:$0x3], $0x1, s31, s1, $0xb8;
	[tilespmem:$0x17880] =	vst v63  }
0x1d5: {  	_ =	swait.ge [sflag:s4], $0x2710  }
0x1d6: {  	[sflag:s4] =	ssyncset.done $0x0  }
0x1d7: {  	[sflag:s4] =	ssyncadd.s32 $0xFFFFD8F0  }
0x1d8: {  	_ =	swait.ge [sflag:s10], $0x2710  }
0x1d9: {  	[sflag:s10] =	ssyncset.done $0x0  }
0x1da: {  	[sflag:s10] =	ssyncadd.s32 $0xFFFFD8F0  }
0x1db: {  	[spmem:s7] =	stream.indirect.scatter.add.f32 [tilespmem:s23], [sflag:$0x3], $0x1, s0, s1, $0xb8;
	[tilespmem:$0x17880] =	vst v63  }
0x1dc: {  	_ =	swait.ge [sflag:s4], $0x2710  }
0x1dd: {  	[sflag:s4] =	ssyncset.done $0x0  }
0x1de: {  	[sflag:s4] =	ssyncadd.s32 $0xFFFFD8F0  }
.LBB2_17:
0x1df: {  	[bflag:$0x0] =	sbarrier.arrive $0xFFFF  }
0x1e0: {  	[tilespmem:s2], [sflag:$0x3] =	stream.linear.gather [spmem:s28], $0xC40, $0x38;
	[tilespmem:$0x17880] =	vst v63  }
0x1e1: {  	_ =	swait.ge [sflag:s4], $0xC40  }
0x1e2: {  	[sflag:s4] =	ssyncset.done $0x0  }
0x1e3: {  	[sflag:s4] =	ssyncadd.s32 $0xFFFFF3C0  }
0x1e4: {  	[tilespmem:s17], [sflag:$0x3] =	stream.linear.gather [spmem:s25], $0xC40, $0x38;
	[tilespmem:$0x17880] =	vst v63  }
0x1e5: {  	_ =	swait.ge [sflag:s4], $0xC40  }
0x1e6: {  	[sflag:s4] =	ssyncset.done $0x0  }
0x1e7: {  	s14 =	simm.s32 $0x0;
	[sflag:s4] =	ssyncadd.s32 $0xFFFFF3C0  }
0x1e8: {  	v3 =	vld [tilespmem:s14+$0x12100];
	_ =	sdelay $0x4  }
0x1e9: {  	(erf) = vrcp.f32 v3;
	_ =	sdelay $0x2  }
0x1ea: {  	s13 =	simm.s32 $0x10  }
0x1eb: {  	v2 =	vld [tilespmem:s13+$0x12100]  }
0x1ec: {  	v4 =	vld [tilespmem:s14+$0x11480];
	_ =	sdelay $0x3  }
0x1ed: {  	v5 =	vpop (erf);
	(erf) = vrcp.f32 v2  }
0x1ee: {  	v4 =	vmul.f32 v5, v4  }
0x1ef: {  	vm0 =	veq.f32 v3, $0.0e+00  }
0x1f0: {  	s15 =	simm.s32 $0x20;
	s16 =	simm.s32 $0xC0;
	v3 =	vsel vm0, $0x0, v4  }
.LBB2_18:
0x1f1: {  	p1 =	sne.s32 s16, $0x30C0;
	v4 =	vld [tilespmem:s15+$0x12100];
	[tilespmem:s14+$0x11480] =	vst v3;
	s14 =	smov.u32 s13;
	s13 =	smov.u32 s15  }
0x1f2: {  	v3 =	vld [tilespmem:s14+$0x11480];
	_ =	sdelay $0x2  }
.Ltmp10:
0x1f3: {  	(pc) =	sbr.rel @p1 .LBB2_18-.Ltmp10, $4  }
0x1f4: {  	(erf) = vrcp.f32 v4;
	v5 =	vpop (erf)  }
0x1f5: {  	v3 =	vmul.f32 v5, v3  }
0x1f6: {  	vm0 =	veq.f32 v2, $0.0e+00;
	v2 =	vmov v4  }
0x1f7: {  	s15 =	sshra.s32 s16, $0x2;
	s16 =	sadd.s32 $0x40, s16;
	v3 =	vsel vm0, $0x0, v3  }
0x1f8: {  	v4 =	vld [tilespmem:s15+$0x12100];
	[tilespmem:s14+$0x11480] =	vst v3  }
0x1f9: {  	v3 =	vld [tilespmem:s13+$0x11480];
	_ =	sdelay $0x3  }
0x1fa: {  	(erf) = vrcp.f32 v4;
	v5 =	vpop (erf)  }
0x1fb: {  	v3 =	vmul.f32 v5, v3  }
0x1fc: {  	vm0 =	veq.f32 v2, $0.0e+00  }
0x1fd: {  	v2 =	vsel vm0, $0x0, v3  }
0x1fe: {  	[tilespmem:s13+$0x11480] =	vst v2  }
0x1ff: {  	v2 =	vld [tilespmem:s15+$0x11480];
	_ =	sdelay $0x3  }
0x200: {  	v3 =	vpop (erf)  }
0x201: {  	v2 =	vmul.f32 v3, v2  }
0x202: {  	vm15 =	veq.f32 v4, $0.0e+00  }
0x203: {  	v2 =	vsel vm15, $0x0, v2  }
0x204: {  	[tilespmem:s15+$0x11480] =	vst v2  }
0x205: {  	[spmem:s30] =	stream.linear.scatter [tilespmem:s2], [sflag:$0x3], $0xC40, $0x38;
	[tilespmem:$0x17880] =	vst v63  }
0x206: {  	_ =	swait.ge [sflag:s4], $0xC40  }
0x207: {  	[sflag:s4] =	ssyncset.done $0x0  }
0x208: {  	s14 =	simm.s32 $0x0;
	s13 =	simm.s32 $0x40;
	[sflag:s4] =	ssyncadd.s32 $0xFFFFF3C0  }
.LBB2_20:
0x209: {  	p1 =	sne.s32 s13, $0x30C0;
	[tilespmem:s14+$0x12100] =	vst v1;
	s14 =	smov.u32 s13;
	s13 =	sadd.s32 $0x40, s13  }
.Ltmp11:
0x20a: {  	(pc) =	sbr.rel @p1 .LBB2_20-.Ltmp11, $2  }
0x20b: {  	_ =	sdelay $0x2  }
0x20c: {  	s14 =	sshra.s32 s14, $0x2  }
0x20d: {  	[tilespmem:s14+$0x12100] =	vst v1  }
0x20e: {  	[spmem:s26] =	stream.linear.scatter [tilespmem:s17], [sflag:$0x3], $0xC40, $0x38;
	[tilespmem:$0x17880] =	vst v63  }
.Ltmp12:
0x20f: {  	_ =	swait.ge [sflag:s4], $0xC40;
	(pc) =	sbr.rel @p0 .LBB2_25-.Ltmp12, $3  }
0x210: {  	[sflag:s4] =	ssyncset.done $0x0  }
0x211: {  	[sflag:s4] =	ssyncadd.s32 $0xFFFFF3C0  }
0x212: {  	[bflag:$0x0] =	sbarrier.arrive $0xFFFF;
	_ =	sdelay $0x1  }
0x213: {  	s13 =	simm.s32 $0x0;
	s14 =	rddreg [dreg:$0xf]  }
0x214: {  	[tilespmem:s13], [sflag:$0x3] =	stream.linear.gather [hbm4b:s14+s13], $0x2710, $0x38;
	[tilespmem:$0x17880] =	vst v63  }
0x215: {  	_ =	swait.ge [sflag:s4], $0x2710  }
0x216: {  	[sflag:s4] =	ssyncset.done $0x0  }
0x217: {  	s15 =	rddreg [dreg:$0xe];
	[sflag:s4] =	ssyncadd.s32 $0xFFFFD8F0  }
0x218: {  	[tilespmem:s0], [sflag:$0x3] =	stream.linear.gather [hbm4b:s15+s13], $0x2710, $0x38;
	[tilespmem:$0x17880] =	vst v63  }
0x219: {  	_ =	swait.ge [sflag:s4], $0x2710  }
0x21a: {  	[sflag:s4] =	ssyncset.done $0x0  }
0x21b: {  	[sflag:s4] =	ssyncadd.s32 $0xFFFFD8F0  }
0x21c: {  	[tilespmem:s23], [sflag:$0x1] =	stream.indirect.gather [spmem:s9], $0x1, s13, s1, $0xb8;
	[tilespmem:$0x17880] =	vst v63  }
0x21d: {  	s16 =	rddreg [dreg:$0x11]  }
0x21e: {  	[tilespmem:s21], [sflag:$0x3] =	stream.linear.gather [hbm4b:s16+s13], $0x2710, $0x38;
	[tilespmem:$0x17880] =	vst v63  }
0x21f: {  	_ =	swait.ge [sflag:s4], $0x2710  }
0x220: {  	[sflag:s4] =	ssyncset.done $0x0  }
0x221: {  	s15 =	rddreg [dreg:$0x10];
	[sflag:s4] =	ssyncadd.s32 $0xFFFFD8F0  }
0x222: {  	[tilespmem:s31], [sflag:$0x3] =	stream.linear.gather [hbm4b:s15+s13], $0x2710, $0x38;
	[tilespmem:$0x17880] =	vst v63  }
0x223: {  	_ =	swait.ge [sflag:s4], $0x2710  }
0x224: {  	[sflag:s4] =	ssyncset.done $0x0  }
0x225: {  	[sflag:s4] =	ssyncadd.s32 $0xFFFFD8F0  }
0x226: {  	[tilespmem:s3], [sflag:$0x2] =	stream.indirect.gather [spmem:s9], $0x1, s21, s1, $0xb8;
	[tilespmem:$0x17880] =	vst v63  }
0x227: {  	_ =	swait.ge [sflag:s10], $0x2710  }
0x228: {  	[sflag:s10] =	ssyncset.done $0x0  }
0x229: {  	[sflag:s10] =	ssyncadd.s32 $0xFFFFD8F0  }
0x22a: {  	[spmem:s6] =	stream.indirect.scatter.add.f32 [tilespmem:s23], [sflag:$0x3], $0x1, s0, s1, $0xb8;
	[tilespmem:$0x17880] =	vst v63  }
0x22b: {  	_ =	swait.ge [sflag:s4], $0x2710  }
0x22c: {  	[sflag:s4] =	ssyncset.done $0x0  }
0x22d: {  	s16 =	rddreg [dreg:$0x13];
	[sflag:s4] =	ssyncadd.s32 $0xFFFFD8F0  }
0x22e: {  	[tilespmem:s13], [sflag:$0x3] =	stream.linear.gather [hbm4b:s16+s13], $0x2710, $0x38;
	[tilespmem:$0x17880] =	vst v63  }
0x22f: {  	_ =	swait.ge [sflag:s4], $0x2710  }
0x230: {  	[sflag:s4] =	ssyncset.done $0x0  }
0x231: {  	s15 =	rddreg [dreg:$0x12];
	[sflag:s4] =	ssyncadd.s32 $0xFFFFD8F0  }
0x232: {  	[tilespmem:s0], [sflag:$0x3] =	stream.linear.gather [hbm4b:s15+s13], $0x2710, $0x38;
	[tilespmem:$0x17880] =	vst v63  }
0x233: {  	_ =	swait.ge [sflag:s4], $0x2710  }
0x234: {  	[sflag:s4] =	ssyncset.done $0x0  }
0x235: {  	[sflag:s4] =	ssyncadd.s32 $0xFFFFD8F0  }
0x236: {  	[tilespmem:s23], [sflag:$0x1] =	stream.indirect.gather [spmem:s9], $0x1, s13, s1, $0xb8;
	[tilespmem:$0x17880] =	vst v63  }
0x237: {  	_ =	swait.ge [sflag:s11], $0x2710  }
0x238: {  	[sflag:s11] =	ssyncset.done $0x0  }
0x239: {  	[sflag:s11] =	ssyncadd.s32 $0xFFFFD8F0  }
0x23a: {  	[spmem:s6] =	stream.indirect.scatter.add.f32 [tilespmem:s3], [sflag:$0x3], $0x1, s31, s1, $0xb8;
	[tilespmem:$0x17880] =	vst v63  }
0x23b: {  	_ =	swait.ge [sflag:s4], $0x2710  }
0x23c: {  	[sflag:s4] =	ssyncset.done $0x0  }
0x23d: {  	[sflag:s4] =	ssyncadd.s32 $0xFFFFD8F0  }
0x23e: {  	[tilespmem:s21], [sflag:$0x3] =	stream.linear.gather [hbm4b:s18+s13], $0x2710, $0x38;
	[tilespmem:$0x17880] =	vst v63  }
0x23f: {  	_ =	swait.ge [sflag:s4], $0x2710  }
0x240: {  	[sflag:s4] =	ssyncset.done $0x0  }
0x241: {  	s16 =	rddreg [dreg:$0x14];
	[sflag:s4] =	ssyncadd.s32 $0xFFFFD8F0  }
0x242: {  	[tilespmem:s31], [sflag:$0x3] =	stream.linear.gather [hbm4b:s16+s13], $0x2710, $0x38;
	[tilespmem:$0x17880] =	vst v63  }
0x243: {  	_ =	swait.ge [sflag:s4], $0x2710  }
0x244: {  	[sflag:s4] =	ssyncset.done $0x0  }
0x245: {  	[sflag:s4] =	ssyncadd.s32 $0xFFFFD8F0  }
0x246: {  	[tilespmem:s3], [sflag:$0x2] =	stream.indirect.gather [spmem:s9], $0x1, s21, s1, $0xb8;
	[tilespmem:$0x17880] =	vst v63  }
0x247: {  	_ =	swait.ge [sflag:s10], $0x2710  }
0x248: {  	[sflag:s10] =	ssyncset.done $0x0  }
0x249: {  	[sflag:s10] =	ssyncadd.s32 $0xFFFFD8F0  }
0x24a: {  	[spmem:s6] =	stream.indirect.scatter.add.f32 [tilespmem:s23], [sflag:$0x3], $0x1, s0, s1, $0xb8;
	[tilespmem:$0x17880] =	vst v63  }
0x24b: {  	_ =	swait.ge [sflag:s4], $0x2710  }
0x24c: {  	[sflag:s4] =	ssyncset.done $0x0  }
0x24d: {  	[sflag:s4] =	ssyncadd.s32 $0xFFFFD8F0  }
0x24e: {  	[tilespmem:s13], [sflag:$0x3] =	stream.linear.gather [hbm4b:s20+s13], $0x2710, $0x38;
	[tilespmem:$0x17880] =	vst v63  }
0x24f: {  	_ =	swait.ge [sflag:s4], $0x2710  }
0x250: {  	[sflag:s4] =	ssyncset.done $0x0  }
0x251: {  	[sflag:s4] =	ssyncadd.s32 $0xFFFFD8F0  }
0x252: {  	[tilespmem:s0], [sflag:$0x3] =	stream.linear.gather [hbm4b:s19+s13], $0x2710, $0x38;
	[tilespmem:$0x17880] =	vst v63  }
0x253: {  	_ =	swait.ge [sflag:s4], $0x2710  }
0x254: {  	[sflag:s4] =	ssyncset.done $0x0  }
0x255: {  	[sflag:s4] =	ssyncadd.s32 $0xFFFFD8F0  }
0x256: {  	[tilespmem:s23], [sflag:$0x1] =	stream.indirect.gather [spmem:s9], $0x1, s13, s1, $0xb8;
	[tilespmem:$0x17880] =	vst v63  }
0x257: {  	_ =	swait.ge [sflag:s11], $0x2710  }
0x258: {  	[sflag:s11] =	ssyncset.done $0x0  }
0x259: {  	[sflag:s11] =	ssyncadd.s32 $0xFFFFD8F0  }
0x25a: {  	[spmem:s6] =	stream.indirect.scatter.add.f32 [tilespmem:s3], [sflag:$0x3], $0x1, s31, s1, $0xb8;
	[tilespmem:$0x17880] =	vst v63  }
0x25b: {  	_ =	swait.ge [sflag:s4], $0x2710  }
0x25c: {  	[sflag:s4] =	ssyncset.done $0x0  }
0x25d: {  	[sflag:s4] =	ssyncadd.s32 $0xFFFFD8F0  }
0x25e: {  	_ =	swait.ge [sflag:s10], $0x2710  }
0x25f: {  	[sflag:s10] =	ssyncset.done $0x0  }
0x260: {  	[sflag:s10] =	ssyncadd.s32 $0xFFFFD8F0  }
0x261: {  	[spmem:s6] =	stream.indirect.scatter.add.f32 [tilespmem:s23], [sflag:$0x3], $0x1, s0, s1, $0xb8;
	[tilespmem:$0x17880] =	vst v63  }
0x262: {  	_ =	swait.ge [sflag:s4], $0x2710  }
0x263: {  	[sflag:s4] =	ssyncset.done $0x0  }
0x264: {  	[sflag:s4] =	ssyncadd.s32 $0xFFFFD8F0  }
0x265: {  	[bflag:$0x0] =	sbarrier.arrive $0xFFFF  }
0x266: {  	[tilespmem:s2], [sflag:$0x3] =	stream.linear.gather [spmem:s26], $0xC40, $0x38;
	[tilespmem:$0x17880] =	vst v63  }
0x267: {  	_ =	swait.ge [sflag:s4], $0xC40  }
0x268: {  	[sflag:s4] =	ssyncset.done $0x0  }
0x269: {  	[sflag:s4] =	ssyncadd.s32 $0xFFFFF3C0  }
0x26a: {  	[tilespmem:s17], [sflag:$0x3] =	stream.linear.gather [spmem:s24], $0xC40, $0x38;
	[tilespmem:$0x17880] =	vst v63  }
0x26b: {  	_ =	swait.ge [sflag:s4], $0xC40  }
0x26c: {  	[sflag:s4] =	ssyncset.done $0x0  }
0x26d: {  	s14 =	simm.s32 $0x0;
	[sflag:s4] =	ssyncadd.s32 $0xFFFFF3C0  }
0x26e: {  	v3 =	vld [tilespmem:s14+$0x12100];
	_ =	sdelay $0x4  }
0x26f: {  	(erf) = vrcp.f32 v3;
	_ =	sdelay $0x3  }
0x270: {  	v2 =	vld [tilespmem:$0x12E80]  }
0x271: {  	s15 =	simm.s32 $0x80;
	s13 =	simm.s32 $0x10;
	v4 =	vld [tilespmem:s14+$0x11480]  }
.LBB2_23:
0x272: {  	p1 =	sne.s32 s15, $0x30C0;
	v5 =	vld [tilespmem:s13+$0x12100];
	_ =	sdelay $0x2  }
0x273: {  	v6 =	vpop (erf)  }
0x274: {  	v4 =	vmul.f32 v6, v4  }
0x275: {  	vm0 =	veq.f32 v3, $0.0e+00;
	(erf) = vrcp.f32 v5;
	v3 =	vmov v5  }
.Ltmp13:
0x276: {  	v4 =	vsel vm0, $0x0, v4;
	(pc) =	sbr.rel @p1 .LBB2_23-.Ltmp13, $3  }
0x277: {  	v4 =	vadd.f32 v4, v2;
	_ =	sdelay $0x1  }
0x278: {  	[tilespmem:s14+$0x11480] =	vst v4;
	s14 =	smov.u32 s13  }
0x279: {  	s13 =	sshra.s32 s15, $0x2;
	s15 =	sadd.s32 $0x40, s15;
	v4 =	vld [tilespmem:s14+$0x11480]  }
0x27a: {  	v5 =	vld [tilespmem:s13+$0x12100];
	_ =	sdelay $0x2  }
0x27b: {  	v6 =	vpop (erf)  }
0x27c: {  	v4 =	vmul.f32 v6, v4  }
0x27d: {  	vm0 =	veq.f32 v3, $0.0e+00;
	(erf) = vrcp.f32 v5  }
0x27e: {  	v3 =	vsel vm0, $0x0, v4  }
0x27f: {  	v3 =	vadd.f32 v3, v2;
	_ =	sdelay $0x1  }
0x280: {  	[tilespmem:s14+$0x11480] =	vst v3  }
0x281: {  	v3 =	vld [tilespmem:s13+$0x11480];
	_ =	sdelay $0x3  }
0x282: {  	v63 =	vpop (erf)  }
0x283: {  	v3 =	vmul.f32 v63, v3  }
0x284: {  	vm15 =	veq.f32 v5, $0.0e+00  }
0x285: {  	v3 =	vsel vm15, $0x0, v3  }
0x286: {  	v2 =	vadd.f32 v3, v2;
	_ =	sdelay $0x1  }
.Ltmp14:
0x287: {  	s16 =	rddreg [dreg:$0x16];
	[tilespmem:s13+$0x11480] =	vst v2;
	(pc) =	sbr.rel .LBB2_26-.Ltmp14, $4  }
0x288: {  	[hbm4b:s16+s22] =	stream.linear.scatter [tilespmem:s2], [sflag:$0x3], $0xC40, $0x38;
	[tilespmem:$0x17880] =	vst v63  }
0x289: {  	_ =	swait.ge [sflag:s4], $0xC40  }
0x28a: {  	[sflag:s4] =	ssyncset.done $0x0  }
0x28b: {  	[sflag:s4] =	ssyncadd.s32 $0xFFFFF3C0  }
.LBB2_27:
0x28c: {  	_ =	sfence.sel $0x180000  }
0x28d: {  	[bflag:$0x0] =	sbarrier.arrive $0xFFFF  }
0x28e: {  	_ =	strace $0x90000047  }
0x28f: {  	s0 =	stileid.u32;
	[bflag:$0x2] =	sbarrier.arrive $0xFFFF  }
0x290: {  	p0 =	sne.s32 s0, $0x0;
	s0 =	rddreg [dreg:$0xd]  }
0x291: {  	s0 =	sadd.s32 @!p0 $0x100000, s0  }
0x292: {  	[sflag:s0] =	ssyncadd.tile.s32 @!p0 $0x1;
	_ =	shalt  }
.Lfunc_end2:
_tile_overlayer_lowered:
.L_overlay_start_2:
0x293: {  	(tag) =	ssettag $0x2  }
0x294: {  	s0 =	rddreg [dreg:$0x0];
	s2 =	stileid.u32  }
0x295: {  	s1 =	rddreg [dreg:$0x1];
	p0 =	sne.s32 s2, $0x0  }
0x296: {  	s3 =	rddreg [dreg:$0x2];
	[bflag:$0x3] =	sbarrier.arrive $0xFFFF;
	s2 =	simm.s32 @!p0 $0x1C03  }
0x297: {  	[timem:s3], [sflag:s2] =	dma.local @!p0 [hbm:s0], s1  }
0x298: {  	s0 =	simm.s32 @!p0 $0x3  }
0x299: {  	_ =	swait.ge @!p0 [sflag:s0], s1  }
0x29a: {  	s1 =	ssub.s32 @!p0 $0x0, s1;
	[sflag:s0] =	ssyncset.done @!p0 $0x0  }
0x29b: {  	[sflag:s0] =	ssyncadd.s32 @!p0 s1  }
0x29c: {  	[bflag:$0x3] =	sbarrier.arrive $0xFFFF  }
0x29d: {  	_ =	shalt  }

</sc_bundles>
